<compile_context>
chip_gen: v7x
topology: tpu7x:2x2x1
jax: 0.10.2.dev20260603
libtpu: 0.0.44.dev20260713+nightly
codegen_flags: <defaults>
</compile_context>

<pallas_src>
import jax
import jax.numpy as jnp
from jax import lax
from jax.experimental import pallas as pl
from jax.experimental.pallas import tpu as pltpu
from jax.experimental.pallas import tpu_sc as plsc

N = 50000
KNB = 8
NC = 2
NS = 16
NW = NC * NS
NPLANE = 6
NSUB = 5
SUB = N // NSUB
CH = 2000
NCHUNK = SUB // CH
CH32 = (CH // 32) * 32


def _diff_body(ci, cp, fi, fp, o_ref):
    for c in range(3):
        o_ref[pl.ds(c * N, N)] = ci[c, :] - cp[c, :]
        o_ref[pl.ds((3 + c) * N, N)] = fi[c, :] - fp[c, :]


def _fire_idx_chunk(idxF, ibuf, g, nstart, sem):
    return [
        pltpu.async_copy(
            idxF.at[pl.ds((k * 2 + g) * N + nstart, CH)],
            ibuf.at[pl.ds(slot * CH, CH)], sem)
        for slot, k in enumerate(list(range(KNB)) + [KNB + 1])
    ]


def _sc_body(d_flat, idxF, out_hbm, table, ibuf0, ibuf1, outv, semt, semi):
    ibufs = (ibuf0, ibuf1)
    wid = lax.axis_index("c") * NS + lax.axis_index("s")
    outv[...] = jnp.zeros((16,), jnp.float32)

    @pl.when(wid < NPLANE * NSUB)
    def _():
        p = wid % NPLANE
        sub = wid // NPLANE
        g = p // 3
        nbase = sub * SUB

        tcopy = pltpu.async_copy(d_flat.at[pl.ds(p * N, N)], table, semt)
        pend = _fire_idx_chunk(idxF, ibufs[0], g, nbase, semi)
        tcopy.wait()
        lossvec = jnp.zeros((16,), jnp.float32)
        for j in range(NCHUNK):
            nxt = None
            if j + 1 < NCHUNK:
                nxt = _fire_idx_chunk(
                    idxF, ibufs[(j + 1) % 2], g, nbase + (j + 1) * CH, semi)
            for h in pend:
                h.wait()
            ibuf = ibufs[j % 2]

            def sub16(o, lv, ibuf=ibuf, j=j):
                deg = ibuf[pl.ds(KNB * CH + o, 16)]
                inv = 1.0 / deg.astype(jnp.float32)
                acc = jnp.zeros((16,), jnp.float32)
                for k in range(KNB):
                    nb = ibuf[pl.ds(k * CH + o, 16)]
                    acc = acc + plsc.load_gather(table, [nb])
                own = table[pl.ds(nbase + j * CH + o, 16)]
                r = own - acc * inv
                return lv + r * r

            def body32(o, lv, sub16=sub16):
                return sub16(o + 16, sub16(o, lv))

            lossvec = plsc.parallel_loop(0, CH32, 32, carry=lossvec)(body32)
            for o in range(CH32, CH, 16):
                lossvec = sub16(o, lossvec)
            pend = nxt
        outv[...] = lossvec

    pltpu.sync_copy(outv, out_hbm.at[pl.ds(wid * 16, 16)])


def kernel(coarse_input, coarse_pred, fine_input, fine_pred, laplace_idx_list):
    d_flat = pl.pallas_call(
        _diff_body,
        out_shape=jax.ShapeDtypeStruct((NPLANE * N,), jnp.float32),
    )(coarse_input.T, coarse_pred.T, fine_input.T, fine_pred.T)

    idxF = jnp.transpose(laplace_idx_list, (2, 0, 1)).reshape(-1)

    mesh = plsc.VectorSubcoreMesh(core_axis_name="c", subcore_axis_name="s")
    part = pl.kernel(
        _sc_body,
        mesh=mesh,
        compiler_params=pltpu.CompilerParams(needs_layout_passes=False),
        out_type=jax.ShapeDtypeStruct((NW * 16,), jnp.float32),
        scratch_types=[
            pltpu.VMEM((N,), jnp.float32),
            pltpu.VMEM(((KNB + 1) * CH,), jnp.int32),
            pltpu.VMEM(((KNB + 1) * CH,), jnp.int32),
            pltpu.VMEM((16,), jnp.float32),
            pltpu.SemaphoreType.DMA,
            pltpu.SemaphoreType.DMA,
        ],
    )(d_flat, idxF)
    return jnp.sum(part) * jnp.float32(0.5 / N)

# --- scband reference (transcript-rebuilt; emitter-appended) ---
"""Pipeline reference for scband-laploss-14027363188886 (READ-ONLY COPY).

The authoritative reference and input builder live on the scoring server;
editing this copy changes nothing except your own understanding.
"""

import jax, jax.numpy as jnp
import numpy as np

N = 50000
K = 8  # lap_idx width = K + 2 (8 neighbors, node-id column, degree column)


def setup_inputs(seed: int = 0) -> dict:
    key = jax.random.key(seed)
    k1, k2, k3, k4, k5 = jax.random.split(key, 5)
    coarse_input = jax.random.normal(k1, (N, 3), dtype=jnp.float32)
    coarse_pred = jax.random.normal(k2, (N, 3), dtype=jnp.float32)
    fine_input = jax.random.normal(k3, (N, 3), dtype=jnp.float32)
    fine_pred = jax.random.normal(k4, (N, 3), dtype=jnp.float32)
    # indices in [1, N) so the last column (neighbor count) is never zero
    laplace_idx_list = jax.random.randint(k5, (2, N, K + 2), 1, N, dtype=jnp.int32)
    return {
        "coarse_input": coarse_input,
        "coarse_pred": coarse_pred,
        "fine_input": fine_input,
        "fine_pred": fine_pred,
        "laplace_idx_list": laplace_idx_list,
    }


def _laplace_coord(inputs, lap_idx):
    # inputs: (3, N), lap_idx: (N, K+2)
    indices = lap_idx[:, :-2]                      # (N, K)
    invalid_mask = indices < 0
    safe_indices = jnp.where(invalid_mask, 0, indices)
    vertices = inputs[:, safe_indices]             # gather -> (3, N, K)
    mask = jnp.where(invalid_mask, 0.0, 1.0).astype(inputs.dtype)[None, :, :]
    vertices = vertices * mask
    neighbor_sum = jnp.sum(vertices, axis=2)       # (3, N)
    neighbor_count = lap_idx[:, -1].astype(inputs.dtype)  # (N,)
    laplace = inputs - neighbor_sum / neighbor_count[None, :]
    return laplace


def _laplace_regularization(input1, input2, laplace_idx):
    lap1 = _laplace_coord(input1, laplace_idx).T   # (N, 3)
    lap2 = _laplace_coord(input2, laplace_idx).T   # (N, 3)
    return jnp.mean(jnp.sum(jnp.square(lap1 - lap2), axis=-1))


def reference(coarse_input, coarse_pred, fine_input, fine_pred, laplace_idx_list):
    lap_const = [0.5, 0.5]
    before_coord = [coarse_input.T, fine_input.T]
    after_coord = [coarse_pred.T, fine_pred.T]
    lap_loss = jnp.float32(0.0)
    for i in range(2):
        lap = _laplace_regularization(before_coord[i], after_coord[i], laplace_idx_list[i])
        lap_loss = lap_loss + lap_const[i] * lap
    return lap_loss

if __name__ == "__main__":
    import jax
    _d = setup_inputs()
    print(jax.jit(kernel)(*tuple(_d.values())))

</pallas_src>

<mosaic_0001>
#map = affine_map<(d0, d1) -> (0)>
module attributes {stable_mosaic.version = 14 : i64} {
  func.func @_sc_body(%arg0: i32, %arg1: i32, %arg2: memref<300000xf32, #tpu.memory_space<hbm>>, %arg3: memref<1000000xi32, #tpu.memory_space<hbm>>, %arg4: memref<512xf32, #tpu.memory_space<hbm>>, %arg5: memref<50000xf32, #tpu.memory_space<vmem>>, %arg6: memref<18000xi32, #tpu.memory_space<vmem>>, %arg7: memref<18000xi32, #tpu.memory_space<vmem>>, %arg8: memref<16xf32, #tpu.memory_space<vmem>>, %arg9: memref<!tpu.dma_semaphore, #tpu.memory_space<semaphore_mem>>, %arg10: memref<!tpu.dma_semaphore, #tpu.memory_space<semaphore_mem>>) attributes {dimension_semantics = [#tpu.dimension_semantics<core_parallel>, #tpu.dimension_semantics<subcore_parallel>], iteration_bounds = array<i64: 2, 16>, scalar_prefetch = 0 : i64, scratch_operands = 6 : i64, tpu.core_type = #tpu.core_type<sc_vector_subcore>, window_params = [{transform_indices = #map}, {transform_indices = #map}, {transform_indices = #map}]} {
    %mul3A = arith.constant 16 : i32
    %mul3A_0 = arith.muli %arg0, %mul3A : i32
    %add3A = arith.addi %mul3A_0, %arg1 : i32
    %broadcast_in_dim3A = arith.constant 0.000000e+00 : f32
    %broadcast_in_dim3A_1 = vector.broadcast %broadcast_in_dim3A : f32 to vector<16xf32>
    %swap3A = arith.constant 0 : index
    %swap3A_2 = tpu.vector_load %arg8[%swap3A] {strides = array<i32>} : memref<16xf32, #tpu.memory_space<vmem>>, vector<16xf32>,
    tpu.vector_store %arg8[%swap3A], %broadcast_in_dim3A_1 {strides = array<i32>} : memref<16xf32, #tpu.memory_space<vmem>>, vector<16xf32>,
    %lt3A = arith.constant 30 : i32
    %lt3A_3 = arith.cmpi slt, %add3A, %lt3A : i32
    %convert_element_type3A = arith.extui %lt3A_3 : i1 to i32
    %cond3A = arith.constant 0 : i32
    %cond3A_4 = arith.cmpi ne, %convert_element_type3A, %cond3A : i32
    scf.if %cond3A_4 {
      %jit3A = arith.constant 6 : i32
      %eq3A = arith.constant 0 : i32
      %eq3A_7 = arith.cmpi eq, %jit3A, %eq3A : i32
      %jit3A_8 = arith.constant 1 : i32
      %select_n3A = arith.select %eq3A_7, %jit3A_8, %jit3A : i32
      %rem3A = arith.remsi %add3A, %select_n3A : i32
      %ne3A = arith.constant 0 : i32
      %ne3A_9 = arith.cmpi ne, %rem3A, %ne3A : i32
      %lt3A_10 = arith.constant 0 : i32
      %lt3A_11 = arith.cmpi slt, %rem3A, %lt3A_10 : i32
      %lt3A_12 = arith.constant 0 : i32
      %lt3A_13 = arith.cmpi slt, %select_n3A, %lt3A_12 : i32
      %ne3A_14 = arith.xori %lt3A_11, %lt3A_13 : i1
      %and3A = arith.andi %ne3A_14, %ne3A_9 : i1
      %add3A_15 = arith.addi %rem3A, %select_n3A : i32
      %select_n3A_16 = arith.select %and3A, %add3A_15, %rem3A : i32
      %jit3A_17 = arith.constant 6 : i32
      %div3A = arith.divsi %add3A, %jit3A_17 : i32
      %sign3A = arith.constant 0 : i32
      %sign3A_18 = arith.cmpi sgt, %add3A, %sign3A : i32
      %sign3A_19 = arith.extui %sign3A_18 : i1 to i32
      %sign3A_20 = arith.constant 0 : i32
      %sign3A_21 = arith.cmpi slt, %add3A, %sign3A_20 : i32
      %sign3A_22 = arith.extui %sign3A_21 : i1 to i32
      %sign3A_23 = arith.subi %sign3A_19, %sign3A_22 : i32
      %sign3A_24 = arith.constant 0 : i32
      %sign3A_25 = arith.cmpi sgt, %jit3A_17, %sign3A_24 : i32
      %sign3A_26 = arith.extui %sign3A_25 : i1 to i32
      %sign3A_27 = arith.constant 0 : i32
      %sign3A_28 = arith.cmpi slt, %jit3A_17, %sign3A_27 : i32
      %sign3A_29 = arith.extui %sign3A_28 : i1 to i32
      %sign3A_30 = arith.subi %sign3A_26, %sign3A_29 : i32
      %ne3A_31 = arith.cmpi ne, %sign3A_23, %sign3A_30 : i32
      %rem3A_32 = arith.remsi %add3A, %jit3A_17 : i32
      %ne3A_33 = arith.constant 0 : i32
      %ne3A_34 = arith.cmpi ne, %rem3A_32, %ne3A_33 : i32
      %and3A_35 = arith.andi %ne3A_31, %ne3A_34 : i1
      %sub3A = arith.constant 1 : i32
      %sub3A_36 = arith.subi %div3A, %sub3A : i32
      %select_n3A_37 = arith.select %and3A_35, %sub3A_36, %div3A : i32
      %jit3A_38 = arith.constant 3 : i32
      %div3A_39 = arith.divsi %select_n3A_16, %jit3A_38 : i32
      %sign3A_40 = arith.constant 0 : i32
      %sign3A_41 = arith.cmpi sgt, %select_n3A_16, %sign3A_40 : i32
      %sign3A_42 = arith.extui %sign3A_41 : i1 to i32
      %sign3A_43 = arith.constant 0 : i32
      %sign3A_44 = arith.cmpi slt, %select_n3A_16, %sign3A_43 : i32
      %sign3A_45 = arith.extui %sign3A_44 : i1 to i32
      %sign3A_46 = arith.subi %sign3A_42, %sign3A_45 : i32
      %sign3A_47 = arith.constant 0 : i32
      %sign3A_48 = arith.cmpi sgt, %jit3A_38, %sign3A_47 : i32
      %sign3A_49 = arith.extui %sign3A_48 : i1 to i32
      %sign3A_50 = arith.constant 0 : i32
      %sign3A_51 = arith.cmpi slt, %jit3A_38, %sign3A_50 : i32
      %sign3A_52 = arith.extui %sign3A_51 : i1 to i32
      %sign3A_53 = arith.subi %sign3A_49, %sign3A_52 : i32
      %ne3A_54 = arith.cmpi ne, %sign3A_46, %sign3A_53 : i32
      %rem3A_55 = arith.remsi %select_n3A_16, %jit3A_38 : i32
      %ne3A_56 = arith.constant 0 : i32
      %ne3A_57 = arith.cmpi ne, %rem3A_55, %ne3A_56 : i32
      %and3A_58 = arith.andi %ne3A_54, %ne3A_57 : i1
      %sub3A_59 = arith.constant 1 : i32
      %sub3A_60 = arith.subi %div3A_39, %sub3A_59 : i32
      %select_n3A_61 = arith.select %and3A_58, %sub3A_60, %div3A_39 : i32
      %mul3A_62 = arith.constant 10000 : i32
      %mul3A_63 = arith.muli %select_n3A_37, %mul3A_62 : i32
      %mul3A_64 = arith.constant 50000 : i32
      %mul3A_65 = arith.muli %select_n3A_16, %mul3A_64 : i32
      %dma_start3A = tpu.memref_slice %arg2[%mul3A_65] : memref<300000xf32, #tpu.memory_space<hbm>> -> memref<50000xf32, #tpu.memory_space<hbm>>
      %dma_start3A_66 = tpu.memref_slice %arg2[%mul3A_65] : memref<300000xf32, #tpu.memory_space<hbm>> -> memref<50000xf32, #tpu.memory_space<hbm>>
      tpu.enqueue_dma source(%dma_start3A_66 : memref<50000xf32, #tpu.memory_space<hbm>>) target(%arg5 : memref<50000xf32, #tpu.memory_space<vmem>>) target_semaphore(%arg9 : memref<!tpu.dma_semaphore, #tpu.memory_space<semaphore_mem>>)
      %add3A_67 = arith.constant 0 : i32
      %add3A_68 = arith.addi %add3A_67, %select_n3A_61 : i32
      %mul3A_69 = arith.constant 50000 : i32
      %mul3A_70 = arith.muli %add3A_68, %mul3A_69 : i32
      %add3A_71 = arith.addi %mul3A_70, %mul3A_63 : i32
      %dma_start3A_72 = arith.constant 0 : i32
      %dma_start3A_73 = tpu.memref_slice %arg6[%dma_start3A_72] : memref<18000xi32, #tpu.memory_space<vmem>> -> memref<2000xi32, #tpu.memory_space<vmem>>
      %dma_start3A_74 = tpu.memref_slice %arg3[%add3A_71] : memref<1000000xi32, #tpu.memory_space<hbm>> -> memref<2000xi32, #tpu.memory_space<hbm>>
      %dma_start3A_75 = arith.constant 0 : i32
      %dma_start3A_76 = tpu.memref_slice %arg6[%dma_start3A_75] : memref<18000xi32, #tpu.memory_space<vmem>> -> memref<2000xi32, #tpu.memory_space<vmem>>
      %dma_start3A_77 = tpu.memref_slice %arg3[%add3A_71] : memref<1000000xi32, #tpu.memory_space<hbm>> -> memref<2000xi32, #tpu.memory_space<hbm>>
      tpu.enqueue_dma source(%dma_start3A_77 : memref<2000xi32, #tpu.memory_space<hbm>>) target(%dma_start3A_76 : memref<2000xi32, #tpu.memory_space<vmem>>) target_semaphore(%arg10 : memref<!tpu.dma_semaphore, #tpu.memory_space<semaphore_mem>>)
      %add3A_78 = arith.constant 2 : i32
      %add3A_79 = arith.addi %add3A_78, %select_n3A_61 : i32
      %mul3A_80 = arith.constant 50000 : i32
      %mul3A_81 = arith.muli %add3A_79, %mul3A_80 : i32
      %add3A_82 = arith.addi %mul3A_81, %mul3A_63 : i32
      %dma_start3A_83 = arith.constant 2000 : i32
      %dma_start3A_84 = tpu.memref_slice %arg6[%dma_start3A_83] : memref<18000xi32, #tpu.memory_space<vmem>> -> memref<2000xi32, #tpu.memory_space<vmem>>
      %dma_start3A_85 = tpu.memref_slice %arg3[%add3A_82] : memref<1000000xi32, #tpu.memory_space<hbm>> -> memref<2000xi32, #tpu.memory_space<hbm>>
      %dma_start3A_86 = arith.constant 2000 : i32
      %dma_start3A_87 = tpu.memref_slice %arg6[%dma_start3A_86] : memref<18000xi32, #tpu.memory_space<vmem>> -> memref<2000xi32, #tpu.memory_space<vmem>>
      %dma_start3A_88 = tpu.memref_slice %arg3[%add3A_82] : memref<1000000xi32, #tpu.memory_space<hbm>> -> memref<2000xi32, #tpu.memory_space<hbm>>
      tpu.enqueue_dma source(%dma_start3A_88 : memref<2000xi32, #tpu.memory_space<hbm>>) target(%dma_start3A_87 : memref<2000xi32, #tpu.memory_space<vmem>>) target_semaphore(%arg10 : memref<!tpu.dma_semaphore, #tpu.memory_space<semaphore_mem>>)
      %add3A_89 = arith.constant 4 : i32
      %add3A_90 = arith.addi %add3A_89, %select_n3A_61 : i32
      %mul3A_91 = arith.constant 50000 : i32
      %mul3A_92 = arith.muli %add3A_90, %mul3A_91 : i32
      %add3A_93 = arith.addi %mul3A_92, %mul3A_63 : i32
      %dma_start3A_94 = arith.constant 4000 : i32
      %dma_start3A_95 = tpu.memref_slice %arg6[%dma_start3A_94] : memref<18000xi32, #tpu.memory_space<vmem>> -> memref<2000xi32, #tpu.memory_space<vmem>>
      %dma_start3A_96 = tpu.memref_slice %arg3[%add3A_93] : memref<1000000xi32, #tpu.memory_space<hbm>> -> memref<2000xi32, #tpu.memory_space<hbm>>
      %dma_start3A_97 = arith.constant 4000 : i32
      %dma_start3A_98 = tpu.memref_slice %arg6[%dma_start3A_97] : memref<18000xi32, #tpu.memory_space<vmem>> -> memref<2000xi32, #tpu.memory_space<vmem>>
      %dma_start3A_99 = tpu.memref_slice %arg3[%add3A_93] : memref<1000000xi32, #tpu.memory_space<hbm>> -> memref<2000xi32, #tpu.memory_space<hbm>>
      tpu.enqueue_dma source(%dma_start3A_99 : memref<2000xi32, #tpu.memory_space<hbm>>) target(%dma_start3A_98 : memref<2000xi32, #tpu.memory_space<vmem>>) target_semaphore(%arg10 : memref<!tpu.dma_semaphore, #tpu.memory_space<semaphore_mem>>)
      %add3A_100 = arith.constant 6 : i32
      %add3A_101 = arith.addi %add3A_100, %select_n3A_61 : i32
      %mul3A_102 = arith.constant 50000 : i32
      %mul3A_103 = arith.muli %add3A_101, %mul3A_102 : i32
      %add3A_104 = arith.addi %mul3A_103, %mul3A_63 : i32
      %dma_start3A_105 = arith.constant 6000 : i32
      %dma_start3A_106 = tpu.memref_slice %arg6[%dma_start3A_105] : memref<18000xi32, #tpu.memory_space<vmem>> -> memref<2000xi32, #tpu.memory_space<vmem>>
      %dma_start3A_107 = tpu.memref_slice %arg3[%add3A_104] : memref<1000000xi32, #tpu.memory_space<hbm>> -> memref<2000xi32, #tpu.memory_space<hbm>>
      %dma_start3A_108 = arith.constant 6000 : i32
      %dma_start3A_109 = tpu.memref_slice %arg6[%dma_start3A_108] : memref<18000xi32, #tpu.memory_space<vmem>> -> memref<2000xi32, #tpu.memory_space<vmem>>
      %dma_start3A_110 = tpu.memref_slice %arg3[%add3A_104] : memref<1000000xi32, #tpu.memory_space<hbm>> -> memref<2000xi32, #tpu.memory_space<hbm>>
      tpu.enqueue_dma source(%dma_start3A_110 : memref<2000xi32, #tpu.memory_space<hbm>>) target(%dma_start3A_109 : memref<2000xi32, #tpu.memory_space<vmem>>) target_semaphore(%arg10 : memref<!tpu.dma_semaphore, #tpu.memory_space<semaphore_mem>>)
      %add3A_111 = arith.constant 8 : i32
      %add3A_112 = arith.addi %add3A_111, %select_n3A_61 : i32
      %mul3A_113 = arith.constant 50000 : i32
      %mul3A_114 = arith.muli %add3A_112, %mul3A_113 : i32
      %add3A_115 = arith.addi %mul3A_114, %mul3A_63 : i32
      %dma_start3A_116 = arith.constant 8000 : i32
      %dma_start3A_117 = tpu.memref_slice %arg6[%dma_start3A_116] : memref<18000xi32, #tpu.memory_space<vmem>> -> memref<2000xi32, #tpu.memory_space<vmem>>
      %dma_start3A_118 = tpu.memref_slice %arg3[%add3A_115] : memref<1000000xi32, #tpu.memory_space<hbm>> -> memref<2000xi32, #tpu.memory_space<hbm>>
      %dma_start3A_119 = arith.constant 8000 : i32
      %dma_start3A_120 = tpu.memref_slice %arg6[%dma_start3A_119] : memref<18000xi32, #tpu.memory_space<vmem>> -> memref<2000xi32, #tpu.memory_space<vmem>>
      %dma_start3A_121 = tpu.memref_slice %arg3[%add3A_115] : memref<1000000xi32, #tpu.memory_space<hbm>> -> memref<2000xi32, #tpu.memory_space<hbm>>
      tpu.enqueue_dma source(%dma_start3A_121 : memref<2000xi32, #tpu.memory_space<hbm>>) target(%dma_start3A_120 : memref<2000xi32, #tpu.memory_space<vmem>>) target_semaphore(%arg10 : memref<!tpu.dma_semaphore, #tpu.memory_space<semaphore_mem>>)
      %add3A_122 = arith.constant 10 : i32
      %add3A_123 = arith.addi %add3A_122, %select_n3A_61 : i32
      %mul3A_124 = arith.constant 50000 : i32
      %mul3A_125 = arith.muli %add3A_123, %mul3A_124 : i32
      %add3A_126 = arith.addi %mul3A_125, %mul3A_63 : i32
      %dma_start3A_127 = arith.constant 10000 : i32
      %dma_start3A_128 = tpu.memref_slice %arg6[%dma_start3A_127] : memref<18000xi32, #tpu.memory_space<vmem>> -> memref<2000xi32, #tpu.memory_space<vmem>>
      %dma_start3A_129 = tpu.memref_slice %arg3[%add3A_126] : memref<1000000xi32, #tpu.memory_space<hbm>> -> memref<2000xi32, #tpu.memory_space<hbm>>
      %dma_start3A_130 = arith.constant 10000 : i32
      %dma_start3A_131 = tpu.memref_slice %arg6[%dma_start3A_130] : memref<18000xi32, #tpu.memory_space<vmem>> -> memref<2000xi32, #tpu.memory_space<vmem>>
      %dma_start3A_132 = tpu.memref_slice %arg3[%add3A_126] : memref<1000000xi32, #tpu.memory_space<hbm>> -> memref<2000xi32, #tpu.memory_space<hbm>>
      tpu.enqueue_dma source(%dma_start3A_132 : memref<2000xi32, #tpu.memory_space<hbm>>) target(%dma_start3A_131 : memref<2000xi32, #tpu.memory_space<vmem>>) target_semaphore(%arg10 : memref<!tpu.dma_semaphore, #tpu.memory_space<semaphore_mem>>)
      %add3A_133 = arith.constant 12 : i32
      %add3A_134 = arith.addi %add3A_133, %select_n3A_61 : i32
      %mul3A_135 = arith.constant 50000 : i32
      %mul3A_136 = arith.muli %add3A_134, %mul3A_135 : i32
      %add3A_137 = arith.addi %mul3A_136, %mul3A_63 : i32
      %dma_start3A_138 = arith.constant 12000 : i32
      %dma_start3A_139 = tpu.memref_slice %arg6[%dma_start3A_138] : memref<18000xi32, #tpu.memory_space<vmem>> -> memref<2000xi32, #tpu.memory_space<vmem>>
      %dma_start3A_140 = tpu.memref_slice %arg3[%add3A_137] : memref<1000000xi32, #tpu.memory_space<hbm>> -> memref<2000xi32, #tpu.memory_space<hbm>>
      %dma_start3A_141 = arith.constant 12000 : i32
      %dma_start3A_142 = tpu.memref_slice %arg6[%dma_start3A_141] : memref<18000xi32, #tpu.memory_space<vmem>> -> memref<2000xi32, #tpu.memory_space<vmem>>
      %dma_start3A_143 = tpu.memref_slice %arg3[%add3A_137] : memref<1000000xi32, #tpu.memory_space<hbm>> -> memref<2000xi32, #tpu.memory_space<hbm>>
      tpu.enqueue_dma source(%dma_start3A_143 : memref<2000xi32, #tpu.memory_space<hbm>>) target(%dma_start3A_142 : memref<2000xi32, #tpu.memory_space<vmem>>) target_semaphore(%arg10 : memref<!tpu.dma_semaphore, #tpu.memory_space<semaphore_mem>>)
      %add3A_144 = arith.constant 14 : i32
      %add3A_145 = arith.addi %add3A_144, %select_n3A_61 : i32
      %mul3A_146 = arith.constant 50000 : i32
      %mul3A_147 = arith.muli %add3A_145, %mul3A_146 : i32
      %add3A_148 = arith.addi %mul3A_147, %mul3A_63 : i32
      %dma_start3A_149 = arith.constant 14000 : i32
      %dma_start3A_150 = tpu.memref_slice %arg6[%dma_start3A_149] : memref<18000xi32, #tpu.memory_space<vmem>> -> memref<2000xi32, #tpu.memory_space<vmem>>
      %dma_start3A_151 = tpu.memref_slice %arg3[%add3A_148] : memref<1000000xi32, #tpu.memory_space<hbm>> -> memref<2000xi32, #tpu.memory_space<hbm>>
      %dma_start3A_152 = arith.constant 14000 : i32
      %dma_start3A_153 = tpu.memref_slice %arg6[%dma_start3A_152] : memref<18000xi32, #tpu.memory_space<vmem>> -> memref<2000xi32, #tpu.memory_space<vmem>>
      %dma_start3A_154 = tpu.memref_slice %arg3[%add3A_148] : memref<1000000xi32, #tpu.memory_space<hbm>> -> memref<2000xi32, #tpu.memory_space<hbm>>
      tpu.enqueue_dma source(%dma_start3A_154 : memref<2000xi32, #tpu.memory_space<hbm>>) target(%dma_start3A_153 : memref<2000xi32, #tpu.memory_space<vmem>>) target_semaphore(%arg10 : memref<!tpu.dma_semaphore, #tpu.memory_space<semaphore_mem>>)
      %add3A_155 = arith.constant 18 : i32
      %add3A_156 = arith.addi %add3A_155, %select_n3A_61 : i32
      %mul3A_157 = arith.constant 50000 : i32
      %mul3A_158 = arith.muli %add3A_156, %mul3A_157 : i32
      %add3A_159 = arith.addi %mul3A_158, %mul3A_63 : i32
      %dma_start3A_160 = arith.constant 16000 : i32
      %dma_start3A_161 = tpu.memref_slice %arg6[%dma_start3A_160] : memref<18000xi32, #tpu.memory_space<vmem>> -> memref<2000xi32, #tpu.memory_space<vmem>>
      %dma_start3A_162 = tpu.memref_slice %arg3[%add3A_159] : memref<1000000xi32, #tpu.memory_space<hbm>> -> memref<2000xi32, #tpu.memory_space<hbm>>
      %dma_start3A_163 = arith.constant 16000 : i32
      %dma_start3A_164 = tpu.memref_slice %arg6[%dma_start3A_163] : memref<18000xi32, #tpu.memory_space<vmem>> -> memref<2000xi32, #tpu.memory_space<vmem>>
      %dma_start3A_165 = tpu.memref_slice %arg3[%add3A_159] : memref<1000000xi32, #tpu.memory_space<hbm>> -> memref<2000xi32, #tpu.memory_space<hbm>>
      tpu.enqueue_dma source(%dma_start3A_165 : memref<2000xi32, #tpu.memory_space<hbm>>) target(%dma_start3A_164 : memref<2000xi32, #tpu.memory_space<vmem>>) target_semaphore(%arg10 : memref<!tpu.dma_semaphore, #tpu.memory_space<semaphore_mem>>)
      %dma_wait3A = tpu.memref_slice %arg2[%mul3A_65] : memref<300000xf32, #tpu.memory_space<hbm>> -> memref<50000xf32, #tpu.memory_space<hbm>>
      %dma_wait3A_166 = tpu.memref_slice %arg2[%mul3A_65] : memref<300000xf32, #tpu.memory_space<hbm>> -> memref<50000xf32, #tpu.memory_space<hbm>>
      tpu.wait_dma2 semaphore(%arg9 : memref<!tpu.dma_semaphore, #tpu.memory_space<semaphore_mem>>) src(%dma_wait3A_166 : memref<50000xf32, #tpu.memory_space<hbm>>) dst(%arg5 : memref<50000xf32, #tpu.memory_space<vmem>>)
      %broadcast_in_dim3A_167 = arith.constant 0.000000e+00 : f32
      %broadcast_in_dim3A_168 = vector.broadcast %broadcast_in_dim3A_167 : f32 to vector<16xf32>
      %add3A_169 = arith.constant 2000 : i32
      %add3A_170 = arith.addi %mul3A_63, %add3A_169 : i32
      %add3A_171 = arith.constant 0 : i32
      %add3A_172 = arith.addi %add3A_171, %select_n3A_61 : i32
      %mul3A_173 = arith.constant 50000 : i32
      %mul3A_174 = arith.muli %add3A_172, %mul3A_173 : i32
      %add3A_175 = arith.addi %mul3A_174, %add3A_170 : i32
      %dma_start3A_176 = arith.constant 0 : i32
      %dma_start3A_177 = tpu.memref_slice %arg7[%dma_start3A_176] : memref<18000xi32, #tpu.memory_space<vmem>> -> memref<2000xi32, #tpu.memory_space<vmem>>
      %dma_start3A_178 = tpu.memref_slice %arg3[%add3A_175] : memref<1000000xi32, #tpu.memory_space<hbm>> -> memref<2000xi32, #tpu.memory_space<hbm>>
      %dma_start3A_179 = arith.constant 0 : i32
      %dma_start3A_180 = tpu.memref_slice %arg7[%dma_start3A_179] : memref<18000xi32, #tpu.memory_space<vmem>> -> memref<2000xi32, #tpu.memory_space<vmem>>
      %dma_start3A_181 = tpu.memref_slice %arg3[%add3A_175] : memref<1000000xi32, #tpu.memory_space<hbm>> -> memref<2000xi32, #tpu.memory_space<hbm>>
      tpu.enqueue_dma source(%dma_start3A_181 : memref<2000xi32, #tpu.memory_space<hbm>>) target(%dma_start3A_180 : memref<2000xi32, #tpu.memory_space<vmem>>) target_semaphore(%arg10 : memref<!tpu.dma_semaphore, #tpu.memory_space<semaphore_mem>>)
      %add3A_182 = arith.constant 2 : i32
      %add3A_183 = arith.addi %add3A_182, %select_n3A_61 : i32
      %mul3A_184 = arith.constant 50000 : i32
      %mul3A_185 = arith.muli %add3A_183, %mul3A_184 : i32
      %add3A_186 = arith.addi %mul3A_185, %add3A_170 : i32
      %dma_start3A_187 = arith.constant 2000 : i32
      %dma_start3A_188 = tpu.memref_slice %arg7[%dma_start3A_187] : memref<18000xi32, #tpu.memory_space<vmem>> -> memref<2000xi32, #tpu.memory_space<vmem>>
      %dma_start3A_189 = tpu.memref_slice %arg3[%add3A_186] : memref<1000000xi32, #tpu.memory_space<hbm>> -> memref<2000xi32, #tpu.memory_space<hbm>>
      %dma_start3A_190 = arith.constant 2000 : i32
      %dma_start3A_191 = tpu.memref_slice %arg7[%dma_start3A_190] : memref<18000xi32, #tpu.memory_space<vmem>> -> memref<2000xi32, #tpu.memory_space<vmem>>
      %dma_start3A_192 = tpu.memref_slice %arg3[%add3A_186] : memref<1000000xi32, #tpu.memory_space<hbm>> -> memref<2000xi32, #tpu.memory_space<hbm>>
      tpu.enqueue_dma source(%dma_start3A_192 : memref<2000xi32, #tpu.memory_space<hbm>>) target(%dma_start3A_191 : memref<2000xi32, #tpu.memory_space<vmem>>) target_semaphore(%arg10 : memref<!tpu.dma_semaphore, #tpu.memory_space<semaphore_mem>>)
      %add3A_193 = arith.constant 4 : i32
      %add3A_194 = arith.addi %add3A_193, %select_n3A_61 : i32
      %mul3A_195 = arith.constant 50000 : i32
      %mul3A_196 = arith.muli %add3A_194, %mul3A_195 : i32
      %add3A_197 = arith.addi %mul3A_196, %add3A_170 : i32
      %dma_start3A_198 = arith.constant 4000 : i32
      %dma_start3A_199 = tpu.memref_slice %arg7[%dma_start3A_198] : memref<18000xi32, #tpu.memory_space<vmem>> -> memref<2000xi32, #tpu.memory_space<vmem>>
      %dma_start3A_200 = tpu.memref_slice %arg3[%add3A_197] : memref<1000000xi32, #tpu.memory_space<hbm>> -> memref<2000xi32, #tpu.memory_space<hbm>>
      %dma_start3A_201 = arith.constant 4000 : i32
      %dma_start3A_202 = tpu.memref_slice %arg7[%dma_start3A_201] : memref<18000xi32, #tpu.memory_space<vmem>> -> memref<2000xi32, #tpu.memory_space<vmem>>
      %dma_start3A_203 = tpu.memref_slice %arg3[%add3A_197] : memref<1000000xi32, #tpu.memory_space<hbm>> -> memref<2000xi32, #tpu.memory_space<hbm>>
      tpu.enqueue_dma source(%dma_start3A_203 : memref<2000xi32, #tpu.memory_space<hbm>>) target(%dma_start3A_202 : memref<2000xi32, #tpu.memory_space<vmem>>) target_semaphore(%arg10 : memref<!tpu.dma_semaphore, #tpu.memory_space<semaphore_mem>>)
      %add3A_204 = arith.constant 6 : i32
      %add3A_205 = arith.addi %add3A_204, %select_n3A_61 : i32
      %mul3A_206 = arith.constant 50000 : i32
      %mul3A_207 = arith.muli %add3A_205, %mul3A_206 : i32
      %add3A_208 = arith.addi %mul3A_207, %add3A_170 : i32
      %dma_start3A_209 = arith.constant 6000 : i32
      %dma_start3A_210 = tpu.memref_slice %arg7[%dma_start3A_209] : memref<18000xi32, #tpu.memory_space<vmem>> -> memref<2000xi32, #tpu.memory_space<vmem>>
      %dma_start3A_211 = tpu.memref_slice %arg3[%add3A_208] : memref<1000000xi32, #tpu.memory_space<hbm>> -> memref<2000xi32, #tpu.memory_space<hbm>>
      %dma_start3A_212 = arith.constant 6000 : i32
      %dma_start3A_213 = tpu.memref_slice %arg7[%dma_start3A_212] : memref<18000xi32, #tpu.memory_space<vmem>> -> memref<2000xi32, #tpu.memory_space<vmem>>
      %dma_start3A_214 = tpu.memref_slice %arg3[%add3A_208] : memref<1000000xi32, #tpu.memory_space<hbm>> -> memref<2000xi32, #tpu.memory_space<hbm>>
      tpu.enqueue_dma source(%dma_start3A_214 : memref<2000xi32, #tpu.memory_space<hbm>>) target(%dma_start3A_213 : memref<2000xi32, #tpu.memory_space<vmem>>) target_semaphore(%arg10 : memref<!tpu.dma_semaphore, #tpu.memory_space<semaphore_mem>>)
      %add3A_215 = arith.constant 8 : i32
      %add3A_216 = arith.addi %add3A_215, %select_n3A_61 : i32
      %mul3A_217 = arith.constant 50000 : i32
      %mul3A_218 = arith.muli %add3A_216, %mul3A_217 : i32
      %add3A_219 = arith.addi %mul3A_218, %add3A_170 : i32
      %dma_start3A_220 = arith.constant 8000 : i32
      %dma_start3A_221 = tpu.memref_slice %arg7[%dma_start3A_220] : memref<18000xi32, #tpu.memory_space<vmem>> -> memref<2000xi32, #tpu.memory_space<vmem>>
      %dma_start3A_222 = tpu.memref_slice %arg3[%add3A_219] : memref<1000000xi32, #tpu.memory_space<hbm>> -> memref<2000xi32, #tpu.memory_space<hbm>>
      %dma_start3A_223 = arith.constant 8000 : i32
      %dma_start3A_224 = tpu.memref_slice %arg7[%dma_start3A_223] : memref<18000xi32, #tpu.memory_space<vmem>> -> memref<2000xi32, #tpu.memory_space<vmem>>
      %dma_start3A_225 = tpu.memref_slice %arg3[%add3A_219] : memref<1000000xi32, #tpu.memory_space<hbm>> -> memref<2000xi32, #tpu.memory_space<hbm>>
      tpu.enqueue_dma source(%dma_start3A_225 : memref<2000xi32, #tpu.memory_space<hbm>>) target(%dma_start3A_224 : memref<2000xi32, #tpu.memory_space<vmem>>) target_semaphore(%arg10 : memref<!tpu.dma_semaphore, #tpu.memory_space<semaphore_mem>>)
      %add3A_226 = arith.constant 10 : i32
      %add3A_227 = arith.addi %add3A_226, %select_n3A_61 : i32
      %mul3A_228 = arith.constant 50000 : i32
      %mul3A_229 = arith.muli %add3A_227, %mul3A_228 : i32
      %add3A_230 = arith.addi %mul3A_229, %add3A_170 : i32
      %dma_start3A_231 = arith.constant 10000 : i32
      %dma_start3A_232 = tpu.memref_slice %arg7[%dma_start3A_231] : memref<18000xi32, #tpu.memory_space<vmem>> -> memref<2000xi32, #tpu.memory_space<vmem>>
      %dma_start3A_233 = tpu.memref_slice %arg3[%add3A_230] : memref<1000000xi32, #tpu.memory_space<hbm>> -> memref<2000xi32, #tpu.memory_space<hbm>>
      %dma_start3A_234 = arith.constant 10000 : i32
      %dma_start3A_235 = tpu.memref_slice %arg7[%dma_start3A_234] : memref<18000xi32, #tpu.memory_space<vmem>> -> memref<2000xi32, #tpu.memory_space<vmem>>
      %dma_start3A_236 = tpu.memref_slice %arg3[%add3A_230] : memref<1000000xi32, #tpu.memory_space<hbm>> -> memref<2000xi32, #tpu.memory_space<hbm>>
      tpu.enqueue_dma source(%dma_start3A_236 : memref<2000xi32, #tpu.memory_space<hbm>>) target(%dma_start3A_235 : memref<2000xi32, #tpu.memory_space<vmem>>) target_semaphore(%arg10 : memref<!tpu.dma_semaphore, #tpu.memory_space<semaphore_mem>>)
      %add3A_237 = arith.constant 12 : i32
      %add3A_238 = arith.addi %add3A_237, %select_n3A_61 : i32
      %mul3A_239 = arith.constant 50000 : i32
      %mul3A_240 = arith.muli %add3A_238, %mul3A_239 : i32
      %add3A_241 = arith.addi %mul3A_240, %add3A_170 : i32
      %dma_start3A_242 = arith.constant 12000 : i32
      %dma_start3A_243 = tpu.memref_slice %arg7[%dma_start3A_242] : memref<18000xi32, #tpu.memory_space<vmem>> -> memref<2000xi32, #tpu.memory_space<vmem>>
      %dma_start3A_244 = tpu.memref_slice %arg3[%add3A_241] : memref<1000000xi32, #tpu.memory_space<hbm>> -> memref<2000xi32, #tpu.memory_space<hbm>>
      %dma_start3A_245 = arith.constant 12000 : i32
      %dma_start3A_246 = tpu.memref_slice %arg7[%dma_start3A_245] : memref<18000xi32, #tpu.memory_space<vmem>> -> memref<2000xi32, #tpu.memory_space<vmem>>
      %dma_start3A_247 = tpu.memref_slice %arg3[%add3A_241] : memref<1000000xi32, #tpu.memory_space<hbm>> -> memref<2000xi32, #tpu.memory_space<hbm>>
      tpu.enqueue_dma source(%dma_start3A_247 : memref<2000xi32, #tpu.memory_space<hbm>>) target(%dma_start3A_246 : memref<2000xi32, #tpu.memory_space<vmem>>) target_semaphore(%arg10 : memref<!tpu.dma_semaphore, #tpu.memory_space<semaphore_mem>>)
      %add3A_248 = arith.constant 14 : i32
      %add3A_249 = arith.addi %add3A_248, %select_n3A_61 : i32
      %mul3A_250 = arith.constant 50000 : i32
      %mul3A_251 = arith.muli %add3A_249, %mul3A_250 : i32
      %add3A_252 = arith.addi %mul3A_251, %add3A_170 : i32
      %dma_start3A_253 = arith.constant 14000 : i32
      %dma_start3A_254 = tpu.memref_slice %arg7[%dma_start3A_253] : memref<18000xi32, #tpu.memory_space<vmem>> -> memref<2000xi32, #tpu.memory_space<vmem>>
      %dma_start3A_255 = tpu.memref_slice %arg3[%add3A_252] : memref<1000000xi32, #tpu.memory_space<hbm>> -> memref<2000xi32, #tpu.memory_space<hbm>>
      %dma_start3A_256 = arith.constant 14000 : i32
      %dma_start3A_257 = tpu.memref_slice %arg7[%dma_start3A_256] : memref<18000xi32, #tpu.memory_space<vmem>> -> memref<2000xi32, #tpu.memory_space<vmem>>
      %dma_start3A_258 = tpu.memref_slice %arg3[%add3A_252] : memref<1000000xi32, #tpu.memory_space<hbm>> -> memref<2000xi32, #tpu.memory_space<hbm>>
      tpu.enqueue_dma source(%dma_start3A_258 : memref<2000xi32, #tpu.memory_space<hbm>>) target(%dma_start3A_257 : memref<2000xi32, #tpu.memory_space<vmem>>) target_semaphore(%arg10 : memref<!tpu.dma_semaphore, #tpu.memory_space<semaphore_mem>>)
      %add3A_259 = arith.constant 18 : i32
      %add3A_260 = arith.addi %add3A_259, %select_n3A_61 : i32
      %mul3A_261 = arith.constant 50000 : i32
      %mul3A_262 = arith.muli %add3A_260, %mul3A_261 : i32
      %add3A_263 = arith.addi %mul3A_262, %add3A_170 : i32
      %dma_start3A_264 = arith.constant 16000 : i32
      %dma_start3A_265 = tpu.memref_slice %arg7[%dma_start3A_264] : memref<18000xi32, #tpu.memory_space<vmem>> -> memref<2000xi32, #tpu.memory_space<vmem>>
      %dma_start3A_266 = tpu.memref_slice %arg3[%add3A_263] : memref<1000000xi32, #tpu.memory_space<hbm>> -> memref<2000xi32, #tpu.memory_space<hbm>>
      %dma_start3A_267 = arith.constant 16000 : i32
      %dma_start3A_268 = tpu.memref_slice %arg7[%dma_start3A_267] : memref<18000xi32, #tpu.memory_space<vmem>> -> memref<2000xi32, #tpu.memory_space<vmem>>
      %dma_start3A_269 = tpu.memref_slice %arg3[%add3A_263] : memref<1000000xi32, #tpu.memory_space<hbm>> -> memref<2000xi32, #tpu.memory_space<hbm>>
      tpu.enqueue_dma source(%dma_start3A_269 : memref<2000xi32, #tpu.memory_space<hbm>>) target(%dma_start3A_268 : memref<2000xi32, #tpu.memory_space<vmem>>) target_semaphore(%arg10 : memref<!tpu.dma_semaphore, #tpu.memory_space<semaphore_mem>>)
      %dma_wait3A_270 = arith.constant 0 : i32
      %dma_wait3A_271 = tpu.memref_slice %arg6[%dma_wait3A_270] : memref<18000xi32, #tpu.memory_space<vmem>> -> memref<2000xi32, #tpu.memory_space<vmem>>
      %dma_wait3A_272 = tpu.memref_slice %arg3[%add3A_71] : memref<1000000xi32, #tpu.memory_space<hbm>> -> memref<2000xi32, #tpu.memory_space<hbm>>
      %dma_wait3A_273 = arith.constant 0 : i32
      %dma_wait3A_274 = tpu.memref_slice %arg6[%dma_wait3A_273] : memref<18000xi32, #tpu.memory_space<vmem>> -> memref<2000xi32, #tpu.memory_space<vmem>>
      %dma_wait3A_275 = tpu.memref_slice %arg3[%add3A_71] : memref<1000000xi32, #tpu.memory_space<hbm>> -> memref<2000xi32, #tpu.memory_space<hbm>>
      tpu.wait_dma2 semaphore(%arg10 : memref<!tpu.dma_semaphore, #tpu.memory_space<semaphore_mem>>) src(%dma_wait3A_275 : memref<2000xi32, #tpu.memory_space<hbm>>) dst(%dma_wait3A_274 : memref<2000xi32, #tpu.memory_space<vmem>>)
      %dma_wait3A_276 = arith.constant 2000 : i32
      %dma_wait3A_277 = tpu.memref_slice %arg6[%dma_wait3A_276] : memref<18000xi32, #tpu.memory_space<vmem>> -> memref<2000xi32, #tpu.memory_space<vmem>>
      %dma_wait3A_278 = tpu.memref_slice %arg3[%add3A_82] : memref<1000000xi32, #tpu.memory_space<hbm>> -> memref<2000xi32, #tpu.memory_space<hbm>>
      %dma_wait3A_279 = arith.constant 2000 : i32
      %dma_wait3A_280 = tpu.memref_slice %arg6[%dma_wait3A_279] : memref<18000xi32, #tpu.memory_space<vmem>> -> memref<2000xi32, #tpu.memory_space<vmem>>
      %dma_wait3A_281 = tpu.memref_slice %arg3[%add3A_82] : memref<1000000xi32, #tpu.memory_space<hbm>> -> memref<2000xi32, #tpu.memory_space<hbm>>
      tpu.wait_dma2 semaphore(%arg10 : memref<!tpu.dma_semaphore, #tpu.memory_space<semaphore_mem>>) src(%dma_wait3A_281 : memref<2000xi32, #tpu.memory_space<hbm>>) dst(%dma_wait3A_280 : memref<2000xi32, #tpu.memory_space<vmem>>)
      %dma_wait3A_282 = arith.constant 4000 : i32
      %dma_wait3A_283 = tpu.memref_slice %arg6[%dma_wait3A_282] : memref<18000xi32, #tpu.memory_space<vmem>> -> memref<2000xi32, #tpu.memory_space<vmem>>
      %dma_wait3A_284 = tpu.memref_slice %arg3[%add3A_93] : memref<1000000xi32, #tpu.memory_space<hbm>> -> memref<2000xi32, #tpu.memory_space<hbm>>
      %dma_wait3A_285 = arith.constant 4000 : i32
      %dma_wait3A_286 = tpu.memref_slice %arg6[%dma_wait3A_285] : memref<18000xi32, #tpu.memory_space<vmem>> -> memref<2000xi32, #tpu.memory_space<vmem>>
      %dma_wait3A_287 = tpu.memref_slice %arg3[%add3A_93] : memref<1000000xi32, #tpu.memory_space<hbm>> -> memref<2000xi32, #tpu.memory_space<hbm>>
      tpu.wait_dma2 semaphore(%arg10 : memref<!tpu.dma_semaphore, #tpu.memory_space<semaphore_mem>>) src(%dma_wait3A_287 : memref<2000xi32, #tpu.memory_space<hbm>>) dst(%dma_wait3A_286 : memref<2000xi32, #tpu.memory_space<vmem>>)
      %dma_wait3A_288 = arith.constant 6000 : i32
      %dma_wait3A_289 = tpu.memref_slice %arg6[%dma_wait3A_288] : memref<18000xi32, #tpu.memory_space<vmem>> -> memref<2000xi32, #tpu.memory_space<vmem>>
      %dma_wait3A_290 = tpu.memref_slice %arg3[%add3A_104] : memref<1000000xi32, #tpu.memory_space<hbm>> -> memref<2000xi32, #tpu.memory_space<hbm>>
      %dma_wait3A_291 = arith.constant 6000 : i32
      %dma_wait3A_292 = tpu.memref_slice %arg6[%dma_wait3A_291] : memref<18000xi32, #tpu.memory_space<vmem>> -> memref<2000xi32, #tpu.memory_space<vmem>>
      %dma_wait3A_293 = tpu.memref_slice %arg3[%add3A_104] : memref<1000000xi32, #tpu.memory_space<hbm>> -> memref<2000xi32, #tpu.memory_space<hbm>>
      tpu.wait_dma2 semaphore(%arg10 : memref<!tpu.dma_semaphore, #tpu.memory_space<semaphore_mem>>) src(%dma_wait3A_293 : memref<2000xi32, #tpu.memory_space<hbm>>) dst(%dma_wait3A_292 : memref<2000xi32, #tpu.memory_space<vmem>>)
      %dma_wait3A_294 = arith.constant 8000 : i32
      %dma_wait3A_295 = tpu.memref_slice %arg6[%dma_wait3A_294] : memref<18000xi32, #tpu.memory_space<vmem>> -> memref<2000xi32, #tpu.memory_space<vmem>>
      %dma_wait3A_296 = tpu.memref_slice %arg3[%add3A_115] : memref<1000000xi32, #tpu.memory_space<hbm>> -> memref<2000xi32, #tpu.memory_space<hbm>>
      %dma_wait3A_297 = arith.constant 8000 : i32
      %dma_wait3A_298 = tpu.memref_slice %arg6[%dma_wait3A_297] : memref<18000xi32, #tpu.memory_space<vmem>> -> memref<2000xi32, #tpu.memory_space<vmem>>
      %dma_wait3A_299 = tpu.memref_slice %arg3[%add3A_115] : memref<1000000xi32, #tpu.memory_space<hbm>> -> memref<2000xi32, #tpu.memory_space<hbm>>
      tpu.wait_dma2 semaphore(%arg10 : memref<!tpu.dma_semaphore, #tpu.memory_space<semaphore_mem>>) src(%dma_wait3A_299 : memref<2000xi32, #tpu.memory_space<hbm>>) dst(%dma_wait3A_298 : memref<2000xi32, #tpu.memory_space<vmem>>)
      %dma_wait3A_300 = arith.constant 10000 : i32
      %dma_wait3A_301 = tpu.memref_slice %arg6[%dma_wait3A_300] : memref<18000xi32, #tpu.memory_space<vmem>> -> memref<2000xi32, #tpu.memory_space<vmem>>
      %dma_wait3A_302 = tpu.memref_slice %arg3[%add3A_126] : memref<1000000xi32, #tpu.memory_space<hbm>> -> memref<2000xi32, #tpu.memory_space<hbm>>
      %dma_wait3A_303 = arith.constant 10000 : i32
      %dma_wait3A_304 = tpu.memref_slice %arg6[%dma_wait3A_303] : memref<18000xi32, #tpu.memory_space<vmem>> -> memref<2000xi32, #tpu.memory_space<vmem>>
      %dma_wait3A_305 = tpu.memref_slice %arg3[%add3A_126] : memref<1000000xi32, #tpu.memory_space<hbm>> -> memref<2000xi32, #tpu.memory_space<hbm>>
      tpu.wait_dma2 semaphore(%arg10 : memref<!tpu.dma_semaphore, #tpu.memory_space<semaphore_mem>>) src(%dma_wait3A_305 : memref<2000xi32, #tpu.memory_space<hbm>>) dst(%dma_wait3A_304 : memref<2000xi32, #tpu.memory_space<vmem>>)
      %dma_wait3A_306 = arith.constant 12000 : i32
      %dma_wait3A_307 = tpu.memref_slice %arg6[%dma_wait3A_306] : memref<18000xi32, #tpu.memory_space<vmem>> -> memref<2000xi32, #tpu.memory_space<vmem>>
      %dma_wait3A_308 = tpu.memref_slice %arg3[%add3A_137] : memref<1000000xi32, #tpu.memory_space<hbm>> -> memref<2000xi32, #tpu.memory_space<hbm>>
      %dma_wait3A_309 = arith.constant 12000 : i32
      %dma_wait3A_310 = tpu.memref_slice %arg6[%dma_wait3A_309] : memref<18000xi32, #tpu.memory_space<vmem>> -> memref<2000xi32, #tpu.memory_space<vmem>>
      %dma_wait3A_311 = tpu.memref_slice %arg3[%add3A_137] : memref<1000000xi32, #tpu.memory_space<hbm>> -> memref<2000xi32, #tpu.memory_space<hbm>>
      tpu.wait_dma2 semaphore(%arg10 : memref<!tpu.dma_semaphore, #tpu.memory_space<semaphore_mem>>) src(%dma_wait3A_311 : memref<2000xi32, #tpu.memory_space<hbm>>) dst(%dma_wait3A_310 : memref<2000xi32, #tpu.memory_space<vmem>>)
      %dma_wait3A_312 = arith.constant 14000 : i32
      %dma_wait3A_313 = tpu.memref_slice %arg6[%dma_wait3A_312] : memref<18000xi32, #tpu.memory_space<vmem>> -> memref<2000xi32, #tpu.memory_space<vmem>>
      %dma_wait3A_314 = tpu.memref_slice %arg3[%add3A_148] : memref<1000000xi32, #tpu.memory_space<hbm>> -> memref<2000xi32, #tpu.memory_space<hbm>>
      %dma_wait3A_315 = arith.constant 14000 : i32
      %dma_wait3A_316 = tpu.memref_slice %arg6[%dma_wait3A_315] : memref<18000xi32, #tpu.memory_space<vmem>> -> memref<2000xi32, #tpu.memory_space<vmem>>
      %dma_wait3A_317 = tpu.memref_slice %arg3[%add3A_148] : memref<1000000xi32, #tpu.memory_space<hbm>> -> memref<2000xi32, #tpu.memory_space<hbm>>
      tpu.wait_dma2 semaphore(%arg10 : memref<!tpu.dma_semaphore, #tpu.memory_space<semaphore_mem>>) src(%dma_wait3A_317 : memref<2000xi32, #tpu.memory_space<hbm>>) dst(%dma_wait3A_316 : memref<2000xi32, #tpu.memory_space<vmem>>)
      %dma_wait3A_318 = arith.constant 16000 : i32
      %dma_wait3A_319 = tpu.memref_slice %arg6[%dma_wait3A_318] : memref<18000xi32, #tpu.memory_space<vmem>> -> memref<2000xi32, #tpu.memory_space<vmem>>
      %dma_wait3A_320 = tpu.memref_slice %arg3[%add3A_159] : memref<1000000xi32, #tpu.memory_space<hbm>> -> memref<2000xi32, #tpu.memory_space<hbm>>
      %dma_wait3A_321 = arith.constant 16000 : i32
      %dma_wait3A_322 = tpu.memref_slice %arg6[%dma_wait3A_321] : memref<18000xi32, #tpu.memory_space<vmem>> -> memref<2000xi32, #tpu.memory_space<vmem>>
      %dma_wait3A_323 = tpu.memref_slice %arg3[%add3A_159] : memref<1000000xi32, #tpu.memory_space<hbm>> -> memref<2000xi32, #tpu.memory_space<hbm>>
      tpu.wait_dma2 semaphore(%arg10 : memref<!tpu.dma_semaphore, #tpu.memory_space<semaphore_mem>>) src(%dma_wait3A_323 : memref<2000xi32, #tpu.memory_space<hbm>>) dst(%dma_wait3A_322 : memref<2000xi32, #tpu.memory_space<vmem>>)
      %parallel_loop3A = arith.constant 0 : i32
      %parallel_loop3A_324 = arith.constant 1984 : i32
      %parallel_loop3A_325 = arith.constant 32 : i32
      %parallel_loop3A_326 = scf.for %parallel_loop3A_1112 = %parallel_loop3A to %parallel_loop3A_324 step %parallel_loop3A_325 iter_args(%parallel_loop3A_1113 = %broadcast_in_dim3A_168) -> (vector<16xf32>)  : i32 {
        %parallel_loop3A_1114 = arith.constant 16 : i32
        %parallel_loop3A_1115 = arith.addi %parallel_loop3A_1112, %parallel_loop3A_1114 : i32
        %parallel_loop3A_1116 = arith.constant 16000 : i32
        %parallel_loop3A_1117 = arith.addi %parallel_loop3A_1116, %parallel_loop3A_1112 : i32
        %parallel_loop3A_1118 = arith.index_cast %parallel_loop3A_1117 : i32 to index
        %parallel_loop3A_1119 = tpu.vector_load %arg6[%parallel_loop3A_1118] {strides = array<i32>} : memref<18000xi32, #tpu.memory_space<vmem>>, vector<16xi32>,
        %parallel_loop3A_1120 = arith.sitofp %parallel_loop3A_1119 : vector<16xi32> to vector<16xf32>
        %parallel_loop3A_1121 = arith.constant 1.000000e+00 : f32
        %parallel_loop3A_1122 = vector.broadcast %parallel_loop3A_1121 : f32 to vector<16xf32>
        %parallel_loop3A_1123 = arith.divf %parallel_loop3A_1122, %parallel_loop3A_1120 : vector<16xf32>
        %parallel_loop3A_1124 = arith.constant 0.000000e+00 : f32
        %parallel_loop3A_1125 = vector.broadcast %parallel_loop3A_1124 : f32 to vector<16xf32>
        %parallel_loop3A_1126 = arith.constant 0 : i32
        %parallel_loop3A_1127 = arith.addi %parallel_loop3A_1126, %parallel_loop3A_1112 : i32
        %parallel_loop3A_1128 = arith.index_cast %parallel_loop3A_1127 : i32 to index
        %parallel_loop3A_1129 = tpu.vector_load %arg6[%parallel_loop3A_1128] {strides = array<i32>} : memref<18000xi32, #tpu.memory_space<vmem>>, vector<16xi32>,
        %parallel_loop3A_1130 = tpu.vector_load_idx %arg5[%parallel_loop3A_1129] : memref<50000xf32, #tpu.memory_space<vmem>>[vector<16xi32>], vector<16xf32>,
        %parallel_loop3A_1131 = arith.addf %parallel_loop3A_1125, %parallel_loop3A_1130 : vector<16xf32>
        %parallel_loop3A_1132 = arith.constant 2000 : i32
        %parallel_loop3A_1133 = arith.addi %parallel_loop3A_1132, %parallel_loop3A_1112 : i32
        %parallel_loop3A_1134 = arith.index_cast %parallel_loop3A_1133 : i32 to index
        %parallel_loop3A_1135 = tpu.vector_load %arg6[%parallel_loop3A_1134] {strides = array<i32>} : memref<18000xi32, #tpu.memory_space<vmem>>, vector<16xi32>,
        %parallel_loop3A_1136 = tpu.vector_load_idx %arg5[%parallel_loop3A_1135] : memref<50000xf32, #tpu.memory_space<vmem>>[vector<16xi32>], vector<16xf32>,
        %parallel_loop3A_1137 = arith.addf %parallel_loop3A_1131, %parallel_loop3A_1136 : vector<16xf32>
        %parallel_loop3A_1138 = arith.constant 4000 : i32
        %parallel_loop3A_1139 = arith.addi %parallel_loop3A_1138, %parallel_loop3A_1112 : i32
        %parallel_loop3A_1140 = arith.index_cast %parallel_loop3A_1139 : i32 to index
        %parallel_loop3A_1141 = tpu.vector_load %arg6[%parallel_loop3A_1140] {strides = array<i32>} : memref<18000xi32, #tpu.memory_space<vmem>>, vector<16xi32>,
        %parallel_loop3A_1142 = tpu.vector_load_idx %arg5[%parallel_loop3A_1141] : memref<50000xf32, #tpu.memory_space<vmem>>[vector<16xi32>], vector<16xf32>,
        %parallel_loop3A_1143 = arith.addf %parallel_loop3A_1137, %parallel_loop3A_1142 : vector<16xf32>
        %parallel_loop3A_1144 = arith.constant 6000 : i32
        %parallel_loop3A_1145 = arith.addi %parallel_loop3A_1144, %parallel_loop3A_1112 : i32
        %parallel_loop3A_1146 = arith.index_cast %parallel_loop3A_1145 : i32 to index
        %parallel_loop3A_1147 = tpu.vector_load %arg6[%parallel_loop3A_1146] {strides = array<i32>} : memref<18000xi32, #tpu.memory_space<vmem>>, vector<16xi32>,
        %parallel_loop3A_1148 = tpu.vector_load_idx %arg5[%parallel_loop3A_1147] : memref<50000xf32, #tpu.memory_space<vmem>>[vector<16xi32>], vector<16xf32>,
        %parallel_loop3A_1149 = arith.addf %parallel_loop3A_1143, %parallel_loop3A_1148 : vector<16xf32>
        %parallel_loop3A_1150 = arith.constant 8000 : i32
        %parallel_loop3A_1151 = arith.addi %parallel_loop3A_1150, %parallel_loop3A_1112 : i32
        %parallel_loop3A_1152 = arith.index_cast %parallel_loop3A_1151 : i32 to index
        %parallel_loop3A_1153 = tpu.vector_load %arg6[%parallel_loop3A_1152] {strides = array<i32>} : memref<18000xi32, #tpu.memory_space<vmem>>, vector<16xi32>,
        %parallel_loop3A_1154 = tpu.vector_load_idx %arg5[%parallel_loop3A_1153] : memref<50000xf32, #tpu.memory_space<vmem>>[vector<16xi32>], vector<16xf32>,
        %parallel_loop3A_1155 = arith.addf %parallel_loop3A_1149, %parallel_loop3A_1154 : vector<16xf32>
        %parallel_loop3A_1156 = arith.constant 10000 : i32
        %parallel_loop3A_1157 = arith.addi %parallel_loop3A_1156, %parallel_loop3A_1112 : i32
        %parallel_loop3A_1158 = arith.index_cast %parallel_loop3A_1157 : i32 to index
        %parallel_loop3A_1159 = tpu.vector_load %arg6[%parallel_loop3A_1158] {strides = array<i32>} : memref<18000xi32, #tpu.memory_space<vmem>>, vector<16xi32>,
        %parallel_loop3A_1160 = tpu.vector_load_idx %arg5[%parallel_loop3A_1159] : memref<50000xf32, #tpu.memory_space<vmem>>[vector<16xi32>], vector<16xf32>,
        %parallel_loop3A_1161 = arith.addf %parallel_loop3A_1155, %parallel_loop3A_1160 : vector<16xf32>
        %parallel_loop3A_1162 = arith.constant 12000 : i32
        %parallel_loop3A_1163 = arith.addi %parallel_loop3A_1162, %parallel_loop3A_1112 : i32
        %parallel_loop3A_1164 = arith.index_cast %parallel_loop3A_1163 : i32 to index
        %parallel_loop3A_1165 = tpu.vector_load %arg6[%parallel_loop3A_1164] {strides = array<i32>} : memref<18000xi32, #tpu.memory_space<vmem>>, vector<16xi32>,
        %parallel_loop3A_1166 = tpu.vector_load_idx %arg5[%parallel_loop3A_1165] : memref<50000xf32, #tpu.memory_space<vmem>>[vector<16xi32>], vector<16xf32>,
        %parallel_loop3A_1167 = arith.addf %parallel_loop3A_1161, %parallel_loop3A_1166 : vector<16xf32>
        %parallel_loop3A_1168 = arith.constant 14000 : i32
        %parallel_loop3A_1169 = arith.addi %parallel_loop3A_1168, %parallel_loop3A_1112 : i32
        %parallel_loop3A_1170 = arith.index_cast %parallel_loop3A_1169 : i32 to index
        %parallel_loop3A_1171 = tpu.vector_load %arg6[%parallel_loop3A_1170] {strides = array<i32>} : memref<18000xi32, #tpu.memory_space<vmem>>, vector<16xi32>,
        %parallel_loop3A_1172 = tpu.vector_load_idx %arg5[%parallel_loop3A_1171] : memref<50000xf32, #tpu.memory_space<vmem>>[vector<16xi32>], vector<16xf32>,
        %parallel_loop3A_1173 = arith.addf %parallel_loop3A_1167, %parallel_loop3A_1172 : vector<16xf32>
        %parallel_loop3A_1174 = arith.constant 0 : i32
        %parallel_loop3A_1175 = arith.addi %mul3A_63, %parallel_loop3A_1174 : i32
        %parallel_loop3A_1176 = arith.addi %parallel_loop3A_1175, %parallel_loop3A_1112 : i32
        %parallel_loop3A_1177 = arith.index_cast %parallel_loop3A_1176 : i32 to index
        %parallel_loop3A_1178 = tpu.vector_load %arg5[%parallel_loop3A_1177] {strides = array<i32>} : memref<50000xf32, #tpu.memory_space<vmem>>, vector<16xf32>,
        %parallel_loop3A_1179 = arith.mulf %parallel_loop3A_1173, %parallel_loop3A_1123 : vector<16xf32>
        %parallel_loop3A_1180 = arith.subf %parallel_loop3A_1178, %parallel_loop3A_1179 : vector<16xf32>
        %parallel_loop3A_1181 = arith.mulf %parallel_loop3A_1180, %parallel_loop3A_1180 : vector<16xf32>
        %parallel_loop3A_1182 = arith.addf %parallel_loop3A_1113, %parallel_loop3A_1181 : vector<16xf32>
        %parallel_loop3A_1183 = arith.constant 16000 : i32
        %parallel_loop3A_1184 = arith.addi %parallel_loop3A_1183, %parallel_loop3A_1115 : i32
        %parallel_loop3A_1185 = arith.index_cast %parallel_loop3A_1184 : i32 to index
        %parallel_loop3A_1186 = tpu.vector_load %arg6[%parallel_loop3A_1185] {strides = array<i32>} : memref<18000xi32, #tpu.memory_space<vmem>>, vector<16xi32>,
        %parallel_loop3A_1187 = arith.sitofp %parallel_loop3A_1186 : vector<16xi32> to vector<16xf32>
        %parallel_loop3A_1188 = arith.constant 1.000000e+00 : f32
        %parallel_loop3A_1189 = vector.broadcast %parallel_loop3A_1188 : f32 to vector<16xf32>
        %parallel_loop3A_1190 = arith.divf %parallel_loop3A_1189, %parallel_loop3A_1187 : vector<16xf32>
        %parallel_loop3A_1191 = arith.constant 0.000000e+00 : f32
        %parallel_loop3A_1192 = vector.broadcast %parallel_loop3A_1191 : f32 to vector<16xf32>
        %parallel_loop3A_1193 = arith.constant 0 : i32
        %parallel_loop3A_1194 = arith.addi %parallel_loop3A_1193, %parallel_loop3A_1115 : i32
        %parallel_loop3A_1195 = arith.index_cast %parallel_loop3A_1194 : i32 to index
        %parallel_loop3A_1196 = tpu.vector_load %arg6[%parallel_loop3A_1195] {strides = array<i32>} : memref<18000xi32, #tpu.memory_space<vmem>>, vector<16xi32>,
        %parallel_loop3A_1197 = tpu.vector_load_idx %arg5[%parallel_loop3A_1196] : memref<50000xf32, #tpu.memory_space<vmem>>[vector<16xi32>], vector<16xf32>,
        %parallel_loop3A_1198 = arith.addf %parallel_loop3A_1192, %parallel_loop3A_1197 : vector<16xf32>
        %parallel_loop3A_1199 = arith.constant 2000 : i32
        %parallel_loop3A_1200 = arith.addi %parallel_loop3A_1199, %parallel_loop3A_1115 : i32
        %parallel_loop3A_1201 = arith.index_cast %parallel_loop3A_1200 : i32 to index
        %parallel_loop3A_1202 = tpu.vector_load %arg6[%parallel_loop3A_1201] {strides = array<i32>} : memref<18000xi32, #tpu.memory_space<vmem>>, vector<16xi32>,
        %parallel_loop3A_1203 = tpu.vector_load_idx %arg5[%parallel_loop3A_1202] : memref<50000xf32, #tpu.memory_space<vmem>>[vector<16xi32>], vector<16xf32>,
        %parallel_loop3A_1204 = arith.addf %parallel_loop3A_1198, %parallel_loop3A_1203 : vector<16xf32>
        %parallel_loop3A_1205 = arith.constant 4000 : i32
        %parallel_loop3A_1206 = arith.addi %parallel_loop3A_1205, %parallel_loop3A_1115 : i32
        %parallel_loop3A_1207 = arith.index_cast %parallel_loop3A_1206 : i32 to index
        %parallel_loop3A_1208 = tpu.vector_load %arg6[%parallel_loop3A_1207] {strides = array<i32>} : memref<18000xi32, #tpu.memory_space<vmem>>, vector<16xi32>,
        %parallel_loop3A_1209 = tpu.vector_load_idx %arg5[%parallel_loop3A_1208] : memref<50000xf32, #tpu.memory_space<vmem>>[vector<16xi32>], vector<16xf32>,
        %parallel_loop3A_1210 = arith.addf %parallel_loop3A_1204, %parallel_loop3A_1209 : vector<16xf32>
        %parallel_loop3A_1211 = arith.constant 6000 : i32
        %parallel_loop3A_1212 = arith.addi %parallel_loop3A_1211, %parallel_loop3A_1115 : i32
        %parallel_loop3A_1213 = arith.index_cast %parallel_loop3A_1212 : i32 to index
        %parallel_loop3A_1214 = tpu.vector_load %arg6[%parallel_loop3A_1213] {strides = array<i32>} : memref<18000xi32, #tpu.memory_space<vmem>>, vector<16xi32>,
        %parallel_loop3A_1215 = tpu.vector_load_idx %arg5[%parallel_loop3A_1214] : memref<50000xf32, #tpu.memory_space<vmem>>[vector<16xi32>], vector<16xf32>,
        %parallel_loop3A_1216 = arith.addf %parallel_loop3A_1210, %parallel_loop3A_1215 : vector<16xf32>
        %parallel_loop3A_1217 = arith.constant 8000 : i32
        %parallel_loop3A_1218 = arith.addi %parallel_loop3A_1217, %parallel_loop3A_1115 : i32
        %parallel_loop3A_1219 = arith.index_cast %parallel_loop3A_1218 : i32 to index
        %parallel_loop3A_1220 = tpu.vector_load %arg6[%parallel_loop3A_1219] {strides = array<i32>} : memref<18000xi32, #tpu.memory_space<vmem>>, vector<16xi32>,
        %parallel_loop3A_1221 = tpu.vector_load_idx %arg5[%parallel_loop3A_1220] : memref<50000xf32, #tpu.memory_space<vmem>>[vector<16xi32>], vector<16xf32>,
        %parallel_loop3A_1222 = arith.addf %parallel_loop3A_1216, %parallel_loop3A_1221 : vector<16xf32>
        %parallel_loop3A_1223 = arith.constant 10000 : i32
        %parallel_loop3A_1224 = arith.addi %parallel_loop3A_1223, %parallel_loop3A_1115 : i32
        %parallel_loop3A_1225 = arith.index_cast %parallel_loop3A_1224 : i32 to index
        %parallel_loop3A_1226 = tpu.vector_load %arg6[%parallel_loop3A_1225] {strides = array<i32>} : memref<18000xi32, #tpu.memory_space<vmem>>, vector<16xi32>,
        %parallel_loop3A_1227 = tpu.vector_load_idx %arg5[%parallel_loop3A_1226] : memref<50000xf32, #tpu.memory_space<vmem>>[vector<16xi32>], vector<16xf32>,
        %parallel_loop3A_1228 = arith.addf %parallel_loop3A_1222, %parallel_loop3A_1227 : vector<16xf32>
        %parallel_loop3A_1229 = arith.constant 12000 : i32
        %parallel_loop3A_1230 = arith.addi %parallel_loop3A_1229, %parallel_loop3A_1115 : i32
        %parallel_loop3A_1231 = arith.index_cast %parallel_loop3A_1230 : i32 to index
        %parallel_loop3A_1232 = tpu.vector_load %arg6[%parallel_loop3A_1231] {strides = array<i32>} : memref<18000xi32, #tpu.memory_space<vmem>>, vector<16xi32>,
        %parallel_loop3A_1233 = tpu.vector_load_idx %arg5[%parallel_loop3A_1232] : memref<50000xf32, #tpu.memory_space<vmem>>[vector<16xi32>], vector<16xf32>,
        %parallel_loop3A_1234 = arith.addf %parallel_loop3A_1228, %parallel_loop3A_1233 : vector<16xf32>
        %parallel_loop3A_1235 = arith.constant 14000 : i32
        %parallel_loop3A_1236 = arith.addi %parallel_loop3A_1235, %parallel_loop3A_1115 : i32
        %parallel_loop3A_1237 = arith.index_cast %parallel_loop3A_1236 : i32 to index
        %parallel_loop3A_1238 = tpu.vector_load %arg6[%parallel_loop3A_1237] {strides = array<i32>} : memref<18000xi32, #tpu.memory_space<vmem>>, vector<16xi32>,
        %parallel_loop3A_1239 = tpu.vector_load_idx %arg5[%parallel_loop3A_1238] : memref<50000xf32, #tpu.memory_space<vmem>>[vector<16xi32>], vector<16xf32>,
        %parallel_loop3A_1240 = arith.addf %parallel_loop3A_1234, %parallel_loop3A_1239 : vector<16xf32>
        %parallel_loop3A_1241 = arith.constant 0 : i32
        %parallel_loop3A_1242 = arith.addi %mul3A_63, %parallel_loop3A_1241 : i32
        %parallel_loop3A_1243 = arith.addi %parallel_loop3A_1242, %parallel_loop3A_1115 : i32
        %parallel_loop3A_1244 = arith.index_cast %parallel_loop3A_1243 : i32 to index
        %parallel_loop3A_1245 = tpu.vector_load %arg5[%parallel_loop3A_1244] {strides = array<i32>} : memref<50000xf32, #tpu.memory_space<vmem>>, vector<16xf32>,
        %parallel_loop3A_1246 = arith.mulf %parallel_loop3A_1240, %parallel_loop3A_1190 : vector<16xf32>
        %parallel_loop3A_1247 = arith.subf %parallel_loop3A_1245, %parallel_loop3A_1246 : vector<16xf32>
        %parallel_loop3A_1248 = arith.mulf %parallel_loop3A_1247, %parallel_loop3A_1247 : vector<16xf32>
        %parallel_loop3A_1249 = arith.addf %parallel_loop3A_1182, %parallel_loop3A_1248 : vector<16xf32>
        scf.yield %parallel_loop3A_1249 : vector<16xf32>
      } {sc.loop_unroll_factor = 1 : i64, sc.parallel_access}
      %get3A = arith.constant 17984 : index
      %get3A_327 = tpu.vector_load %arg6[%get3A] {strides = array<i32>} : memref<18000xi32, #tpu.memory_space<vmem>>, vector<16xi32>,
      %convert_element_type3A_328 = arith.sitofp %get3A_327 : vector<16xi32> to vector<16xf32>
      %div3A_329 = arith.constant 1.000000e+00 : f32
      %div3A_330 = vector.broadcast %div3A_329 : f32 to vector<16xf32>
      %div3A_331 = arith.divf %div3A_330, %convert_element_type3A_328 : vector<16xf32>
      %broadcast_in_dim3A_332 = arith.constant 0.000000e+00 : f32
      %broadcast_in_dim3A_333 = vector.broadcast %broadcast_in_dim3A_332 : f32 to vector<16xf32>
      %get3A_334 = arith.constant 1984 : index
      %get3A_335 = tpu.vector_load %arg6[%get3A_334] {strides = array<i32>} : memref<18000xi32, #tpu.memory_space<vmem>>, vector<16xi32>,
      %gather3A = tpu.vector_load_idx %arg5[%get3A_335] : memref<50000xf32, #tpu.memory_space<vmem>>[vector<16xi32>], vector<16xf32>,
      %add3A_336 = arith.addf %broadcast_in_dim3A_333, %gather3A : vector<16xf32>
      %get3A_337 = arith.constant 3984 : index
      %get3A_338 = tpu.vector_load %arg6[%get3A_337] {strides = array<i32>} : memref<18000xi32, #tpu.memory_space<vmem>>, vector<16xi32>,
      %gather3A_339 = tpu.vector_load_idx %arg5[%get3A_338] : memref<50000xf32, #tpu.memory_space<vmem>>[vector<16xi32>], vector<16xf32>,
      %add3A_340 = arith.addf %add3A_336, %gather3A_339 : vector<16xf32>
      %get3A_341 = arith.constant 5984 : index
      %get3A_342 = tpu.vector_load %arg6[%get3A_341] {strides = array<i32>} : memref<18000xi32, #tpu.memory_space<vmem>>, vector<16xi32>,
      %gather3A_343 = tpu.vector_load_idx %arg5[%get3A_342] : memref<50000xf32, #tpu.memory_space<vmem>>[vector<16xi32>], vector<16xf32>,
      %add3A_344 = arith.addf %add3A_340, %gather3A_343 : vector<16xf32>
      %get3A_345 = arith.constant 7984 : index
      %get3A_346 = tpu.vector_load %arg6[%get3A_345] {strides = array<i32>} : memref<18000xi32, #tpu.memory_space<vmem>>, vector<16xi32>,
      %gather3A_347 = tpu.vector_load_idx %arg5[%get3A_346] : memref<50000xf32, #tpu.memory_space<vmem>>[vector<16xi32>], vector<16xf32>,
      %add3A_348 = arith.addf %add3A_344, %gather3A_347 : vector<16xf32>
      %get3A_349 = arith.constant 9984 : index
      %get3A_350 = tpu.vector_load %arg6[%get3A_349] {strides = array<i32>} : memref<18000xi32, #tpu.memory_space<vmem>>, vector<16xi32>,
      %gather3A_351 = tpu.vector_load_idx %arg5[%get3A_350] : memref<50000xf32, #tpu.memory_space<vmem>>[vector<16xi32>], vector<16xf32>,
      %add3A_352 = arith.addf %add3A_348, %gather3A_351 : vector<16xf32>
      %get3A_353 = arith.constant 11984 : index
      %get3A_354 = tpu.vector_load %arg6[%get3A_353] {strides = array<i32>} : memref<18000xi32, #tpu.memory_space<vmem>>, vector<16xi32>,
      %gather3A_355 = tpu.vector_load_idx %arg5[%get3A_354] : memref<50000xf32, #tpu.memory_space<vmem>>[vector<16xi32>], vector<16xf32>,
      %add3A_356 = arith.addf %add3A_352, %gather3A_355 : vector<16xf32>
      %get3A_357 = arith.constant 13984 : index
      %get3A_358 = tpu.vector_load %arg6[%get3A_357] {strides = array<i32>} : memref<18000xi32, #tpu.memory_space<vmem>>, vector<16xi32>,
      %gather3A_359 = tpu.vector_load_idx %arg5[%get3A_358] : memref<50000xf32, #tpu.memory_space<vmem>>[vector<16xi32>], vector<16xf32>,
      %add3A_360 = arith.addf %add3A_356, %gather3A_359 : vector<16xf32>
      %get3A_361 = arith.constant 15984 : index
      %get3A_362 = tpu.vector_load %arg6[%get3A_361] {strides = array<i32>} : memref<18000xi32, #tpu.memory_space<vmem>>, vector<16xi32>,
      %gather3A_363 = tpu.vector_load_idx %arg5[%get3A_362] : memref<50000xf32, #tpu.memory_space<vmem>>[vector<16xi32>], vector<16xf32>,
      %add3A_364 = arith.addf %add3A_360, %gather3A_363 : vector<16xf32>
      %add3A_365 = arith.constant 0 : i32
      %add3A_366 = arith.addi %mul3A_63, %add3A_365 : i32
      %add3A_367 = arith.constant 1984 : i32
      %add3A_368 = arith.addi %add3A_366, %add3A_367 : i32
      %get3A_369 = arith.index_cast %add3A_368 : i32 to index
      %get3A_370 = tpu.vector_load %arg5[%get3A_369] {strides = array<i32>} : memref<50000xf32, #tpu.memory_space<vmem>>, vector<16xf32>,
      %mul3A_371 = arith.mulf %add3A_364, %div3A_331 : vector<16xf32>
      %sub3A_372 = arith.subf %get3A_370, %mul3A_371 : vector<16xf32>
      %mul3A_373 = arith.mulf %sub3A_372, %sub3A_372 : vector<16xf32>
      %add3A_374 = arith.addf %parallel_loop3A_326, %mul3A_373 : vector<16xf32>
      %add3A_375 = arith.constant 4000 : i32
      %add3A_376 = arith.addi %mul3A_63, %add3A_375 : i32
      %add3A_377 = arith.constant 0 : i32
      %add3A_378 = arith.addi %add3A_377, %select_n3A_61 : i32
      %mul3A_379 = arith.constant 50000 : i32
      %mul3A_380 = arith.muli %add3A_378, %mul3A_379 : i32
      %add3A_381 = arith.addi %mul3A_380, %add3A_376 : i32
      %dma_start3A_382 = arith.constant 0 : i32
      %dma_start3A_383 = tpu.memref_slice %arg6[%dma_start3A_382] : memref<18000xi32, #tpu.memory_space<vmem>> -> memref<2000xi32, #tpu.memory_space<vmem>>
      %dma_start3A_384 = tpu.memref_slice %arg3[%add3A_381] : memref<1000000xi32, #tpu.memory_space<hbm>> -> memref<2000xi32, #tpu.memory_space<hbm>>
      %dma_start3A_385 = arith.constant 0 : i32
      %dma_start3A_386 = tpu.memref_slice %arg6[%dma_start3A_385] : memref<18000xi32, #tpu.memory_space<vmem>> -> memref<2000xi32, #tpu.memory_space<vmem>>
      %dma_start3A_387 = tpu.memref_slice %arg3[%add3A_381] : memref<1000000xi32, #tpu.memory_space<hbm>> -> memref<2000xi32, #tpu.memory_space<hbm>>
      tpu.enqueue_dma source(%dma_start3A_387 : memref<2000xi32, #tpu.memory_space<hbm>>) target(%dma_start3A_386 : memref<2000xi32, #tpu.memory_space<vmem>>) target_semaphore(%arg10 : memref<!tpu.dma_semaphore, #tpu.memory_space<semaphore_mem>>)
      %add3A_388 = arith.constant 2 : i32
      %add3A_389 = arith.addi %add3A_388, %select_n3A_61 : i32
      %mul3A_390 = arith.constant 50000 : i32
      %mul3A_391 = arith.muli %add3A_389, %mul3A_390 : i32
      %add3A_392 = arith.addi %mul3A_391, %add3A_376 : i32
      %dma_start3A_393 = arith.constant 2000 : i32
      %dma_start3A_394 = tpu.memref_slice %arg6[%dma_start3A_393] : memref<18000xi32, #tpu.memory_space<vmem>> -> memref<2000xi32, #tpu.memory_space<vmem>>
      %dma_start3A_395 = tpu.memref_slice %arg3[%add3A_392] : memref<1000000xi32, #tpu.memory_space<hbm>> -> memref<2000xi32, #tpu.memory_space<hbm>>
      %dma_start3A_396 = arith.constant 2000 : i32
      %dma_start3A_397 = tpu.memref_slice %arg6[%dma_start3A_396] : memref<18000xi32, #tpu.memory_space<vmem>> -> memref<2000xi32, #tpu.memory_space<vmem>>
      %dma_start3A_398 = tpu.memref_slice %arg3[%add3A_392] : memref<1000000xi32, #tpu.memory_space<hbm>> -> memref<2000xi32, #tpu.memory_space<hbm>>
      tpu.enqueue_dma source(%dma_start3A_398 : memref<2000xi32, #tpu.memory_space<hbm>>) target(%dma_start3A_397 : memref<2000xi32, #tpu.memory_space<vmem>>) target_semaphore(%arg10 : memref<!tpu.dma_semaphore, #tpu.memory_space<semaphore_mem>>)
      %add3A_399 = arith.constant 4 : i32
      %add3A_400 = arith.addi %add3A_399, %select_n3A_61 : i32
      %mul3A_401 = arith.constant 50000 : i32
      %mul3A_402 = arith.muli %add3A_400, %mul3A_401 : i32
      %add3A_403 = arith.addi %mul3A_402, %add3A_376 : i32
      %dma_start3A_404 = arith.constant 4000 : i32
      %dma_start3A_405 = tpu.memref_slice %arg6[%dma_start3A_404] : memref<18000xi32, #tpu.memory_space<vmem>> -> memref<2000xi32, #tpu.memory_space<vmem>>
      %dma_start3A_406 = tpu.memref_slice %arg3[%add3A_403] : memref<1000000xi32, #tpu.memory_space<hbm>> -> memref<2000xi32, #tpu.memory_space<hbm>>
      %dma_start3A_407 = arith.constant 4000 : i32
      %dma_start3A_408 = tpu.memref_slice %arg6[%dma_start3A_407] : memref<18000xi32, #tpu.memory_space<vmem>> -> memref<2000xi32, #tpu.memory_space<vmem>>
      %dma_start3A_409 = tpu.memref_slice %arg3[%add3A_403] : memref<1000000xi32, #tpu.memory_space<hbm>> -> memref<2000xi32, #tpu.memory_space<hbm>>
      tpu.enqueue_dma source(%dma_start3A_409 : memref<2000xi32, #tpu.memory_space<hbm>>) target(%dma_start3A_408 : memref<2000xi32, #tpu.memory_space<vmem>>) target_semaphore(%arg10 : memref<!tpu.dma_semaphore, #tpu.memory_space<semaphore_mem>>)
      %add3A_410 = arith.constant 6 : i32
      %add3A_411 = arith.addi %add3A_410, %select_n3A_61 : i32
      %mul3A_412 = arith.constant 50000 : i32
      %mul3A_413 = arith.muli %add3A_411, %mul3A_412 : i32
      %add3A_414 = arith.addi %mul3A_413, %add3A_376 : i32
      %dma_start3A_415 = arith.constant 6000 : i32
      %dma_start3A_416 = tpu.memref_slice %arg6[%dma_start3A_415] : memref<18000xi32, #tpu.memory_space<vmem>> -> memref<2000xi32, #tpu.memory_space<vmem>>
      %dma_start3A_417 = tpu.memref_slice %arg3[%add3A_414] : memref<1000000xi32, #tpu.memory_space<hbm>> -> memref<2000xi32, #tpu.memory_space<hbm>>
      %dma_start3A_418 = arith.constant 6000 : i32
      %dma_start3A_419 = tpu.memref_slice %arg6[%dma_start3A_418] : memref<18000xi32, #tpu.memory_space<vmem>> -> memref<2000xi32, #tpu.memory_space<vmem>>
      %dma_start3A_420 = tpu.memref_slice %arg3[%add3A_414] : memref<1000000xi32, #tpu.memory_space<hbm>> -> memref<2000xi32, #tpu.memory_space<hbm>>
      tpu.enqueue_dma source(%dma_start3A_420 : memref<2000xi32, #tpu.memory_space<hbm>>) target(%dma_start3A_419 : memref<2000xi32, #tpu.memory_space<vmem>>) target_semaphore(%arg10 : memref<!tpu.dma_semaphore, #tpu.memory_space<semaphore_mem>>)
      %add3A_421 = arith.constant 8 : i32
      %add3A_422 = arith.addi %add3A_421, %select_n3A_61 : i32
      %mul3A_423 = arith.constant 50000 : i32
      %mul3A_424 = arith.muli %add3A_422, %mul3A_423 : i32
      %add3A_425 = arith.addi %mul3A_424, %add3A_376 : i32
      %dma_start3A_426 = arith.constant 8000 : i32
      %dma_start3A_427 = tpu.memref_slice %arg6[%dma_start3A_426] : memref<18000xi32, #tpu.memory_space<vmem>> -> memref<2000xi32, #tpu.memory_space<vmem>>
      %dma_start3A_428 = tpu.memref_slice %arg3[%add3A_425] : memref<1000000xi32, #tpu.memory_space<hbm>> -> memref<2000xi32, #tpu.memory_space<hbm>>
      %dma_start3A_429 = arith.constant 8000 : i32
      %dma_start3A_430 = tpu.memref_slice %arg6[%dma_start3A_429] : memref<18000xi32, #tpu.memory_space<vmem>> -> memref<2000xi32, #tpu.memory_space<vmem>>
      %dma_start3A_431 = tpu.memref_slice %arg3[%add3A_425] : memref<1000000xi32, #tpu.memory_space<hbm>> -> memref<2000xi32, #tpu.memory_space<hbm>>
      tpu.enqueue_dma source(%dma_start3A_431 : memref<2000xi32, #tpu.memory_space<hbm>>) target(%dma_start3A_430 : memref<2000xi32, #tpu.memory_space<vmem>>) target_semaphore(%arg10 : memref<!tpu.dma_semaphore, #tpu.memory_space<semaphore_mem>>)
      %add3A_432 = arith.constant 10 : i32
      %add3A_433 = arith.addi %add3A_432, %select_n3A_61 : i32
      %mul3A_434 = arith.constant 50000 : i32
      %mul3A_435 = arith.muli %add3A_433, %mul3A_434 : i32
      %add3A_436 = arith.addi %mul3A_435, %add3A_376 : i32
      %dma_start3A_437 = arith.constant 10000 : i32
      %dma_start3A_438 = tpu.memref_slice %arg6[%dma_start3A_437] : memref<18000xi32, #tpu.memory_space<vmem>> -> memref<2000xi32, #tpu.memory_space<vmem>>
      %dma_start3A_439 = tpu.memref_slice %arg3[%add3A_436] : memref<1000000xi32, #tpu.memory_space<hbm>> -> memref<2000xi32, #tpu.memory_space<hbm>>
      %dma_start3A_440 = arith.constant 10000 : i32
      %dma_start3A_441 = tpu.memref_slice %arg6[%dma_start3A_440] : memref<18000xi32, #tpu.memory_space<vmem>> -> memref<2000xi32, #tpu.memory_space<vmem>>
      %dma_start3A_442 = tpu.memref_slice %arg3[%add3A_436] : memref<1000000xi32, #tpu.memory_space<hbm>> -> memref<2000xi32, #tpu.memory_space<hbm>>
      tpu.enqueue_dma source(%dma_start3A_442 : memref<2000xi32, #tpu.memory_space<hbm>>) target(%dma_start3A_441 : memref<2000xi32, #tpu.memory_space<vmem>>) target_semaphore(%arg10 : memref<!tpu.dma_semaphore, #tpu.memory_space<semaphore_mem>>)
      %add3A_443 = arith.constant 12 : i32
      %add3A_444 = arith.addi %add3A_443, %select_n3A_61 : i32
      %mul3A_445 = arith.constant 50000 : i32
      %mul3A_446 = arith.muli %add3A_444, %mul3A_445 : i32
      %add3A_447 = arith.addi %mul3A_446, %add3A_376 : i32
      %dma_start3A_448 = arith.constant 12000 : i32
      %dma_start3A_449 = tpu.memref_slice %arg6[%dma_start3A_448] : memref<18000xi32, #tpu.memory_space<vmem>> -> memref<2000xi32, #tpu.memory_space<vmem>>
      %dma_start3A_450 = tpu.memref_slice %arg3[%add3A_447] : memref<1000000xi32, #tpu.memory_space<hbm>> -> memref<2000xi32, #tpu.memory_space<hbm>>
      %dma_start3A_451 = arith.constant 12000 : i32
      %dma_start3A_452 = tpu.memref_slice %arg6[%dma_start3A_451] : memref<18000xi32, #tpu.memory_space<vmem>> -> memref<2000xi32, #tpu.memory_space<vmem>>
      %dma_start3A_453 = tpu.memref_slice %arg3[%add3A_447] : memref<1000000xi32, #tpu.memory_space<hbm>> -> memref<2000xi32, #tpu.memory_space<hbm>>
      tpu.enqueue_dma source(%dma_start3A_453 : memref<2000xi32, #tpu.memory_space<hbm>>) target(%dma_start3A_452 : memref<2000xi32, #tpu.memory_space<vmem>>) target_semaphore(%arg10 : memref<!tpu.dma_semaphore, #tpu.memory_space<semaphore_mem>>)
      %add3A_454 = arith.constant 14 : i32
      %add3A_455 = arith.addi %add3A_454, %select_n3A_61 : i32
      %mul3A_456 = arith.constant 50000 : i32
      %mul3A_457 = arith.muli %add3A_455, %mul3A_456 : i32
      %add3A_458 = arith.addi %mul3A_457, %add3A_376 : i32
      %dma_start3A_459 = arith.constant 14000 : i32
      %dma_start3A_460 = tpu.memref_slice %arg6[%dma_start3A_459] : memref<18000xi32, #tpu.memory_space<vmem>> -> memref<2000xi32, #tpu.memory_space<vmem>>
      %dma_start3A_461 = tpu.memref_slice %arg3[%add3A_458] : memref<1000000xi32, #tpu.memory_space<hbm>> -> memref<2000xi32, #tpu.memory_space<hbm>>
      %dma_start3A_462 = arith.constant 14000 : i32
      %dma_start3A_463 = tpu.memref_slice %arg6[%dma_start3A_462] : memref<18000xi32, #tpu.memory_space<vmem>> -> memref<2000xi32, #tpu.memory_space<vmem>>
      %dma_start3A_464 = tpu.memref_slice %arg3[%add3A_458] : memref<1000000xi32, #tpu.memory_space<hbm>> -> memref<2000xi32, #tpu.memory_space<hbm>>
      tpu.enqueue_dma source(%dma_start3A_464 : memref<2000xi32, #tpu.memory_space<hbm>>) target(%dma_start3A_463 : memref<2000xi32, #tpu.memory_space<vmem>>) target_semaphore(%arg10 : memref<!tpu.dma_semaphore, #tpu.memory_space<semaphore_mem>>)
      %add3A_465 = arith.constant 18 : i32
      %add3A_466 = arith.addi %add3A_465, %select_n3A_61 : i32
      %mul3A_467 = arith.constant 50000 : i32
      %mul3A_468 = arith.muli %add3A_466, %mul3A_467 : i32
      %add3A_469 = arith.addi %mul3A_468, %add3A_376 : i32
      %dma_start3A_470 = arith.constant 16000 : i32
      %dma_start3A_471 = tpu.memref_slice %arg6[%dma_start3A_470] : memref<18000xi32, #tpu.memory_space<vmem>> -> memref<2000xi32, #tpu.memory_space<vmem>>
      %dma_start3A_472 = tpu.memref_slice %arg3[%add3A_469] : memref<1000000xi32, #tpu.memory_space<hbm>> -> memref<2000xi32, #tpu.memory_space<hbm>>
      %dma_start3A_473 = arith.constant 16000 : i32
      %dma_start3A_474 = tpu.memref_slice %arg6[%dma_start3A_473] : memref<18000xi32, #tpu.memory_space<vmem>> -> memref<2000xi32, #tpu.memory_space<vmem>>
      %dma_start3A_475 = tpu.memref_slice %arg3[%add3A_469] : memref<1000000xi32, #tpu.memory_space<hbm>> -> memref<2000xi32, #tpu.memory_space<hbm>>
      tpu.enqueue_dma source(%dma_start3A_475 : memref<2000xi32, #tpu.memory_space<hbm>>) target(%dma_start3A_474 : memref<2000xi32, #tpu.memory_space<vmem>>) target_semaphore(%arg10 : memref<!tpu.dma_semaphore, #tpu.memory_space<semaphore_mem>>)
      %dma_wait3A_476 = arith.constant 0 : i32
      %dma_wait3A_477 = tpu.memref_slice %arg7[%dma_wait3A_476] : memref<18000xi32, #tpu.memory_space<vmem>> -> memref<2000xi32, #tpu.memory_space<vmem>>
      %dma_wait3A_478 = tpu.memref_slice %arg3[%add3A_175] : memref<1000000xi32, #tpu.memory_space<hbm>> -> memref<2000xi32, #tpu.memory_space<hbm>>
      %dma_wait3A_479 = arith.constant 0 : i32
      %dma_wait3A_480 = tpu.memref_slice %arg7[%dma_wait3A_479] : memref<18000xi32, #tpu.memory_space<vmem>> -> memref<2000xi32, #tpu.memory_space<vmem>>
      %dma_wait3A_481 = tpu.memref_slice %arg3[%add3A_175] : memref<1000000xi32, #tpu.memory_space<hbm>> -> memref<2000xi32, #tpu.memory_space<hbm>>
      tpu.wait_dma2 semaphore(%arg10 : memref<!tpu.dma_semaphore, #tpu.memory_space<semaphore_mem>>) src(%dma_wait3A_481 : memref<2000xi32, #tpu.memory_space<hbm>>) dst(%dma_wait3A_480 : memref<2000xi32, #tpu.memory_space<vmem>>)
      %dma_wait3A_482 = arith.constant 2000 : i32
      %dma_wait3A_483 = tpu.memref_slice %arg7[%dma_wait3A_482] : memref<18000xi32, #tpu.memory_space<vmem>> -> memref<2000xi32, #tpu.memory_space<vmem>>
      %dma_wait3A_484 = tpu.memref_slice %arg3[%add3A_186] : memref<1000000xi32, #tpu.memory_space<hbm>> -> memref<2000xi32, #tpu.memory_space<hbm>>
      %dma_wait3A_485 = arith.constant 2000 : i32
      %dma_wait3A_486 = tpu.memref_slice %arg7[%dma_wait3A_485] : memref<18000xi32, #tpu.memory_space<vmem>> -> memref<2000xi32, #tpu.memory_space<vmem>>
      %dma_wait3A_487 = tpu.memref_slice %arg3[%add3A_186] : memref<1000000xi32, #tpu.memory_space<hbm>> -> memref<2000xi32, #tpu.memory_space<hbm>>
      tpu.wait_dma2 semaphore(%arg10 : memref<!tpu.dma_semaphore, #tpu.memory_space<semaphore_mem>>) src(%dma_wait3A_487 : memref<2000xi32, #tpu.memory_space<hbm>>) dst(%dma_wait3A_486 : memref<2000xi32, #tpu.memory_space<vmem>>)
      %dma_wait3A_488 = arith.constant 4000 : i32
      %dma_wait3A_489 = tpu.memref_slice %arg7[%dma_wait3A_488] : memref<18000xi32, #tpu.memory_space<vmem>> -> memref<2000xi32, #tpu.memory_space<vmem>>
      %dma_wait3A_490 = tpu.memref_slice %arg3[%add3A_197] : memref<1000000xi32, #tpu.memory_space<hbm>> -> memref<2000xi32, #tpu.memory_space<hbm>>
      %dma_wait3A_491 = arith.constant 4000 : i32
      %dma_wait3A_492 = tpu.memref_slice %arg7[%dma_wait3A_491] : memref<18000xi32, #tpu.memory_space<vmem>> -> memref<2000xi32, #tpu.memory_space<vmem>>
      %dma_wait3A_493 = tpu.memref_slice %arg3[%add3A_197] : memref<1000000xi32, #tpu.memory_space<hbm>> -> memref<2000xi32, #tpu.memory_space<hbm>>
      tpu.wait_dma2 semaphore(%arg10 : memref<!tpu.dma_semaphore, #tpu.memory_space<semaphore_mem>>) src(%dma_wait3A_493 : memref<2000xi32, #tpu.memory_space<hbm>>) dst(%dma_wait3A_492 : memref<2000xi32, #tpu.memory_space<vmem>>)
      %dma_wait3A_494 = arith.constant 6000 : i32
      %dma_wait3A_495 = tpu.memref_slice %arg7[%dma_wait3A_494] : memref<18000xi32, #tpu.memory_space<vmem>> -> memref<2000xi32, #tpu.memory_space<vmem>>
      %dma_wait3A_496 = tpu.memref_slice %arg3[%add3A_208] : memref<1000000xi32, #tpu.memory_space<hbm>> -> memref<2000xi32, #tpu.memory_space<hbm>>
      %dma_wait3A_497 = arith.constant 6000 : i32
      %dma_wait3A_498 = tpu.memref_slice %arg7[%dma_wait3A_497] : memref<18000xi32, #tpu.memory_space<vmem>> -> memref<2000xi32, #tpu.memory_space<vmem>>
      %dma_wait3A_499 = tpu.memref_slice %arg3[%add3A_208] : memref<1000000xi32, #tpu.memory_space<hbm>> -> memref<2000xi32, #tpu.memory_space<hbm>>
      tpu.wait_dma2 semaphore(%arg10 : memref<!tpu.dma_semaphore, #tpu.memory_space<semaphore_mem>>) src(%dma_wait3A_499 : memref<2000xi32, #tpu.memory_space<hbm>>) dst(%dma_wait3A_498 : memref<2000xi32, #tpu.memory_space<vmem>>)
      %dma_wait3A_500 = arith.constant 8000 : i32
      %dma_wait3A_501 = tpu.memref_slice %arg7[%dma_wait3A_500] : memref<18000xi32, #tpu.memory_space<vmem>> -> memref<2000xi32, #tpu.memory_space<vmem>>
      %dma_wait3A_502 = tpu.memref_slice %arg3[%add3A_219] : memref<1000000xi32, #tpu.memory_space<hbm>> -> memref<2000xi32, #tpu.memory_space<hbm>>
      %dma_wait3A_503 = arith.constant 8000 : i32
      %dma_wait3A_504 = tpu.memref_slice %arg7[%dma_wait3A_503] : memref<18000xi32, #tpu.memory_space<vmem>> -> memref<2000xi32, #tpu.memory_space<vmem>>
      %dma_wait3A_505 = tpu.memref_slice %arg3[%add3A_219] : memref<1000000xi32, #tpu.memory_space<hbm>> -> memref<2000xi32, #tpu.memory_space<hbm>>
      tpu.wait_dma2 semaphore(%arg10 : memref<!tpu.dma_semaphore, #tpu.memory_space<semaphore_mem>>) src(%dma_wait3A_505 : memref<2000xi32, #tpu.memory_space<hbm>>) dst(%dma_wait3A_504 : memref<2000xi32, #tpu.memory_space<vmem>>)
      %dma_wait3A_506 = arith.constant 10000 : i32
      %dma_wait3A_507 = tpu.memref_slice %arg7[%dma_wait3A_506] : memref<18000xi32, #tpu.memory_space<vmem>> -> memref<2000xi32, #tpu.memory_space<vmem>>
      %dma_wait3A_508 = tpu.memref_slice %arg3[%add3A_230] : memref<1000000xi32, #tpu.memory_space<hbm>> -> memref<2000xi32, #tpu.memory_space<hbm>>
      %dma_wait3A_509 = arith.constant 10000 : i32
      %dma_wait3A_510 = tpu.memref_slice %arg7[%dma_wait3A_509] : memref<18000xi32, #tpu.memory_space<vmem>> -> memref<2000xi32, #tpu.memory_space<vmem>>
      %dma_wait3A_511 = tpu.memref_slice %arg3[%add3A_230] : memref<1000000xi32, #tpu.memory_space<hbm>> -> memref<2000xi32, #tpu.memory_space<hbm>>
      tpu.wait_dma2 semaphore(%arg10 : memref<!tpu.dma_semaphore, #tpu.memory_space<semaphore_mem>>) src(%dma_wait3A_511 : memref<2000xi32, #tpu.memory_space<hbm>>) dst(%dma_wait3A_510 : memref<2000xi32, #tpu.memory_space<vmem>>)
      %dma_wait3A_512 = arith.constant 12000 : i32
      %dma_wait3A_513 = tpu.memref_slice %arg7[%dma_wait3A_512] : memref<18000xi32, #tpu.memory_space<vmem>> -> memref<2000xi32, #tpu.memory_space<vmem>>
      %dma_wait3A_514 = tpu.memref_slice %arg3[%add3A_241] : memref<1000000xi32, #tpu.memory_space<hbm>> -> memref<2000xi32, #tpu.memory_space<hbm>>
      %dma_wait3A_515 = arith.constant 12000 : i32
      %dma_wait3A_516 = tpu.memref_slice %arg7[%dma_wait3A_515] : memref<18000xi32, #tpu.memory_space<vmem>> -> memref<2000xi32, #tpu.memory_space<vmem>>
      %dma_wait3A_517 = tpu.memref_slice %arg3[%add3A_241] : memref<1000000xi32, #tpu.memory_space<hbm>> -> memref<2000xi32, #tpu.memory_space<hbm>>
      tpu.wait_dma2 semaphore(%arg10 : memref<!tpu.dma_semaphore, #tpu.memory_space<semaphore_mem>>) src(%dma_wait3A_517 : memref<2000xi32, #tpu.memory_space<hbm>>) dst(%dma_wait3A_516 : memref<2000xi32, #tpu.memory_space<vmem>>)
      %dma_wait3A_518 = arith.constant 14000 : i32
      %dma_wait3A_519 = tpu.memref_slice %arg7[%dma_wait3A_518] : memref<18000xi32, #tpu.memory_space<vmem>> -> memref<2000xi32, #tpu.memory_space<vmem>>
      %dma_wait3A_520 = tpu.memref_slice %arg3[%add3A_252] : memref<1000000xi32, #tpu.memory_space<hbm>> -> memref<2000xi32, #tpu.memory_space<hbm>>
      %dma_wait3A_521 = arith.constant 14000 : i32
      %dma_wait3A_522 = tpu.memref_slice %arg7[%dma_wait3A_521] : memref<18000xi32, #tpu.memory_space<vmem>> -> memref<2000xi32, #tpu.memory_space<vmem>>
      %dma_wait3A_523 = tpu.memref_slice %arg3[%add3A_252] : memref<1000000xi32, #tpu.memory_space<hbm>> -> memref<2000xi32, #tpu.memory_space<hbm>>
      tpu.wait_dma2 semaphore(%arg10 : memref<!tpu.dma_semaphore, #tpu.memory_space<semaphore_mem>>) src(%dma_wait3A_523 : memref<2000xi32, #tpu.memory_space<hbm>>) dst(%dma_wait3A_522 : memref<2000xi32, #tpu.memory_space<vmem>>)
      %dma_wait3A_524 = arith.constant 16000 : i32
      %dma_wait3A_525 = tpu.memref_slice %arg7[%dma_wait3A_524] : memref<18000xi32, #tpu.memory_space<vmem>> -> memref<2000xi32, #tpu.memory_space<vmem>>
      %dma_wait3A_526 = tpu.memref_slice %arg3[%add3A_263] : memref<1000000xi32, #tpu.memory_space<hbm>> -> memref<2000xi32, #tpu.memory_space<hbm>>
      %dma_wait3A_527 = arith.constant 16000 : i32
      %dma_wait3A_528 = tpu.memref_slice %arg7[%dma_wait3A_527] : memref<18000xi32, #tpu.memory_space<vmem>> -> memref<2000xi32, #tpu.memory_space<vmem>>
      %dma_wait3A_529 = tpu.memref_slice %arg3[%add3A_263] : memref<1000000xi32, #tpu.memory_space<hbm>> -> memref<2000xi32, #tpu.memory_space<hbm>>
      tpu.wait_dma2 semaphore(%arg10 : memref<!tpu.dma_semaphore, #tpu.memory_space<semaphore_mem>>) src(%dma_wait3A_529 : memref<2000xi32, #tpu.memory_space<hbm>>) dst(%dma_wait3A_528 : memref<2000xi32, #tpu.memory_space<vmem>>)
      %parallel_loop3A_530 = arith.constant 0 : i32
      %parallel_loop3A_531 = arith.constant 1984 : i32
      %parallel_loop3A_532 = arith.constant 32 : i32
      %parallel_loop3A_533 = scf.for %parallel_loop3A_1112 = %parallel_loop3A_530 to %parallel_loop3A_531 step %parallel_loop3A_532 iter_args(%parallel_loop3A_1113 = %add3A_374) -> (vector<16xf32>)  : i32 {
        %parallel_loop3A_1114 = arith.constant 16 : i32
        %parallel_loop3A_1115 = arith.addi %parallel_loop3A_1112, %parallel_loop3A_1114 : i32
        %parallel_loop3A_1116 = arith.constant 16000 : i32
        %parallel_loop3A_1117 = arith.addi %parallel_loop3A_1116, %parallel_loop3A_1112 : i32
        %parallel_loop3A_1118 = arith.index_cast %parallel_loop3A_1117 : i32 to index
        %parallel_loop3A_1119 = tpu.vector_load %arg7[%parallel_loop3A_1118] {strides = array<i32>} : memref<18000xi32, #tpu.memory_space<vmem>>, vector<16xi32>,
        %parallel_loop3A_1120 = arith.sitofp %parallel_loop3A_1119 : vector<16xi32> to vector<16xf32>
        %parallel_loop3A_1121 = arith.constant 1.000000e+00 : f32
        %parallel_loop3A_1122 = vector.broadcast %parallel_loop3A_1121 : f32 to vector<16xf32>
        %parallel_loop3A_1123 = arith.divf %parallel_loop3A_1122, %parallel_loop3A_1120 : vector<16xf32>
        %parallel_loop3A_1124 = arith.constant 0.000000e+00 : f32
        %parallel_loop3A_1125 = vector.broadcast %parallel_loop3A_1124 : f32 to vector<16xf32>
        %parallel_loop3A_1126 = arith.constant 0 : i32
        %parallel_loop3A_1127 = arith.addi %parallel_loop3A_1126, %parallel_loop3A_1112 : i32
        %parallel_loop3A_1128 = arith.index_cast %parallel_loop3A_1127 : i32 to index
        %parallel_loop3A_1129 = tpu.vector_load %arg7[%parallel_loop3A_1128] {strides = array<i32>} : memref<18000xi32, #tpu.memory_space<vmem>>, vector<16xi32>,
        %parallel_loop3A_1130 = tpu.vector_load_idx %arg5[%parallel_loop3A_1129] : memref<50000xf32, #tpu.memory_space<vmem>>[vector<16xi32>], vector<16xf32>,
        %parallel_loop3A_1131 = arith.addf %parallel_loop3A_1125, %parallel_loop3A_1130 : vector<16xf32>
        %parallel_loop3A_1132 = arith.constant 2000 : i32
        %parallel_loop3A_1133 = arith.addi %parallel_loop3A_1132, %parallel_loop3A_1112 : i32
        %parallel_loop3A_1134 = arith.index_cast %parallel_loop3A_1133 : i32 to index
        %parallel_loop3A_1135 = tpu.vector_load %arg7[%parallel_loop3A_1134] {strides = array<i32>} : memref<18000xi32, #tpu.memory_space<vmem>>, vector<16xi32>,
        %parallel_loop3A_1136 = tpu.vector_load_idx %arg5[%parallel_loop3A_1135] : memref<50000xf32, #tpu.memory_space<vmem>>[vector<16xi32>], vector<16xf32>,
        %parallel_loop3A_1137 = arith.addf %parallel_loop3A_1131, %parallel_loop3A_1136 : vector<16xf32>
        %parallel_loop3A_1138 = arith.constant 4000 : i32
        %parallel_loop3A_1139 = arith.addi %parallel_loop3A_1138, %parallel_loop3A_1112 : i32
        %parallel_loop3A_1140 = arith.index_cast %parallel_loop3A_1139 : i32 to index
        %parallel_loop3A_1141 = tpu.vector_load %arg7[%parallel_loop3A_1140] {strides = array<i32>} : memref<18000xi32, #tpu.memory_space<vmem>>, vector<16xi32>,
        %parallel_loop3A_1142 = tpu.vector_load_idx %arg5[%parallel_loop3A_1141] : memref<50000xf32, #tpu.memory_space<vmem>>[vector<16xi32>], vector<16xf32>,
        %parallel_loop3A_1143 = arith.addf %parallel_loop3A_1137, %parallel_loop3A_1142 : vector<16xf32>
        %parallel_loop3A_1144 = arith.constant 6000 : i32
        %parallel_loop3A_1145 = arith.addi %parallel_loop3A_1144, %parallel_loop3A_1112 : i32
        %parallel_loop3A_1146 = arith.index_cast %parallel_loop3A_1145 : i32 to index
        %parallel_loop3A_1147 = tpu.vector_load %arg7[%parallel_loop3A_1146] {strides = array<i32>} : memref<18000xi32, #tpu.memory_space<vmem>>, vector<16xi32>,
        %parallel_loop3A_1148 = tpu.vector_load_idx %arg5[%parallel_loop3A_1147] : memref<50000xf32, #tpu.memory_space<vmem>>[vector<16xi32>], vector<16xf32>,
        %parallel_loop3A_1149 = arith.addf %parallel_loop3A_1143, %parallel_loop3A_1148 : vector<16xf32>
        %parallel_loop3A_1150 = arith.constant 8000 : i32
        %parallel_loop3A_1151 = arith.addi %parallel_loop3A_1150, %parallel_loop3A_1112 : i32
        %parallel_loop3A_1152 = arith.index_cast %parallel_loop3A_1151 : i32 to index
        %parallel_loop3A_1153 = tpu.vector_load %arg7[%parallel_loop3A_1152] {strides = array<i32>} : memref<18000xi32, #tpu.memory_space<vmem>>, vector<16xi32>,
        %parallel_loop3A_1154 = tpu.vector_load_idx %arg5[%parallel_loop3A_1153] : memref<50000xf32, #tpu.memory_space<vmem>>[vector<16xi32>], vector<16xf32>,
        %parallel_loop3A_1155 = arith.addf %parallel_loop3A_1149, %parallel_loop3A_1154 : vector<16xf32>
        %parallel_loop3A_1156 = arith.constant 10000 : i32
        %parallel_loop3A_1157 = arith.addi %parallel_loop3A_1156, %parallel_loop3A_1112 : i32
        %parallel_loop3A_1158 = arith.index_cast %parallel_loop3A_1157 : i32 to index
        %parallel_loop3A_1159 = tpu.vector_load %arg7[%parallel_loop3A_1158] {strides = array<i32>} : memref<18000xi32, #tpu.memory_space<vmem>>, vector<16xi32>,
        %parallel_loop3A_1160 = tpu.vector_load_idx %arg5[%parallel_loop3A_1159] : memref<50000xf32, #tpu.memory_space<vmem>>[vector<16xi32>], vector<16xf32>,
        %parallel_loop3A_1161 = arith.addf %parallel_loop3A_1155, %parallel_loop3A_1160 : vector<16xf32>
        %parallel_loop3A_1162 = arith.constant 12000 : i32
        %parallel_loop3A_1163 = arith.addi %parallel_loop3A_1162, %parallel_loop3A_1112 : i32
        %parallel_loop3A_1164 = arith.index_cast %parallel_loop3A_1163 : i32 to index
        %parallel_loop3A_1165 = tpu.vector_load %arg7[%parallel_loop3A_1164] {strides = array<i32>} : memref<18000xi32, #tpu.memory_space<vmem>>, vector<16xi32>,
        %parallel_loop3A_1166 = tpu.vector_load_idx %arg5[%parallel_loop3A_1165] : memref<50000xf32, #tpu.memory_space<vmem>>[vector<16xi32>], vector<16xf32>,
        %parallel_loop3A_1167 = arith.addf %parallel_loop3A_1161, %parallel_loop3A_1166 : vector<16xf32>
        %parallel_loop3A_1168 = arith.constant 14000 : i32
        %parallel_loop3A_1169 = arith.addi %parallel_loop3A_1168, %parallel_loop3A_1112 : i32
        %parallel_loop3A_1170 = arith.index_cast %parallel_loop3A_1169 : i32 to index
        %parallel_loop3A_1171 = tpu.vector_load %arg7[%parallel_loop3A_1170] {strides = array<i32>} : memref<18000xi32, #tpu.memory_space<vmem>>, vector<16xi32>,
        %parallel_loop3A_1172 = tpu.vector_load_idx %arg5[%parallel_loop3A_1171] : memref<50000xf32, #tpu.memory_space<vmem>>[vector<16xi32>], vector<16xf32>,
        %parallel_loop3A_1173 = arith.addf %parallel_loop3A_1167, %parallel_loop3A_1172 : vector<16xf32>
        %parallel_loop3A_1174 = arith.constant 2000 : i32
        %parallel_loop3A_1175 = arith.addi %mul3A_63, %parallel_loop3A_1174 : i32
        %parallel_loop3A_1176 = arith.addi %parallel_loop3A_1175, %parallel_loop3A_1112 : i32
        %parallel_loop3A_1177 = arith.index_cast %parallel_loop3A_1176 : i32 to index
        %parallel_loop3A_1178 = tpu.vector_load %arg5[%parallel_loop3A_1177] {strides = array<i32>} : memref<50000xf32, #tpu.memory_space<vmem>>, vector<16xf32>,
        %parallel_loop3A_1179 = arith.mulf %parallel_loop3A_1173, %parallel_loop3A_1123 : vector<16xf32>
        %parallel_loop3A_1180 = arith.subf %parallel_loop3A_1178, %parallel_loop3A_1179 : vector<16xf32>
        %parallel_loop3A_1181 = arith.mulf %parallel_loop3A_1180, %parallel_loop3A_1180 : vector<16xf32>
        %parallel_loop3A_1182 = arith.addf %parallel_loop3A_1113, %parallel_loop3A_1181 : vector<16xf32>
        %parallel_loop3A_1183 = arith.constant 16000 : i32
        %parallel_loop3A_1184 = arith.addi %parallel_loop3A_1183, %parallel_loop3A_1115 : i32
        %parallel_loop3A_1185 = arith.index_cast %parallel_loop3A_1184 : i32 to index
        %parallel_loop3A_1186 = tpu.vector_load %arg7[%parallel_loop3A_1185] {strides = array<i32>} : memref<18000xi32, #tpu.memory_space<vmem>>, vector<16xi32>,
        %parallel_loop3A_1187 = arith.sitofp %parallel_loop3A_1186 : vector<16xi32> to vector<16xf32>
        %parallel_loop3A_1188 = arith.constant 1.000000e+00 : f32
        %parallel_loop3A_1189 = vector.broadcast %parallel_loop3A_1188 : f32 to vector<16xf32>
        %parallel_loop3A_1190 = arith.divf %parallel_loop3A_1189, %parallel_loop3A_1187 : vector<16xf32>
        %parallel_loop3A_1191 = arith.constant 0.000000e+00 : f32
        %parallel_loop3A_1192 = vector.broadcast %parallel_loop3A_1191 : f32 to vector<16xf32>
        %parallel_loop3A_1193 = arith.constant 0 : i32
        %parallel_loop3A_1194 = arith.addi %parallel_loop3A_1193, %parallel_loop3A_1115 : i32
        %parallel_loop3A_1195 = arith.index_cast %parallel_loop3A_1194 : i32 to index
        %parallel_loop3A_1196 = tpu.vector_load %arg7[%parallel_loop3A_1195] {strides = array<i32>} : memref<18000xi32, #tpu.memory_space<vmem>>, vector<16xi32>,
        %parallel_loop3A_1197 = tpu.vector_load_idx %arg5[%parallel_loop3A_1196] : memref<50000xf32, #tpu.memory_space<vmem>>[vector<16xi32>], vector<16xf32>,
        %parallel_loop3A_1198 = arith.addf %parallel_loop3A_1192, %parallel_loop3A_1197 : vector<16xf32>
        %parallel_loop3A_1199 = arith.constant 2000 : i32
        %parallel_loop3A_1200 = arith.addi %parallel_loop3A_1199, %parallel_loop3A_1115 : i32
        %parallel_loop3A_1201 = arith.index_cast %parallel_loop3A_1200 : i32 to index
        %parallel_loop3A_1202 = tpu.vector_load %arg7[%parallel_loop3A_1201] {strides = array<i32>} : memref<18000xi32, #tpu.memory_space<vmem>>, vector<16xi32>,
        %parallel_loop3A_1203 = tpu.vector_load_idx %arg5[%parallel_loop3A_1202] : memref<50000xf32, #tpu.memory_space<vmem>>[vector<16xi32>], vector<16xf32>,
        %parallel_loop3A_1204 = arith.addf %parallel_loop3A_1198, %parallel_loop3A_1203 : vector<16xf32>
        %parallel_loop3A_1205 = arith.constant 4000 : i32
        %parallel_loop3A_1206 = arith.addi %parallel_loop3A_1205, %parallel_loop3A_1115 : i32
        %parallel_loop3A_1207 = arith.index_cast %parallel_loop3A_1206 : i32 to index
        %parallel_loop3A_1208 = tpu.vector_load %arg7[%parallel_loop3A_1207] {strides = array<i32>} : memref<18000xi32, #tpu.memory_space<vmem>>, vector<16xi32>,
        %parallel_loop3A_1209 = tpu.vector_load_idx %arg5[%parallel_loop3A_1208] : memref<50000xf32, #tpu.memory_space<vmem>>[vector<16xi32>], vector<16xf32>,
        %parallel_loop3A_1210 = arith.addf %parallel_loop3A_1204, %parallel_loop3A_1209 : vector<16xf32>
        %parallel_loop3A_1211 = arith.constant 6000 : i32
        %parallel_loop3A_1212 = arith.addi %parallel_loop3A_1211, %parallel_loop3A_1115 : i32
        %parallel_loop3A_1213 = arith.index_cast %parallel_loop3A_1212 : i32 to index
        %parallel_loop3A_1214 = tpu.vector_load %arg7[%parallel_loop3A_1213] {strides = array<i32>} : memref<18000xi32, #tpu.memory_space<vmem>>, vector<16xi32>,
        %parallel_loop3A_1215 = tpu.vector_load_idx %arg5[%parallel_loop3A_1214] : memref<50000xf32, #tpu.memory_space<vmem>>[vector<16xi32>], vector<16xf32>,
        %parallel_loop3A_1216 = arith.addf %parallel_loop3A_1210, %parallel_loop3A_1215 : vector<16xf32>
        %parallel_loop3A_1217 = arith.constant 8000 : i32
        %parallel_loop3A_1218 = arith.addi %parallel_loop3A_1217, %parallel_loop3A_1115 : i32
        %parallel_loop3A_1219 = arith.index_cast %parallel_loop3A_1218 : i32 to index
        %parallel_loop3A_1220 = tpu.vector_load %arg7[%parallel_loop3A_1219] {strides = array<i32>} : memref<18000xi32, #tpu.memory_space<vmem>>, vector<16xi32>,
        %parallel_loop3A_1221 = tpu.vector_load_idx %arg5[%parallel_loop3A_1220] : memref<50000xf32, #tpu.memory_space<vmem>>[vector<16xi32>], vector<16xf32>,
        %parallel_loop3A_1222 = arith.addf %parallel_loop3A_1216, %parallel_loop3A_1221 : vector<16xf32>
        %parallel_loop3A_1223 = arith.constant 10000 : i32
        %parallel_loop3A_1224 = arith.addi %parallel_loop3A_1223, %parallel_loop3A_1115 : i32
        %parallel_loop3A_1225 = arith.index_cast %parallel_loop3A_1224 : i32 to index
        %parallel_loop3A_1226 = tpu.vector_load %arg7[%parallel_loop3A_1225] {strides = array<i32>} : memref<18000xi32, #tpu.memory_space<vmem>>, vector<16xi32>,
        %parallel_loop3A_1227 = tpu.vector_load_idx %arg5[%parallel_loop3A_1226] : memref<50000xf32, #tpu.memory_space<vmem>>[vector<16xi32>], vector<16xf32>,
        %parallel_loop3A_1228 = arith.addf %parallel_loop3A_1222, %parallel_loop3A_1227 : vector<16xf32>
        %parallel_loop3A_1229 = arith.constant 12000 : i32
        %parallel_loop3A_1230 = arith.addi %parallel_loop3A_1229, %parallel_loop3A_1115 : i32
        %parallel_loop3A_1231 = arith.index_cast %parallel_loop3A_1230 : i32 to index
        %parallel_loop3A_1232 = tpu.vector_load %arg7[%parallel_loop3A_1231] {strides = array<i32>} : memref<18000xi32, #tpu.memory_space<vmem>>, vector<16xi32>,
        %parallel_loop3A_1233 = tpu.vector_load_idx %arg5[%parallel_loop3A_1232] : memref<50000xf32, #tpu.memory_space<vmem>>[vector<16xi32>], vector<16xf32>,
        %parallel_loop3A_1234 = arith.addf %parallel_loop3A_1228, %parallel_loop3A_1233 : vector<16xf32>
        %parallel_loop3A_1235 = arith.constant 14000 : i32
        %parallel_loop3A_1236 = arith.addi %parallel_loop3A_1235, %parallel_loop3A_1115 : i32
        %parallel_loop3A_1237 = arith.index_cast %parallel_loop3A_1236 : i32 to index
        %parallel_loop3A_1238 = tpu.vector_load %arg7[%parallel_loop3A_1237] {strides = array<i32>} : memref<18000xi32, #tpu.memory_space<vmem>>, vector<16xi32>,
        %parallel_loop3A_1239 = tpu.vector_load_idx %arg5[%parallel_loop3A_1238] : memref<50000xf32, #tpu.memory_space<vmem>>[vector<16xi32>], vector<16xf32>,
        %parallel_loop3A_1240 = arith.addf %parallel_loop3A_1234, %parallel_loop3A_1239 : vector<16xf32>
        %parallel_loop3A_1241 = arith.constant 2000 : i32
        %parallel_loop3A_1242 = arith.addi %mul3A_63, %parallel_loop3A_1241 : i32
        %parallel_loop3A_1243 = arith.addi %parallel_loop3A_1242, %parallel_loop3A_1115 : i32
        %parallel_loop3A_1244 = arith.index_cast %parallel_loop3A_1243 : i32 to index
        %parallel_loop3A_1245 = tpu.vector_load %arg5[%parallel_loop3A_1244] {strides = array<i32>} : memref<50000xf32, #tpu.memory_space<vmem>>, vector<16xf32>,
        %parallel_loop3A_1246 = arith.mulf %parallel_loop3A_1240, %parallel_loop3A_1190 : vector<16xf32>
        %parallel_loop3A_1247 = arith.subf %parallel_loop3A_1245, %parallel_loop3A_1246 : vector<16xf32>
        %parallel_loop3A_1248 = arith.mulf %parallel_loop3A_1247, %parallel_loop3A_1247 : vector<16xf32>
        %parallel_loop3A_1249 = arith.addf %parallel_loop3A_1182, %parallel_loop3A_1248 : vector<16xf32>
        scf.yield %parallel_loop3A_1249 : vector<16xf32>
      } {sc.loop_unroll_factor = 1 : i64, sc.parallel_access}
      %get3A_534 = arith.constant 17984 : index
      %get3A_535 = tpu.vector_load %arg7[%get3A_534] {strides = array<i32>} : memref<18000xi32, #tpu.memory_space<vmem>>, vector<16xi32>,
      %convert_element_type3A_536 = arith.sitofp %get3A_535 : vector<16xi32> to vector<16xf32>
      %div3A_537 = arith.constant 1.000000e+00 : f32
      %div3A_538 = vector.broadcast %div3A_537 : f32 to vector<16xf32>
      %div3A_539 = arith.divf %div3A_538, %convert_element_type3A_536 : vector<16xf32>
      %broadcast_in_dim3A_540 = arith.constant 0.000000e+00 : f32
      %broadcast_in_dim3A_541 = vector.broadcast %broadcast_in_dim3A_540 : f32 to vector<16xf32>
      %get3A_542 = arith.constant 1984 : index
      %get3A_543 = tpu.vector_load %arg7[%get3A_542] {strides = array<i32>} : memref<18000xi32, #tpu.memory_space<vmem>>, vector<16xi32>,
      %gather3A_544 = tpu.vector_load_idx %arg5[%get3A_543] : memref<50000xf32, #tpu.memory_space<vmem>>[vector<16xi32>], vector<16xf32>,
      %add3A_545 = arith.addf %broadcast_in_dim3A_541, %gather3A_544 : vector<16xf32>
      %get3A_546 = arith.constant 3984 : index
      %get3A_547 = tpu.vector_load %arg7[%get3A_546] {strides = array<i32>} : memref<18000xi32, #tpu.memory_space<vmem>>, vector<16xi32>,
      %gather3A_548 = tpu.vector_load_idx %arg5[%get3A_547] : memref<50000xf32, #tpu.memory_space<vmem>>[vector<16xi32>], vector<16xf32>,
      %add3A_549 = arith.addf %add3A_545, %gather3A_548 : vector<16xf32>
      %get3A_550 = arith.constant 5984 : index
      %get3A_551 = tpu.vector_load %arg7[%get3A_550] {strides = array<i32>} : memref<18000xi32, #tpu.memory_space<vmem>>, vector<16xi32>,
      %gather3A_552 = tpu.vector_load_idx %arg5[%get3A_551] : memref<50000xf32, #tpu.memory_space<vmem>>[vector<16xi32>], vector<16xf32>,
      %add3A_553 = arith.addf %add3A_549, %gather3A_552 : vector<16xf32>
      %get3A_554 = arith.constant 7984 : index
      %get3A_555 = tpu.vector_load %arg7[%get3A_554] {strides = array<i32>} : memref<18000xi32, #tpu.memory_space<vmem>>, vector<16xi32>,
      %gather3A_556 = tpu.vector_load_idx %arg5[%get3A_555] : memref<50000xf32, #tpu.memory_space<vmem>>[vector<16xi32>], vector<16xf32>,
      %add3A_557 = arith.addf %add3A_553, %gather3A_556 : vector<16xf32>
      %get3A_558 = arith.constant 9984 : index
      %get3A_559 = tpu.vector_load %arg7[%get3A_558] {strides = array<i32>} : memref<18000xi32, #tpu.memory_space<vmem>>, vector<16xi32>,
      %gather3A_560 = tpu.vector_load_idx %arg5[%get3A_559] : memref<50000xf32, #tpu.memory_space<vmem>>[vector<16xi32>], vector<16xf32>,
      %add3A_561 = arith.addf %add3A_557, %gather3A_560 : vector<16xf32>
      %get3A_562 = arith.constant 11984 : index
      %get3A_563 = tpu.vector_load %arg7[%get3A_562] {strides = array<i32>} : memref<18000xi32, #tpu.memory_space<vmem>>, vector<16xi32>,
      %gather3A_564 = tpu.vector_load_idx %arg5[%get3A_563] : memref<50000xf32, #tpu.memory_space<vmem>>[vector<16xi32>], vector<16xf32>,
      %add3A_565 = arith.addf %add3A_561, %gather3A_564 : vector<16xf32>
      %get3A_566 = arith.constant 13984 : index
      %get3A_567 = tpu.vector_load %arg7[%get3A_566] {strides = array<i32>} : memref<18000xi32, #tpu.memory_space<vmem>>, vector<16xi32>,
      %gather3A_568 = tpu.vector_load_idx %arg5[%get3A_567] : memref<50000xf32, #tpu.memory_space<vmem>>[vector<16xi32>], vector<16xf32>,
      %add3A_569 = arith.addf %add3A_565, %gather3A_568 : vector<16xf32>
      %get3A_570 = arith.constant 15984 : index
      %get3A_571 = tpu.vector_load %arg7[%get3A_570] {strides = array<i32>} : memref<18000xi32, #tpu.memory_space<vmem>>, vector<16xi32>,
      %gather3A_572 = tpu.vector_load_idx %arg5[%get3A_571] : memref<50000xf32, #tpu.memory_space<vmem>>[vector<16xi32>], vector<16xf32>,
      %add3A_573 = arith.addf %add3A_569, %gather3A_572 : vector<16xf32>
      %add3A_574 = arith.constant 2000 : i32
      %add3A_575 = arith.addi %mul3A_63, %add3A_574 : i32
      %add3A_576 = arith.constant 1984 : i32
      %add3A_577 = arith.addi %add3A_575, %add3A_576 : i32
      %get3A_578 = arith.index_cast %add3A_577 : i32 to index
      %get3A_579 = tpu.vector_load %arg5[%get3A_578] {strides = array<i32>} : memref<50000xf32, #tpu.memory_space<vmem>>, vector<16xf32>,
      %mul3A_580 = arith.mulf %add3A_573, %div3A_539 : vector<16xf32>
      %sub3A_581 = arith.subf %get3A_579, %mul3A_580 : vector<16xf32>
      %mul3A_582 = arith.mulf %sub3A_581, %sub3A_581 : vector<16xf32>
      %add3A_583 = arith.addf %parallel_loop3A_533, %mul3A_582 : vector<16xf32>
      %add3A_584 = arith.constant 6000 : i32
      %add3A_585 = arith.addi %mul3A_63, %add3A_584 : i32
      %add3A_586 = arith.constant 0 : i32
      %add3A_587 = arith.addi %add3A_586, %select_n3A_61 : i32
      %mul3A_588 = arith.constant 50000 : i32
      %mul3A_589 = arith.muli %add3A_587, %mul3A_588 : i32
      %add3A_590 = arith.addi %mul3A_589, %add3A_585 : i32
      %dma_start3A_591 = arith.constant 0 : i32
      %dma_start3A_592 = tpu.memref_slice %arg7[%dma_start3A_591] : memref<18000xi32, #tpu.memory_space<vmem>> -> memref<2000xi32, #tpu.memory_space<vmem>>
      %dma_start3A_593 = tpu.memref_slice %arg3[%add3A_590] : memref<1000000xi32, #tpu.memory_space<hbm>> -> memref<2000xi32, #tpu.memory_space<hbm>>
      %dma_start3A_594 = arith.constant 0 : i32
      %dma_start3A_595 = tpu.memref_slice %arg7[%dma_start3A_594] : memref<18000xi32, #tpu.memory_space<vmem>> -> memref<2000xi32, #tpu.memory_space<vmem>>
      %dma_start3A_596 = tpu.memref_slice %arg3[%add3A_590] : memref<1000000xi32, #tpu.memory_space<hbm>> -> memref<2000xi32, #tpu.memory_space<hbm>>
      tpu.enqueue_dma source(%dma_start3A_596 : memref<2000xi32, #tpu.memory_space<hbm>>) target(%dma_start3A_595 : memref<2000xi32, #tpu.memory_space<vmem>>) target_semaphore(%arg10 : memref<!tpu.dma_semaphore, #tpu.memory_space<semaphore_mem>>)
      %add3A_597 = arith.constant 2 : i32
      %add3A_598 = arith.addi %add3A_597, %select_n3A_61 : i32
      %mul3A_599 = arith.constant 50000 : i32
      %mul3A_600 = arith.muli %add3A_598, %mul3A_599 : i32
      %add3A_601 = arith.addi %mul3A_600, %add3A_585 : i32
      %dma_start3A_602 = arith.constant 2000 : i32
      %dma_start3A_603 = tpu.memref_slice %arg7[%dma_start3A_602] : memref<18000xi32, #tpu.memory_space<vmem>> -> memref<2000xi32, #tpu.memory_space<vmem>>
      %dma_start3A_604 = tpu.memref_slice %arg3[%add3A_601] : memref<1000000xi32, #tpu.memory_space<hbm>> -> memref<2000xi32, #tpu.memory_space<hbm>>
      %dma_start3A_605 = arith.constant 2000 : i32
      %dma_start3A_606 = tpu.memref_slice %arg7[%dma_start3A_605] : memref<18000xi32, #tpu.memory_space<vmem>> -> memref<2000xi32, #tpu.memory_space<vmem>>
      %dma_start3A_607 = tpu.memref_slice %arg3[%add3A_601] : memref<1000000xi32, #tpu.memory_space<hbm>> -> memref<2000xi32, #tpu.memory_space<hbm>>
      tpu.enqueue_dma source(%dma_start3A_607 : memref<2000xi32, #tpu.memory_space<hbm>>) target(%dma_start3A_606 : memref<2000xi32, #tpu.memory_space<vmem>>) target_semaphore(%arg10 : memref<!tpu.dma_semaphore, #tpu.memory_space<semaphore_mem>>)
      %add3A_608 = arith.constant 4 : i32
      %add3A_609 = arith.addi %add3A_608, %select_n3A_61 : i32
      %mul3A_610 = arith.constant 50000 : i32
      %mul3A_611 = arith.muli %add3A_609, %mul3A_610 : i32
      %add3A_612 = arith.addi %mul3A_611, %add3A_585 : i32
      %dma_start3A_613 = arith.constant 4000 : i32
      %dma_start3A_614 = tpu.memref_slice %arg7[%dma_start3A_613] : memref<18000xi32, #tpu.memory_space<vmem>> -> memref<2000xi32, #tpu.memory_space<vmem>>
      %dma_start3A_615 = tpu.memref_slice %arg3[%add3A_612] : memref<1000000xi32, #tpu.memory_space<hbm>> -> memref<2000xi32, #tpu.memory_space<hbm>>
      %dma_start3A_616 = arith.constant 4000 : i32
      %dma_start3A_617 = tpu.memref_slice %arg7[%dma_start3A_616] : memref<18000xi32, #tpu.memory_space<vmem>> -> memref<2000xi32, #tpu.memory_space<vmem>>
      %dma_start3A_618 = tpu.memref_slice %arg3[%add3A_612] : memref<1000000xi32, #tpu.memory_space<hbm>> -> memref<2000xi32, #tpu.memory_space<hbm>>
      tpu.enqueue_dma source(%dma_start3A_618 : memref<2000xi32, #tpu.memory_space<hbm>>) target(%dma_start3A_617 : memref<2000xi32, #tpu.memory_space<vmem>>) target_semaphore(%arg10 : memref<!tpu.dma_semaphore, #tpu.memory_space<semaphore_mem>>)
      %add3A_619 = arith.constant 6 : i32
      %add3A_620 = arith.addi %add3A_619, %select_n3A_61 : i32
      %mul3A_621 = arith.constant 50000 : i32
      %mul3A_622 = arith.muli %add3A_620, %mul3A_621 : i32
      %add3A_623 = arith.addi %mul3A_622, %add3A_585 : i32
      %dma_start3A_624 = arith.constant 6000 : i32
      %dma_start3A_625 = tpu.memref_slice %arg7[%dma_start3A_624] : memref<18000xi32, #tpu.memory_space<vmem>> -> memref<2000xi32, #tpu.memory_space<vmem>>
      %dma_start3A_626 = tpu.memref_slice %arg3[%add3A_623] : memref<1000000xi32, #tpu.memory_space<hbm>> -> memref<2000xi32, #tpu.memory_space<hbm>>
      %dma_start3A_627 = arith.constant 6000 : i32
      %dma_start3A_628 = tpu.memref_slice %arg7[%dma_start3A_627] : memref<18000xi32, #tpu.memory_space<vmem>> -> memref<2000xi32, #tpu.memory_space<vmem>>
      %dma_start3A_629 = tpu.memref_slice %arg3[%add3A_623] : memref<1000000xi32, #tpu.memory_space<hbm>> -> memref<2000xi32, #tpu.memory_space<hbm>>
      tpu.enqueue_dma source(%dma_start3A_629 : memref<2000xi32, #tpu.memory_space<hbm>>) target(%dma_start3A_628 : memref<2000xi32, #tpu.memory_space<vmem>>) target_semaphore(%arg10 : memref<!tpu.dma_semaphore, #tpu.memory_space<semaphore_mem>>)
      %add3A_630 = arith.constant 8 : i32
      %add3A_631 = arith.addi %add3A_630, %select_n3A_61 : i32
      %mul3A_632 = arith.constant 50000 : i32
      %mul3A_633 = arith.muli %add3A_631, %mul3A_632 : i32
      %add3A_634 = arith.addi %mul3A_633, %add3A_585 : i32
      %dma_start3A_635 = arith.constant 8000 : i32
      %dma_start3A_636 = tpu.memref_slice %arg7[%dma_start3A_635] : memref<18000xi32, #tpu.memory_space<vmem>> -> memref<2000xi32, #tpu.memory_space<vmem>>
      %dma_start3A_637 = tpu.memref_slice %arg3[%add3A_634] : memref<1000000xi32, #tpu.memory_space<hbm>> -> memref<2000xi32, #tpu.memory_space<hbm>>
      %dma_start3A_638 = arith.constant 8000 : i32
      %dma_start3A_639 = tpu.memref_slice %arg7[%dma_start3A_638] : memref<18000xi32, #tpu.memory_space<vmem>> -> memref<2000xi32, #tpu.memory_space<vmem>>
      %dma_start3A_640 = tpu.memref_slice %arg3[%add3A_634] : memref<1000000xi32, #tpu.memory_space<hbm>> -> memref<2000xi32, #tpu.memory_space<hbm>>
      tpu.enqueue_dma source(%dma_start3A_640 : memref<2000xi32, #tpu.memory_space<hbm>>) target(%dma_start3A_639 : memref<2000xi32, #tpu.memory_space<vmem>>) target_semaphore(%arg10 : memref<!tpu.dma_semaphore, #tpu.memory_space<semaphore_mem>>)
      %add3A_641 = arith.constant 10 : i32
      %add3A_642 = arith.addi %add3A_641, %select_n3A_61 : i32
      %mul3A_643 = arith.constant 50000 : i32
      %mul3A_644 = arith.muli %add3A_642, %mul3A_643 : i32
      %add3A_645 = arith.addi %mul3A_644, %add3A_585 : i32
      %dma_start3A_646 = arith.constant 10000 : i32
      %dma_start3A_647 = tpu.memref_slice %arg7[%dma_start3A_646] : memref<18000xi32, #tpu.memory_space<vmem>> -> memref<2000xi32, #tpu.memory_space<vmem>>
      %dma_start3A_648 = tpu.memref_slice %arg3[%add3A_645] : memref<1000000xi32, #tpu.memory_space<hbm>> -> memref<2000xi32, #tpu.memory_space<hbm>>
      %dma_start3A_649 = arith.constant 10000 : i32
      %dma_start3A_650 = tpu.memref_slice %arg7[%dma_start3A_649] : memref<18000xi32, #tpu.memory_space<vmem>> -> memref<2000xi32, #tpu.memory_space<vmem>>
      %dma_start3A_651 = tpu.memref_slice %arg3[%add3A_645] : memref<1000000xi32, #tpu.memory_space<hbm>> -> memref<2000xi32, #tpu.memory_space<hbm>>
      tpu.enqueue_dma source(%dma_start3A_651 : memref<2000xi32, #tpu.memory_space<hbm>>) target(%dma_start3A_650 : memref<2000xi32, #tpu.memory_space<vmem>>) target_semaphore(%arg10 : memref<!tpu.dma_semaphore, #tpu.memory_space<semaphore_mem>>)
      %add3A_652 = arith.constant 12 : i32
      %add3A_653 = arith.addi %add3A_652, %select_n3A_61 : i32
      %mul3A_654 = arith.constant 50000 : i32
      %mul3A_655 = arith.muli %add3A_653, %mul3A_654 : i32
      %add3A_656 = arith.addi %mul3A_655, %add3A_585 : i32
      %dma_start3A_657 = arith.constant 12000 : i32
      %dma_start3A_658 = tpu.memref_slice %arg7[%dma_start3A_657] : memref<18000xi32, #tpu.memory_space<vmem>> -> memref<2000xi32, #tpu.memory_space<vmem>>
      %dma_start3A_659 = tpu.memref_slice %arg3[%add3A_656] : memref<1000000xi32, #tpu.memory_space<hbm>> -> memref<2000xi32, #tpu.memory_space<hbm>>
      %dma_start3A_660 = arith.constant 12000 : i32
      %dma_start3A_661 = tpu.memref_slice %arg7[%dma_start3A_660] : memref<18000xi32, #tpu.memory_space<vmem>> -> memref<2000xi32, #tpu.memory_space<vmem>>
      %dma_start3A_662 = tpu.memref_slice %arg3[%add3A_656] : memref<1000000xi32, #tpu.memory_space<hbm>> -> memref<2000xi32, #tpu.memory_space<hbm>>
      tpu.enqueue_dma source(%dma_start3A_662 : memref<2000xi32, #tpu.memory_space<hbm>>) target(%dma_start3A_661 : memref<2000xi32, #tpu.memory_space<vmem>>) target_semaphore(%arg10 : memref<!tpu.dma_semaphore, #tpu.memory_space<semaphore_mem>>)
      %add3A_663 = arith.constant 14 : i32
      %add3A_664 = arith.addi %add3A_663, %select_n3A_61 : i32
      %mul3A_665 = arith.constant 50000 : i32
      %mul3A_666 = arith.muli %add3A_664, %mul3A_665 : i32
      %add3A_667 = arith.addi %mul3A_666, %add3A_585 : i32
      %dma_start3A_668 = arith.constant 14000 : i32
      %dma_start3A_669 = tpu.memref_slice %arg7[%dma_start3A_668] : memref<18000xi32, #tpu.memory_space<vmem>> -> memref<2000xi32, #tpu.memory_space<vmem>>
      %dma_start3A_670 = tpu.memref_slice %arg3[%add3A_667] : memref<1000000xi32, #tpu.memory_space<hbm>> -> memref<2000xi32, #tpu.memory_space<hbm>>
      %dma_start3A_671 = arith.constant 14000 : i32
      %dma_start3A_672 = tpu.memref_slice %arg7[%dma_start3A_671] : memref<18000xi32, #tpu.memory_space<vmem>> -> memref<2000xi32, #tpu.memory_space<vmem>>
      %dma_start3A_673 = tpu.memref_slice %arg3[%add3A_667] : memref<1000000xi32, #tpu.memory_space<hbm>> -> memref<2000xi32, #tpu.memory_space<hbm>>
      tpu.enqueue_dma source(%dma_start3A_673 : memref<2000xi32, #tpu.memory_space<hbm>>) target(%dma_start3A_672 : memref<2000xi32, #tpu.memory_space<vmem>>) target_semaphore(%arg10 : memref<!tpu.dma_semaphore, #tpu.memory_space<semaphore_mem>>)
      %add3A_674 = arith.constant 18 : i32
      %add3A_675 = arith.addi %add3A_674, %select_n3A_61 : i32
      %mul3A_676 = arith.constant 50000 : i32
      %mul3A_677 = arith.muli %add3A_675, %mul3A_676 : i32
      %add3A_678 = arith.addi %mul3A_677, %add3A_585 : i32
      %dma_start3A_679 = arith.constant 16000 : i32
      %dma_start3A_680 = tpu.memref_slice %arg7[%dma_start3A_679] : memref<18000xi32, #tpu.memory_space<vmem>> -> memref<2000xi32, #tpu.memory_space<vmem>>
      %dma_start3A_681 = tpu.memref_slice %arg3[%add3A_678] : memref<1000000xi32, #tpu.memory_space<hbm>> -> memref<2000xi32, #tpu.memory_space<hbm>>
      %dma_start3A_682 = arith.constant 16000 : i32
      %dma_start3A_683 = tpu.memref_slice %arg7[%dma_start3A_682] : memref<18000xi32, #tpu.memory_space<vmem>> -> memref<2000xi32, #tpu.memory_space<vmem>>
      %dma_start3A_684 = tpu.memref_slice %arg3[%add3A_678] : memref<1000000xi32, #tpu.memory_space<hbm>> -> memref<2000xi32, #tpu.memory_space<hbm>>
      tpu.enqueue_dma source(%dma_start3A_684 : memref<2000xi32, #tpu.memory_space<hbm>>) target(%dma_start3A_683 : memref<2000xi32, #tpu.memory_space<vmem>>) target_semaphore(%arg10 : memref<!tpu.dma_semaphore, #tpu.memory_space<semaphore_mem>>)
      %dma_wait3A_685 = arith.constant 0 : i32
      %dma_wait3A_686 = tpu.memref_slice %arg6[%dma_wait3A_685] : memref<18000xi32, #tpu.memory_space<vmem>> -> memref<2000xi32, #tpu.memory_space<vmem>>
      %dma_wait3A_687 = tpu.memref_slice %arg3[%add3A_381] : memref<1000000xi32, #tpu.memory_space<hbm>> -> memref<2000xi32, #tpu.memory_space<hbm>>
      %dma_wait3A_688 = arith.constant 0 : i32
      %dma_wait3A_689 = tpu.memref_slice %arg6[%dma_wait3A_688] : memref<18000xi32, #tpu.memory_space<vmem>> -> memref<2000xi32, #tpu.memory_space<vmem>>
      %dma_wait3A_690 = tpu.memref_slice %arg3[%add3A_381] : memref<1000000xi32, #tpu.memory_space<hbm>> -> memref<2000xi32, #tpu.memory_space<hbm>>
      tpu.wait_dma2 semaphore(%arg10 : memref<!tpu.dma_semaphore, #tpu.memory_space<semaphore_mem>>) src(%dma_wait3A_690 : memref<2000xi32, #tpu.memory_space<hbm>>) dst(%dma_wait3A_689 : memref<2000xi32, #tpu.memory_space<vmem>>)
      %dma_wait3A_691 = arith.constant 2000 : i32
      %dma_wait3A_692 = tpu.memref_slice %arg6[%dma_wait3A_691] : memref<18000xi32, #tpu.memory_space<vmem>> -> memref<2000xi32, #tpu.memory_space<vmem>>
      %dma_wait3A_693 = tpu.memref_slice %arg3[%add3A_392] : memref<1000000xi32, #tpu.memory_space<hbm>> -> memref<2000xi32, #tpu.memory_space<hbm>>
      %dma_wait3A_694 = arith.constant 2000 : i32
      %dma_wait3A_695 = tpu.memref_slice %arg6[%dma_wait3A_694] : memref<18000xi32, #tpu.memory_space<vmem>> -> memref<2000xi32, #tpu.memory_space<vmem>>
      %dma_wait3A_696 = tpu.memref_slice %arg3[%add3A_392] : memref<1000000xi32, #tpu.memory_space<hbm>> -> memref<2000xi32, #tpu.memory_space<hbm>>
      tpu.wait_dma2 semaphore(%arg10 : memref<!tpu.dma_semaphore, #tpu.memory_space<semaphore_mem>>) src(%dma_wait3A_696 : memref<2000xi32, #tpu.memory_space<hbm>>) dst(%dma_wait3A_695 : memref<2000xi32, #tpu.memory_space<vmem>>)
      %dma_wait3A_697 = arith.constant 4000 : i32
      %dma_wait3A_698 = tpu.memref_slice %arg6[%dma_wait3A_697] : memref<18000xi32, #tpu.memory_space<vmem>> -> memref<2000xi32, #tpu.memory_space<vmem>>
      %dma_wait3A_699 = tpu.memref_slice %arg3[%add3A_403] : memref<1000000xi32, #tpu.memory_space<hbm>> -> memref<2000xi32, #tpu.memory_space<hbm>>
      %dma_wait3A_700 = arith.constant 4000 : i32
      %dma_wait3A_701 = tpu.memref_slice %arg6[%dma_wait3A_700] : memref<18000xi32, #tpu.memory_space<vmem>> -> memref<2000xi32, #tpu.memory_space<vmem>>
      %dma_wait3A_702 = tpu.memref_slice %arg3[%add3A_403] : memref<1000000xi32, #tpu.memory_space<hbm>> -> memref<2000xi32, #tpu.memory_space<hbm>>
      tpu.wait_dma2 semaphore(%arg10 : memref<!tpu.dma_semaphore, #tpu.memory_space<semaphore_mem>>) src(%dma_wait3A_702 : memref<2000xi32, #tpu.memory_space<hbm>>) dst(%dma_wait3A_701 : memref<2000xi32, #tpu.memory_space<vmem>>)
      %dma_wait3A_703 = arith.constant 6000 : i32
      %dma_wait3A_704 = tpu.memref_slice %arg6[%dma_wait3A_703] : memref<18000xi32, #tpu.memory_space<vmem>> -> memref<2000xi32, #tpu.memory_space<vmem>>
      %dma_wait3A_705 = tpu.memref_slice %arg3[%add3A_414] : memref<1000000xi32, #tpu.memory_space<hbm>> -> memref<2000xi32, #tpu.memory_space<hbm>>
      %dma_wait3A_706 = arith.constant 6000 : i32
      %dma_wait3A_707 = tpu.memref_slice %arg6[%dma_wait3A_706] : memref<18000xi32, #tpu.memory_space<vmem>> -> memref<2000xi32, #tpu.memory_space<vmem>>
      %dma_wait3A_708 = tpu.memref_slice %arg3[%add3A_414] : memref<1000000xi32, #tpu.memory_space<hbm>> -> memref<2000xi32, #tpu.memory_space<hbm>>
      tpu.wait_dma2 semaphore(%arg10 : memref<!tpu.dma_semaphore, #tpu.memory_space<semaphore_mem>>) src(%dma_wait3A_708 : memref<2000xi32, #tpu.memory_space<hbm>>) dst(%dma_wait3A_707 : memref<2000xi32, #tpu.memory_space<vmem>>)
      %dma_wait3A_709 = arith.constant 8000 : i32
      %dma_wait3A_710 = tpu.memref_slice %arg6[%dma_wait3A_709] : memref<18000xi32, #tpu.memory_space<vmem>> -> memref<2000xi32, #tpu.memory_space<vmem>>
      %dma_wait3A_711 = tpu.memref_slice %arg3[%add3A_425] : memref<1000000xi32, #tpu.memory_space<hbm>> -> memref<2000xi32, #tpu.memory_space<hbm>>
      %dma_wait3A_712 = arith.constant 8000 : i32
      %dma_wait3A_713 = tpu.memref_slice %arg6[%dma_wait3A_712] : memref<18000xi32, #tpu.memory_space<vmem>> -> memref<2000xi32, #tpu.memory_space<vmem>>
      %dma_wait3A_714 = tpu.memref_slice %arg3[%add3A_425] : memref<1000000xi32, #tpu.memory_space<hbm>> -> memref<2000xi32, #tpu.memory_space<hbm>>
      tpu.wait_dma2 semaphore(%arg10 : memref<!tpu.dma_semaphore, #tpu.memory_space<semaphore_mem>>) src(%dma_wait3A_714 : memref<2000xi32, #tpu.memory_space<hbm>>) dst(%dma_wait3A_713 : memref<2000xi32, #tpu.memory_space<vmem>>)
      %dma_wait3A_715 = arith.constant 10000 : i32
      %dma_wait3A_716 = tpu.memref_slice %arg6[%dma_wait3A_715] : memref<18000xi32, #tpu.memory_space<vmem>> -> memref<2000xi32, #tpu.memory_space<vmem>>
      %dma_wait3A_717 = tpu.memref_slice %arg3[%add3A_436] : memref<1000000xi32, #tpu.memory_space<hbm>> -> memref<2000xi32, #tpu.memory_space<hbm>>
      %dma_wait3A_718 = arith.constant 10000 : i32
      %dma_wait3A_719 = tpu.memref_slice %arg6[%dma_wait3A_718] : memref<18000xi32, #tpu.memory_space<vmem>> -> memref<2000xi32, #tpu.memory_space<vmem>>
      %dma_wait3A_720 = tpu.memref_slice %arg3[%add3A_436] : memref<1000000xi32, #tpu.memory_space<hbm>> -> memref<2000xi32, #tpu.memory_space<hbm>>
      tpu.wait_dma2 semaphore(%arg10 : memref<!tpu.dma_semaphore, #tpu.memory_space<semaphore_mem>>) src(%dma_wait3A_720 : memref<2000xi32, #tpu.memory_space<hbm>>) dst(%dma_wait3A_719 : memref<2000xi32, #tpu.memory_space<vmem>>)
      %dma_wait3A_721 = arith.constant 12000 : i32
      %dma_wait3A_722 = tpu.memref_slice %arg6[%dma_wait3A_721] : memref<18000xi32, #tpu.memory_space<vmem>> -> memref<2000xi32, #tpu.memory_space<vmem>>
      %dma_wait3A_723 = tpu.memref_slice %arg3[%add3A_447] : memref<1000000xi32, #tpu.memory_space<hbm>> -> memref<2000xi32, #tpu.memory_space<hbm>>
      %dma_wait3A_724 = arith.constant 12000 : i32
      %dma_wait3A_725 = tpu.memref_slice %arg6[%dma_wait3A_724] : memref<18000xi32, #tpu.memory_space<vmem>> -> memref<2000xi32, #tpu.memory_space<vmem>>
      %dma_wait3A_726 = tpu.memref_slice %arg3[%add3A_447] : memref<1000000xi32, #tpu.memory_space<hbm>> -> memref<2000xi32, #tpu.memory_space<hbm>>
      tpu.wait_dma2 semaphore(%arg10 : memref<!tpu.dma_semaphore, #tpu.memory_space<semaphore_mem>>) src(%dma_wait3A_726 : memref<2000xi32, #tpu.memory_space<hbm>>) dst(%dma_wait3A_725 : memref<2000xi32, #tpu.memory_space<vmem>>)
      %dma_wait3A_727 = arith.constant 14000 : i32
      %dma_wait3A_728 = tpu.memref_slice %arg6[%dma_wait3A_727] : memref<18000xi32, #tpu.memory_space<vmem>> -> memref<2000xi32, #tpu.memory_space<vmem>>
      %dma_wait3A_729 = tpu.memref_slice %arg3[%add3A_458] : memref<1000000xi32, #tpu.memory_space<hbm>> -> memref<2000xi32, #tpu.memory_space<hbm>>
      %dma_wait3A_730 = arith.constant 14000 : i32
      %dma_wait3A_731 = tpu.memref_slice %arg6[%dma_wait3A_730] : memref<18000xi32, #tpu.memory_space<vmem>> -> memref<2000xi32, #tpu.memory_space<vmem>>
      %dma_wait3A_732 = tpu.memref_slice %arg3[%add3A_458] : memref<1000000xi32, #tpu.memory_space<hbm>> -> memref<2000xi32, #tpu.memory_space<hbm>>
      tpu.wait_dma2 semaphore(%arg10 : memref<!tpu.dma_semaphore, #tpu.memory_space<semaphore_mem>>) src(%dma_wait3A_732 : memref<2000xi32, #tpu.memory_space<hbm>>) dst(%dma_wait3A_731 : memref<2000xi32, #tpu.memory_space<vmem>>)
      %dma_wait3A_733 = arith.constant 16000 : i32
      %dma_wait3A_734 = tpu.memref_slice %arg6[%dma_wait3A_733] : memref<18000xi32, #tpu.memory_space<vmem>> -> memref<2000xi32, #tpu.memory_space<vmem>>
      %dma_wait3A_735 = tpu.memref_slice %arg3[%add3A_469] : memref<1000000xi32, #tpu.memory_space<hbm>> -> memref<2000xi32, #tpu.memory_space<hbm>>
      %dma_wait3A_736 = arith.constant 16000 : i32
      %dma_wait3A_737 = tpu.memref_slice %arg6[%dma_wait3A_736] : memref<18000xi32, #tpu.memory_space<vmem>> -> memref<2000xi32, #tpu.memory_space<vmem>>
      %dma_wait3A_738 = tpu.memref_slice %arg3[%add3A_469] : memref<1000000xi32, #tpu.memory_space<hbm>> -> memref<2000xi32, #tpu.memory_space<hbm>>
      tpu.wait_dma2 semaphore(%arg10 : memref<!tpu.dma_semaphore, #tpu.memory_space<semaphore_mem>>) src(%dma_wait3A_738 : memref<2000xi32, #tpu.memory_space<hbm>>) dst(%dma_wait3A_737 : memref<2000xi32, #tpu.memory_space<vmem>>)
      %parallel_loop3A_739 = arith.constant 0 : i32
      %parallel_loop3A_740 = arith.constant 1984 : i32
      %parallel_loop3A_741 = arith.constant 32 : i32
      %parallel_loop3A_742 = scf.for %parallel_loop3A_1112 = %parallel_loop3A_739 to %parallel_loop3A_740 step %parallel_loop3A_741 iter_args(%parallel_loop3A_1113 = %add3A_583) -> (vector<16xf32>)  : i32 {
        %parallel_loop3A_1114 = arith.constant 16 : i32
        %parallel_loop3A_1115 = arith.addi %parallel_loop3A_1112, %parallel_loop3A_1114 : i32
        %parallel_loop3A_1116 = arith.constant 16000 : i32
        %parallel_loop3A_1117 = arith.addi %parallel_loop3A_1116, %parallel_loop3A_1112 : i32
        %parallel_loop3A_1118 = arith.index_cast %parallel_loop3A_1117 : i32 to index
        %parallel_loop3A_1119 = tpu.vector_load %arg6[%parallel_loop3A_1118] {strides = array<i32>} : memref<18000xi32, #tpu.memory_space<vmem>>, vector<16xi32>,
        %parallel_loop3A_1120 = arith.sitofp %parallel_loop3A_1119 : vector<16xi32> to vector<16xf32>
        %parallel_loop3A_1121 = arith.constant 1.000000e+00 : f32
        %parallel_loop3A_1122 = vector.broadcast %parallel_loop3A_1121 : f32 to vector<16xf32>
        %parallel_loop3A_1123 = arith.divf %parallel_loop3A_1122, %parallel_loop3A_1120 : vector<16xf32>
        %parallel_loop3A_1124 = arith.constant 0.000000e+00 : f32
        %parallel_loop3A_1125 = vector.broadcast %parallel_loop3A_1124 : f32 to vector<16xf32>
        %parallel_loop3A_1126 = arith.constant 0 : i32
        %parallel_loop3A_1127 = arith.addi %parallel_loop3A_1126, %parallel_loop3A_1112 : i32
        %parallel_loop3A_1128 = arith.index_cast %parallel_loop3A_1127 : i32 to index
        %parallel_loop3A_1129 = tpu.vector_load %arg6[%parallel_loop3A_1128] {strides = array<i32>} : memref<18000xi32, #tpu.memory_space<vmem>>, vector<16xi32>,
        %parallel_loop3A_1130 = tpu.vector_load_idx %arg5[%parallel_loop3A_1129] : memref<50000xf32, #tpu.memory_space<vmem>>[vector<16xi32>], vector<16xf32>,
        %parallel_loop3A_1131 = arith.addf %parallel_loop3A_1125, %parallel_loop3A_1130 : vector<16xf32>
        %parallel_loop3A_1132 = arith.constant 2000 : i32
        %parallel_loop3A_1133 = arith.addi %parallel_loop3A_1132, %parallel_loop3A_1112 : i32
        %parallel_loop3A_1134 = arith.index_cast %parallel_loop3A_1133 : i32 to index
        %parallel_loop3A_1135 = tpu.vector_load %arg6[%parallel_loop3A_1134] {strides = array<i32>} : memref<18000xi32, #tpu.memory_space<vmem>>, vector<16xi32>,
        %parallel_loop3A_1136 = tpu.vector_load_idx %arg5[%parallel_loop3A_1135] : memref<50000xf32, #tpu.memory_space<vmem>>[vector<16xi32>], vector<16xf32>,
        %parallel_loop3A_1137 = arith.addf %parallel_loop3A_1131, %parallel_loop3A_1136 : vector<16xf32>
        %parallel_loop3A_1138 = arith.constant 4000 : i32
        %parallel_loop3A_1139 = arith.addi %parallel_loop3A_1138, %parallel_loop3A_1112 : i32
        %parallel_loop3A_1140 = arith.index_cast %parallel_loop3A_1139 : i32 to index
        %parallel_loop3A_1141 = tpu.vector_load %arg6[%parallel_loop3A_1140] {strides = array<i32>} : memref<18000xi32, #tpu.memory_space<vmem>>, vector<16xi32>,
        %parallel_loop3A_1142 = tpu.vector_load_idx %arg5[%parallel_loop3A_1141] : memref<50000xf32, #tpu.memory_space<vmem>>[vector<16xi32>], vector<16xf32>,
        %parallel_loop3A_1143 = arith.addf %parallel_loop3A_1137, %parallel_loop3A_1142 : vector<16xf32>
        %parallel_loop3A_1144 = arith.constant 6000 : i32
        %parallel_loop3A_1145 = arith.addi %parallel_loop3A_1144, %parallel_loop3A_1112 : i32
        %parallel_loop3A_1146 = arith.index_cast %parallel_loop3A_1145 : i32 to index
        %parallel_loop3A_1147 = tpu.vector_load %arg6[%parallel_loop3A_1146] {strides = array<i32>} : memref<18000xi32, #tpu.memory_space<vmem>>, vector<16xi32>,
        %parallel_loop3A_1148 = tpu.vector_load_idx %arg5[%parallel_loop3A_1147] : memref<50000xf32, #tpu.memory_space<vmem>>[vector<16xi32>], vector<16xf32>,
        %parallel_loop3A_1149 = arith.addf %parallel_loop3A_1143, %parallel_loop3A_1148 : vector<16xf32>
        %parallel_loop3A_1150 = arith.constant 8000 : i32
        %parallel_loop3A_1151 = arith.addi %parallel_loop3A_1150, %parallel_loop3A_1112 : i32
        %parallel_loop3A_1152 = arith.index_cast %parallel_loop3A_1151 : i32 to index
        %parallel_loop3A_1153 = tpu.vector_load %arg6[%parallel_loop3A_1152] {strides = array<i32>} : memref<18000xi32, #tpu.memory_space<vmem>>, vector<16xi32>,
        %parallel_loop3A_1154 = tpu.vector_load_idx %arg5[%parallel_loop3A_1153] : memref<50000xf32, #tpu.memory_space<vmem>>[vector<16xi32>], vector<16xf32>,
        %parallel_loop3A_1155 = arith.addf %parallel_loop3A_1149, %parallel_loop3A_1154 : vector<16xf32>
        %parallel_loop3A_1156 = arith.constant 10000 : i32
        %parallel_loop3A_1157 = arith.addi %parallel_loop3A_1156, %parallel_loop3A_1112 : i32
        %parallel_loop3A_1158 = arith.index_cast %parallel_loop3A_1157 : i32 to index
        %parallel_loop3A_1159 = tpu.vector_load %arg6[%parallel_loop3A_1158] {strides = array<i32>} : memref<18000xi32, #tpu.memory_space<vmem>>, vector<16xi32>,
        %parallel_loop3A_1160 = tpu.vector_load_idx %arg5[%parallel_loop3A_1159] : memref<50000xf32, #tpu.memory_space<vmem>>[vector<16xi32>], vector<16xf32>,
        %parallel_loop3A_1161 = arith.addf %parallel_loop3A_1155, %parallel_loop3A_1160 : vector<16xf32>
        %parallel_loop3A_1162 = arith.constant 12000 : i32
        %parallel_loop3A_1163 = arith.addi %parallel_loop3A_1162, %parallel_loop3A_1112 : i32
        %parallel_loop3A_1164 = arith.index_cast %parallel_loop3A_1163 : i32 to index
        %parallel_loop3A_1165 = tpu.vector_load %arg6[%parallel_loop3A_1164] {strides = array<i32>} : memref<18000xi32, #tpu.memory_space<vmem>>, vector<16xi32>,
        %parallel_loop3A_1166 = tpu.vector_load_idx %arg5[%parallel_loop3A_1165] : memref<50000xf32, #tpu.memory_space<vmem>>[vector<16xi32>], vector<16xf32>,
        %parallel_loop3A_1167 = arith.addf %parallel_loop3A_1161, %parallel_loop3A_1166 : vector<16xf32>
        %parallel_loop3A_1168 = arith.constant 14000 : i32
        %parallel_loop3A_1169 = arith.addi %parallel_loop3A_1168, %parallel_loop3A_1112 : i32
        %parallel_loop3A_1170 = arith.index_cast %parallel_loop3A_1169 : i32 to index
        %parallel_loop3A_1171 = tpu.vector_load %arg6[%parallel_loop3A_1170] {strides = array<i32>} : memref<18000xi32, #tpu.memory_space<vmem>>, vector<16xi32>,
        %parallel_loop3A_1172 = tpu.vector_load_idx %arg5[%parallel_loop3A_1171] : memref<50000xf32, #tpu.memory_space<vmem>>[vector<16xi32>], vector<16xf32>,
        %parallel_loop3A_1173 = arith.addf %parallel_loop3A_1167, %parallel_loop3A_1172 : vector<16xf32>
        %parallel_loop3A_1174 = arith.constant 4000 : i32
        %parallel_loop3A_1175 = arith.addi %mul3A_63, %parallel_loop3A_1174 : i32
        %parallel_loop3A_1176 = arith.addi %parallel_loop3A_1175, %parallel_loop3A_1112 : i32
        %parallel_loop3A_1177 = arith.index_cast %parallel_loop3A_1176 : i32 to index
        %parallel_loop3A_1178 = tpu.vector_load %arg5[%parallel_loop3A_1177] {strides = array<i32>} : memref<50000xf32, #tpu.memory_space<vmem>>, vector<16xf32>,
        %parallel_loop3A_1179 = arith.mulf %parallel_loop3A_1173, %parallel_loop3A_1123 : vector<16xf32>
        %parallel_loop3A_1180 = arith.subf %parallel_loop3A_1178, %parallel_loop3A_1179 : vector<16xf32>
        %parallel_loop3A_1181 = arith.mulf %parallel_loop3A_1180, %parallel_loop3A_1180 : vector<16xf32>
        %parallel_loop3A_1182 = arith.addf %parallel_loop3A_1113, %parallel_loop3A_1181 : vector<16xf32>
        %parallel_loop3A_1183 = arith.constant 16000 : i32
        %parallel_loop3A_1184 = arith.addi %parallel_loop3A_1183, %parallel_loop3A_1115 : i32
        %parallel_loop3A_1185 = arith.index_cast %parallel_loop3A_1184 : i32 to index
        %parallel_loop3A_1186 = tpu.vector_load %arg6[%parallel_loop3A_1185] {strides = array<i32>} : memref<18000xi32, #tpu.memory_space<vmem>>, vector<16xi32>,
        %parallel_loop3A_1187 = arith.sitofp %parallel_loop3A_1186 : vector<16xi32> to vector<16xf32>
        %parallel_loop3A_1188 = arith.constant 1.000000e+00 : f32
        %parallel_loop3A_1189 = vector.broadcast %parallel_loop3A_1188 : f32 to vector<16xf32>
        %parallel_loop3A_1190 = arith.divf %parallel_loop3A_1189, %parallel_loop3A_1187 : vector<16xf32>
        %parallel_loop3A_1191 = arith.constant 0.000000e+00 : f32
        %parallel_loop3A_1192 = vector.broadcast %parallel_loop3A_1191 : f32 to vector<16xf32>
        %parallel_loop3A_1193 = arith.constant 0 : i32
        %parallel_loop3A_1194 = arith.addi %parallel_loop3A_1193, %parallel_loop3A_1115 : i32
        %parallel_loop3A_1195 = arith.index_cast %parallel_loop3A_1194 : i32 to index
        %parallel_loop3A_1196 = tpu.vector_load %arg6[%parallel_loop3A_1195] {strides = array<i32>} : memref<18000xi32, #tpu.memory_space<vmem>>, vector<16xi32>,
        %parallel_loop3A_1197 = tpu.vector_load_idx %arg5[%parallel_loop3A_1196] : memref<50000xf32, #tpu.memory_space<vmem>>[vector<16xi32>], vector<16xf32>,
        %parallel_loop3A_1198 = arith.addf %parallel_loop3A_1192, %parallel_loop3A_1197 : vector<16xf32>
        %parallel_loop3A_1199 = arith.constant 2000 : i32
        %parallel_loop3A_1200 = arith.addi %parallel_loop3A_1199, %parallel_loop3A_1115 : i32
        %parallel_loop3A_1201 = arith.index_cast %parallel_loop3A_1200 : i32 to index
        %parallel_loop3A_1202 = tpu.vector_load %arg6[%parallel_loop3A_1201] {strides = array<i32>} : memref<18000xi32, #tpu.memory_space<vmem>>, vector<16xi32>,
        %parallel_loop3A_1203 = tpu.vector_load_idx %arg5[%parallel_loop3A_1202] : memref<50000xf32, #tpu.memory_space<vmem>>[vector<16xi32>], vector<16xf32>,
        %parallel_loop3A_1204 = arith.addf %parallel_loop3A_1198, %parallel_loop3A_1203 : vector<16xf32>
        %parallel_loop3A_1205 = arith.constant 4000 : i32
        %parallel_loop3A_1206 = arith.addi %parallel_loop3A_1205, %parallel_loop3A_1115 : i32
        %parallel_loop3A_1207 = arith.index_cast %parallel_loop3A_1206 : i32 to index
        %parallel_loop3A_1208 = tpu.vector_load %arg6[%parallel_loop3A_1207] {strides = array<i32>} : memref<18000xi32, #tpu.memory_space<vmem>>, vector<16xi32>,
        %parallel_loop3A_1209 = tpu.vector_load_idx %arg5[%parallel_loop3A_1208] : memref<50000xf32, #tpu.memory_space<vmem>>[vector<16xi32>], vector<16xf32>,
        %parallel_loop3A_1210 = arith.addf %parallel_loop3A_1204, %parallel_loop3A_1209 : vector<16xf32>
        %parallel_loop3A_1211 = arith.constant 6000 : i32
        %parallel_loop3A_1212 = arith.addi %parallel_loop3A_1211, %parallel_loop3A_1115 : i32
        %parallel_loop3A_1213 = arith.index_cast %parallel_loop3A_1212 : i32 to index
        %parallel_loop3A_1214 = tpu.vector_load %arg6[%parallel_loop3A_1213] {strides = array<i32>} : memref<18000xi32, #tpu.memory_space<vmem>>, vector<16xi32>,
        %parallel_loop3A_1215 = tpu.vector_load_idx %arg5[%parallel_loop3A_1214] : memref<50000xf32, #tpu.memory_space<vmem>>[vector<16xi32>], vector<16xf32>,
        %parallel_loop3A_1216 = arith.addf %parallel_loop3A_1210, %parallel_loop3A_1215 : vector<16xf32>
        %parallel_loop3A_1217 = arith.constant 8000 : i32
        %parallel_loop3A_1218 = arith.addi %parallel_loop3A_1217, %parallel_loop3A_1115 : i32
        %parallel_loop3A_1219 = arith.index_cast %parallel_loop3A_1218 : i32 to index
        %parallel_loop3A_1220 = tpu.vector_load %arg6[%parallel_loop3A_1219] {strides = array<i32>} : memref<18000xi32, #tpu.memory_space<vmem>>, vector<16xi32>,
        %parallel_loop3A_1221 = tpu.vector_load_idx %arg5[%parallel_loop3A_1220] : memref<50000xf32, #tpu.memory_space<vmem>>[vector<16xi32>], vector<16xf32>,
        %parallel_loop3A_1222 = arith.addf %parallel_loop3A_1216, %parallel_loop3A_1221 : vector<16xf32>
        %parallel_loop3A_1223 = arith.constant 10000 : i32
        %parallel_loop3A_1224 = arith.addi %parallel_loop3A_1223, %parallel_loop3A_1115 : i32
        %parallel_loop3A_1225 = arith.index_cast %parallel_loop3A_1224 : i32 to index
        %parallel_loop3A_1226 = tpu.vector_load %arg6[%parallel_loop3A_1225] {strides = array<i32>} : memref<18000xi32, #tpu.memory_space<vmem>>, vector<16xi32>,
        %parallel_loop3A_1227 = tpu.vector_load_idx %arg5[%parallel_loop3A_1226] : memref<50000xf32, #tpu.memory_space<vmem>>[vector<16xi32>], vector<16xf32>,
        %parallel_loop3A_1228 = arith.addf %parallel_loop3A_1222, %parallel_loop3A_1227 : vector<16xf32>
        %parallel_loop3A_1229 = arith.constant 12000 : i32
        %parallel_loop3A_1230 = arith.addi %parallel_loop3A_1229, %parallel_loop3A_1115 : i32
        %parallel_loop3A_1231 = arith.index_cast %parallel_loop3A_1230 : i32 to index
        %parallel_loop3A_1232 = tpu.vector_load %arg6[%parallel_loop3A_1231] {strides = array<i32>} : memref<18000xi32, #tpu.memory_space<vmem>>, vector<16xi32>,
        %parallel_loop3A_1233 = tpu.vector_load_idx %arg5[%parallel_loop3A_1232] : memref<50000xf32, #tpu.memory_space<vmem>>[vector<16xi32>], vector<16xf32>,
        %parallel_loop3A_1234 = arith.addf %parallel_loop3A_1228, %parallel_loop3A_1233 : vector<16xf32>
        %parallel_loop3A_1235 = arith.constant 14000 : i32
        %parallel_loop3A_1236 = arith.addi %parallel_loop3A_1235, %parallel_loop3A_1115 : i32
        %parallel_loop3A_1237 = arith.index_cast %parallel_loop3A_1236 : i32 to index
        %parallel_loop3A_1238 = tpu.vector_load %arg6[%parallel_loop3A_1237] {strides = array<i32>} : memref<18000xi32, #tpu.memory_space<vmem>>, vector<16xi32>,
        %parallel_loop3A_1239 = tpu.vector_load_idx %arg5[%parallel_loop3A_1238] : memref<50000xf32, #tpu.memory_space<vmem>>[vector<16xi32>], vector<16xf32>,
        %parallel_loop3A_1240 = arith.addf %parallel_loop3A_1234, %parallel_loop3A_1239 : vector<16xf32>
        %parallel_loop3A_1241 = arith.constant 4000 : i32
        %parallel_loop3A_1242 = arith.addi %mul3A_63, %parallel_loop3A_1241 : i32
        %parallel_loop3A_1243 = arith.addi %parallel_loop3A_1242, %parallel_loop3A_1115 : i32
        %parallel_loop3A_1244 = arith.index_cast %parallel_loop3A_1243 : i32 to index
        %parallel_loop3A_1245 = tpu.vector_load %arg5[%parallel_loop3A_1244] {strides = array<i32>} : memref<50000xf32, #tpu.memory_space<vmem>>, vector<16xf32>,
        %parallel_loop3A_1246 = arith.mulf %parallel_loop3A_1240, %parallel_loop3A_1190 : vector<16xf32>
        %parallel_loop3A_1247 = arith.subf %parallel_loop3A_1245, %parallel_loop3A_1246 : vector<16xf32>
        %parallel_loop3A_1248 = arith.mulf %parallel_loop3A_1247, %parallel_loop3A_1247 : vector<16xf32>
        %parallel_loop3A_1249 = arith.addf %parallel_loop3A_1182, %parallel_loop3A_1248 : vector<16xf32>
        scf.yield %parallel_loop3A_1249 : vector<16xf32>
      } {sc.loop_unroll_factor = 1 : i64, sc.parallel_access}
      %get3A_743 = arith.constant 17984 : index
      %get3A_744 = tpu.vector_load %arg6[%get3A_743] {strides = array<i32>} : memref<18000xi32, #tpu.memory_space<vmem>>, vector<16xi32>,
      %convert_element_type3A_745 = arith.sitofp %get3A_744 : vector<16xi32> to vector<16xf32>
      %div3A_746 = arith.constant 1.000000e+00 : f32
      %div3A_747 = vector.broadcast %div3A_746 : f32 to vector<16xf32>
      %div3A_748 = arith.divf %div3A_747, %convert_element_type3A_745 : vector<16xf32>
      %broadcast_in_dim3A_749 = arith.constant 0.000000e+00 : f32
      %broadcast_in_dim3A_750 = vector.broadcast %broadcast_in_dim3A_749 : f32 to vector<16xf32>
      %get3A_751 = arith.constant 1984 : index
      %get3A_752 = tpu.vector_load %arg6[%get3A_751] {strides = array<i32>} : memref<18000xi32, #tpu.memory_space<vmem>>, vector<16xi32>,
      %gather3A_753 = tpu.vector_load_idx %arg5[%get3A_752] : memref<50000xf32, #tpu.memory_space<vmem>>[vector<16xi32>], vector<16xf32>,
      %add3A_754 = arith.addf %broadcast_in_dim3A_750, %gather3A_753 : vector<16xf32>
      %get3A_755 = arith.constant 3984 : index
      %get3A_756 = tpu.vector_load %arg6[%get3A_755] {strides = array<i32>} : memref<18000xi32, #tpu.memory_space<vmem>>, vector<16xi32>,
      %gather3A_757 = tpu.vector_load_idx %arg5[%get3A_756] : memref<50000xf32, #tpu.memory_space<vmem>>[vector<16xi32>], vector<16xf32>,
      %add3A_758 = arith.addf %add3A_754, %gather3A_757 : vector<16xf32>
      %get3A_759 = arith.constant 5984 : index
      %get3A_760 = tpu.vector_load %arg6[%get3A_759] {strides = array<i32>} : memref<18000xi32, #tpu.memory_space<vmem>>, vector<16xi32>,
      %gather3A_761 = tpu.vector_load_idx %arg5[%get3A_760] : memref<50000xf32, #tpu.memory_space<vmem>>[vector<16xi32>], vector<16xf32>,
      %add3A_762 = arith.addf %add3A_758, %gather3A_761 : vector<16xf32>
      %get3A_763 = arith.constant 7984 : index
      %get3A_764 = tpu.vector_load %arg6[%get3A_763] {strides = array<i32>} : memref<18000xi32, #tpu.memory_space<vmem>>, vector<16xi32>,
      %gather3A_765 = tpu.vector_load_idx %arg5[%get3A_764] : memref<50000xf32, #tpu.memory_space<vmem>>[vector<16xi32>], vector<16xf32>,
      %add3A_766 = arith.addf %add3A_762, %gather3A_765 : vector<16xf32>
      %get3A_767 = arith.constant 9984 : index
      %get3A_768 = tpu.vector_load %arg6[%get3A_767] {strides = array<i32>} : memref<18000xi32, #tpu.memory_space<vmem>>, vector<16xi32>,
      %gather3A_769 = tpu.vector_load_idx %arg5[%get3A_768] : memref<50000xf32, #tpu.memory_space<vmem>>[vector<16xi32>], vector<16xf32>,
      %add3A_770 = arith.addf %add3A_766, %gather3A_769 : vector<16xf32>
      %get3A_771 = arith.constant 11984 : index
      %get3A_772 = tpu.vector_load %arg6[%get3A_771] {strides = array<i32>} : memref<18000xi32, #tpu.memory_space<vmem>>, vector<16xi32>,
      %gather3A_773 = tpu.vector_load_idx %arg5[%get3A_772] : memref<50000xf32, #tpu.memory_space<vmem>>[vector<16xi32>], vector<16xf32>,
      %add3A_774 = arith.addf %add3A_770, %gather3A_773 : vector<16xf32>
      %get3A_775 = arith.constant 13984 : index
      %get3A_776 = tpu.vector_load %arg6[%get3A_775] {strides = array<i32>} : memref<18000xi32, #tpu.memory_space<vmem>>, vector<16xi32>,
      %gather3A_777 = tpu.vector_load_idx %arg5[%get3A_776] : memref<50000xf32, #tpu.memory_space<vmem>>[vector<16xi32>], vector<16xf32>,
      %add3A_778 = arith.addf %add3A_774, %gather3A_777 : vector<16xf32>
      %get3A_779 = arith.constant 15984 : index
      %get3A_780 = tpu.vector_load %arg6[%get3A_779] {strides = array<i32>} : memref<18000xi32, #tpu.memory_space<vmem>>, vector<16xi32>,
      %gather3A_781 = tpu.vector_load_idx %arg5[%get3A_780] : memref<50000xf32, #tpu.memory_space<vmem>>[vector<16xi32>], vector<16xf32>,
      %add3A_782 = arith.addf %add3A_778, %gather3A_781 : vector<16xf32>
      %add3A_783 = arith.constant 4000 : i32
      %add3A_784 = arith.addi %mul3A_63, %add3A_783 : i32
      %add3A_785 = arith.constant 1984 : i32
      %add3A_786 = arith.addi %add3A_784, %add3A_785 : i32
      %get3A_787 = arith.index_cast %add3A_786 : i32 to index
      %get3A_788 = tpu.vector_load %arg5[%get3A_787] {strides = array<i32>} : memref<50000xf32, #tpu.memory_space<vmem>>, vector<16xf32>,
      %mul3A_789 = arith.mulf %add3A_782, %div3A_748 : vector<16xf32>
      %sub3A_790 = arith.subf %get3A_788, %mul3A_789 : vector<16xf32>
      %mul3A_791 = arith.mulf %sub3A_790, %sub3A_790 : vector<16xf32>
      %add3A_792 = arith.addf %parallel_loop3A_742, %mul3A_791 : vector<16xf32>
      %add3A_793 = arith.constant 8000 : i32
      %add3A_794 = arith.addi %mul3A_63, %add3A_793 : i32
      %add3A_795 = arith.constant 0 : i32
      %add3A_796 = arith.addi %add3A_795, %select_n3A_61 : i32
      %mul3A_797 = arith.constant 50000 : i32
      %mul3A_798 = arith.muli %add3A_796, %mul3A_797 : i32
      %add3A_799 = arith.addi %mul3A_798, %add3A_794 : i32
      %dma_start3A_800 = arith.constant 0 : i32
      %dma_start3A_801 = tpu.memref_slice %arg6[%dma_start3A_800] : memref<18000xi32, #tpu.memory_space<vmem>> -> memref<2000xi32, #tpu.memory_space<vmem>>
      %dma_start3A_802 = tpu.memref_slice %arg3[%add3A_799] : memref<1000000xi32, #tpu.memory_space<hbm>> -> memref<2000xi32, #tpu.memory_space<hbm>>
      %dma_start3A_803 = arith.constant 0 : i32
      %dma_start3A_804 = tpu.memref_slice %arg6[%dma_start3A_803] : memref<18000xi32, #tpu.memory_space<vmem>> -> memref<2000xi32, #tpu.memory_space<vmem>>
      %dma_start3A_805 = tpu.memref_slice %arg3[%add3A_799] : memref<1000000xi32, #tpu.memory_space<hbm>> -> memref<2000xi32, #tpu.memory_space<hbm>>
      tpu.enqueue_dma source(%dma_start3A_805 : memref<2000xi32, #tpu.memory_space<hbm>>) target(%dma_start3A_804 : memref<2000xi32, #tpu.memory_space<vmem>>) target_semaphore(%arg10 : memref<!tpu.dma_semaphore, #tpu.memory_space<semaphore_mem>>)
      %add3A_806 = arith.constant 2 : i32
      %add3A_807 = arith.addi %add3A_806, %select_n3A_61 : i32
      %mul3A_808 = arith.constant 50000 : i32
      %mul3A_809 = arith.muli %add3A_807, %mul3A_808 : i32
      %add3A_810 = arith.addi %mul3A_809, %add3A_794 : i32
      %dma_start3A_811 = arith.constant 2000 : i32
      %dma_start3A_812 = tpu.memref_slice %arg6[%dma_start3A_811] : memref<18000xi32, #tpu.memory_space<vmem>> -> memref<2000xi32, #tpu.memory_space<vmem>>
      %dma_start3A_813 = tpu.memref_slice %arg3[%add3A_810] : memref<1000000xi32, #tpu.memory_space<hbm>> -> memref<2000xi32, #tpu.memory_space<hbm>>
      %dma_start3A_814 = arith.constant 2000 : i32
      %dma_start3A_815 = tpu.memref_slice %arg6[%dma_start3A_814] : memref<18000xi32, #tpu.memory_space<vmem>> -> memref<2000xi32, #tpu.memory_space<vmem>>
      %dma_start3A_816 = tpu.memref_slice %arg3[%add3A_810] : memref<1000000xi32, #tpu.memory_space<hbm>> -> memref<2000xi32, #tpu.memory_space<hbm>>
      tpu.enqueue_dma source(%dma_start3A_816 : memref<2000xi32, #tpu.memory_space<hbm>>) target(%dma_start3A_815 : memref<2000xi32, #tpu.memory_space<vmem>>) target_semaphore(%arg10 : memref<!tpu.dma_semaphore, #tpu.memory_space<semaphore_mem>>)
      %add3A_817 = arith.constant 4 : i32
      %add3A_818 = arith.addi %add3A_817, %select_n3A_61 : i32
      %mul3A_819 = arith.constant 50000 : i32
      %mul3A_820 = arith.muli %add3A_818, %mul3A_819 : i32
      %add3A_821 = arith.addi %mul3A_820, %add3A_794 : i32
      %dma_start3A_822 = arith.constant 4000 : i32
      %dma_start3A_823 = tpu.memref_slice %arg6[%dma_start3A_822] : memref<18000xi32, #tpu.memory_space<vmem>> -> memref<2000xi32, #tpu.memory_space<vmem>>
      %dma_start3A_824 = tpu.memref_slice %arg3[%add3A_821] : memref<1000000xi32, #tpu.memory_space<hbm>> -> memref<2000xi32, #tpu.memory_space<hbm>>
      %dma_start3A_825 = arith.constant 4000 : i32
      %dma_start3A_826 = tpu.memref_slice %arg6[%dma_start3A_825] : memref<18000xi32, #tpu.memory_space<vmem>> -> memref<2000xi32, #tpu.memory_space<vmem>>
      %dma_start3A_827 = tpu.memref_slice %arg3[%add3A_821] : memref<1000000xi32, #tpu.memory_space<hbm>> -> memref<2000xi32, #tpu.memory_space<hbm>>
      tpu.enqueue_dma source(%dma_start3A_827 : memref<2000xi32, #tpu.memory_space<hbm>>) target(%dma_start3A_826 : memref<2000xi32, #tpu.memory_space<vmem>>) target_semaphore(%arg10 : memref<!tpu.dma_semaphore, #tpu.memory_space<semaphore_mem>>)
      %add3A_828 = arith.constant 6 : i32
      %add3A_829 = arith.addi %add3A_828, %select_n3A_61 : i32
      %mul3A_830 = arith.constant 50000 : i32
      %mul3A_831 = arith.muli %add3A_829, %mul3A_830 : i32
      %add3A_832 = arith.addi %mul3A_831, %add3A_794 : i32
      %dma_start3A_833 = arith.constant 6000 : i32
      %dma_start3A_834 = tpu.memref_slice %arg6[%dma_start3A_833] : memref<18000xi32, #tpu.memory_space<vmem>> -> memref<2000xi32, #tpu.memory_space<vmem>>
      %dma_start3A_835 = tpu.memref_slice %arg3[%add3A_832] : memref<1000000xi32, #tpu.memory_space<hbm>> -> memref<2000xi32, #tpu.memory_space<hbm>>
      %dma_start3A_836 = arith.constant 6000 : i32
      %dma_start3A_837 = tpu.memref_slice %arg6[%dma_start3A_836] : memref<18000xi32, #tpu.memory_space<vmem>> -> memref<2000xi32, #tpu.memory_space<vmem>>
      %dma_start3A_838 = tpu.memref_slice %arg3[%add3A_832] : memref<1000000xi32, #tpu.memory_space<hbm>> -> memref<2000xi32, #tpu.memory_space<hbm>>
      tpu.enqueue_dma source(%dma_start3A_838 : memref<2000xi32, #tpu.memory_space<hbm>>) target(%dma_start3A_837 : memref<2000xi32, #tpu.memory_space<vmem>>) target_semaphore(%arg10 : memref<!tpu.dma_semaphore, #tpu.memory_space<semaphore_mem>>)
      %add3A_839 = arith.constant 8 : i32
      %add3A_840 = arith.addi %add3A_839, %select_n3A_61 : i32
      %mul3A_841 = arith.constant 50000 : i32
      %mul3A_842 = arith.muli %add3A_840, %mul3A_841 : i32
      %add3A_843 = arith.addi %mul3A_842, %add3A_794 : i32
      %dma_start3A_844 = arith.constant 8000 : i32
      %dma_start3A_845 = tpu.memref_slice %arg6[%dma_start3A_844] : memref<18000xi32, #tpu.memory_space<vmem>> -> memref<2000xi32, #tpu.memory_space<vmem>>
      %dma_start3A_846 = tpu.memref_slice %arg3[%add3A_843] : memref<1000000xi32, #tpu.memory_space<hbm>> -> memref<2000xi32, #tpu.memory_space<hbm>>
      %dma_start3A_847 = arith.constant 8000 : i32
      %dma_start3A_848 = tpu.memref_slice %arg6[%dma_start3A_847] : memref<18000xi32, #tpu.memory_space<vmem>> -> memref<2000xi32, #tpu.memory_space<vmem>>
      %dma_start3A_849 = tpu.memref_slice %arg3[%add3A_843] : memref<1000000xi32, #tpu.memory_space<hbm>> -> memref<2000xi32, #tpu.memory_space<hbm>>
      tpu.enqueue_dma source(%dma_start3A_849 : memref<2000xi32, #tpu.memory_space<hbm>>) target(%dma_start3A_848 : memref<2000xi32, #tpu.memory_space<vmem>>) target_semaphore(%arg10 : memref<!tpu.dma_semaphore, #tpu.memory_space<semaphore_mem>>)
      %add3A_850 = arith.constant 10 : i32
      %add3A_851 = arith.addi %add3A_850, %select_n3A_61 : i32
      %mul3A_852 = arith.constant 50000 : i32
      %mul3A_853 = arith.muli %add3A_851, %mul3A_852 : i32
      %add3A_854 = arith.addi %mul3A_853, %add3A_794 : i32
      %dma_start3A_855 = arith.constant 10000 : i32
      %dma_start3A_856 = tpu.memref_slice %arg6[%dma_start3A_855] : memref<18000xi32, #tpu.memory_space<vmem>> -> memref<2000xi32, #tpu.memory_space<vmem>>
      %dma_start3A_857 = tpu.memref_slice %arg3[%add3A_854] : memref<1000000xi32, #tpu.memory_space<hbm>> -> memref<2000xi32, #tpu.memory_space<hbm>>
      %dma_start3A_858 = arith.constant 10000 : i32
      %dma_start3A_859 = tpu.memref_slice %arg6[%dma_start3A_858] : memref<18000xi32, #tpu.memory_space<vmem>> -> memref<2000xi32, #tpu.memory_space<vmem>>
      %dma_start3A_860 = tpu.memref_slice %arg3[%add3A_854] : memref<1000000xi32, #tpu.memory_space<hbm>> -> memref<2000xi32, #tpu.memory_space<hbm>>
      tpu.enqueue_dma source(%dma_start3A_860 : memref<2000xi32, #tpu.memory_space<hbm>>) target(%dma_start3A_859 : memref<2000xi32, #tpu.memory_space<vmem>>) target_semaphore(%arg10 : memref<!tpu.dma_semaphore, #tpu.memory_space<semaphore_mem>>)
      %add3A_861 = arith.constant 12 : i32
      %add3A_862 = arith.addi %add3A_861, %select_n3A_61 : i32
      %mul3A_863 = arith.constant 50000 : i32
      %mul3A_864 = arith.muli %add3A_862, %mul3A_863 : i32
      %add3A_865 = arith.addi %mul3A_864, %add3A_794 : i32
      %dma_start3A_866 = arith.constant 12000 : i32
      %dma_start3A_867 = tpu.memref_slice %arg6[%dma_start3A_866] : memref<18000xi32, #tpu.memory_space<vmem>> -> memref<2000xi32, #tpu.memory_space<vmem>>
      %dma_start3A_868 = tpu.memref_slice %arg3[%add3A_865] : memref<1000000xi32, #tpu.memory_space<hbm>> -> memref<2000xi32, #tpu.memory_space<hbm>>
      %dma_start3A_869 = arith.constant 12000 : i32
      %dma_start3A_870 = tpu.memref_slice %arg6[%dma_start3A_869] : memref<18000xi32, #tpu.memory_space<vmem>> -> memref<2000xi32, #tpu.memory_space<vmem>>
      %dma_start3A_871 = tpu.memref_slice %arg3[%add3A_865] : memref<1000000xi32, #tpu.memory_space<hbm>> -> memref<2000xi32, #tpu.memory_space<hbm>>
      tpu.enqueue_dma source(%dma_start3A_871 : memref<2000xi32, #tpu.memory_space<hbm>>) target(%dma_start3A_870 : memref<2000xi32, #tpu.memory_space<vmem>>) target_semaphore(%arg10 : memref<!tpu.dma_semaphore, #tpu.memory_space<semaphore_mem>>)
      %add3A_872 = arith.constant 14 : i32
      %add3A_873 = arith.addi %add3A_872, %select_n3A_61 : i32
      %mul3A_874 = arith.constant 50000 : i32
      %mul3A_875 = arith.muli %add3A_873, %mul3A_874 : i32
      %add3A_876 = arith.addi %mul3A_875, %add3A_794 : i32
      %dma_start3A_877 = arith.constant 14000 : i32
      %dma_start3A_878 = tpu.memref_slice %arg6[%dma_start3A_877] : memref<18000xi32, #tpu.memory_space<vmem>> -> memref<2000xi32, #tpu.memory_space<vmem>>
      %dma_start3A_879 = tpu.memref_slice %arg3[%add3A_876] : memref<1000000xi32, #tpu.memory_space<hbm>> -> memref<2000xi32, #tpu.memory_space<hbm>>
      %dma_start3A_880 = arith.constant 14000 : i32
      %dma_start3A_881 = tpu.memref_slice %arg6[%dma_start3A_880] : memref<18000xi32, #tpu.memory_space<vmem>> -> memref<2000xi32, #tpu.memory_space<vmem>>
      %dma_start3A_882 = tpu.memref_slice %arg3[%add3A_876] : memref<1000000xi32, #tpu.memory_space<hbm>> -> memref<2000xi32, #tpu.memory_space<hbm>>
      tpu.enqueue_dma source(%dma_start3A_882 : memref<2000xi32, #tpu.memory_space<hbm>>) target(%dma_start3A_881 : memref<2000xi32, #tpu.memory_space<vmem>>) target_semaphore(%arg10 : memref<!tpu.dma_semaphore, #tpu.memory_space<semaphore_mem>>)
      %add3A_883 = arith.constant 18 : i32
      %add3A_884 = arith.addi %add3A_883, %select_n3A_61 : i32
      %mul3A_885 = arith.constant 50000 : i32
      %mul3A_886 = arith.muli %add3A_884, %mul3A_885 : i32
      %add3A_887 = arith.addi %mul3A_886, %add3A_794 : i32
      %dma_start3A_888 = arith.constant 16000 : i32
      %dma_start3A_889 = tpu.memref_slice %arg6[%dma_start3A_888] : memref<18000xi32, #tpu.memory_space<vmem>> -> memref<2000xi32, #tpu.memory_space<vmem>>
      %dma_start3A_890 = tpu.memref_slice %arg3[%add3A_887] : memref<1000000xi32, #tpu.memory_space<hbm>> -> memref<2000xi32, #tpu.memory_space<hbm>>
      %dma_start3A_891 = arith.constant 16000 : i32
      %dma_start3A_892 = tpu.memref_slice %arg6[%dma_start3A_891] : memref<18000xi32, #tpu.memory_space<vmem>> -> memref<2000xi32, #tpu.memory_space<vmem>>
      %dma_start3A_893 = tpu.memref_slice %arg3[%add3A_887] : memref<1000000xi32, #tpu.memory_space<hbm>> -> memref<2000xi32, #tpu.memory_space<hbm>>
      tpu.enqueue_dma source(%dma_start3A_893 : memref<2000xi32, #tpu.memory_space<hbm>>) target(%dma_start3A_892 : memref<2000xi32, #tpu.memory_space<vmem>>) target_semaphore(%arg10 : memref<!tpu.dma_semaphore, #tpu.memory_space<semaphore_mem>>)
      %dma_wait3A_894 = arith.constant 0 : i32
      %dma_wait3A_895 = tpu.memref_slice %arg7[%dma_wait3A_894] : memref<18000xi32, #tpu.memory_space<vmem>> -> memref<2000xi32, #tpu.memory_space<vmem>>
      %dma_wait3A_896 = tpu.memref_slice %arg3[%add3A_590] : memref<1000000xi32, #tpu.memory_space<hbm>> -> memref<2000xi32, #tpu.memory_space<hbm>>
      %dma_wait3A_897 = arith.constant 0 : i32
      %dma_wait3A_898 = tpu.memref_slice %arg7[%dma_wait3A_897] : memref<18000xi32, #tpu.memory_space<vmem>> -> memref<2000xi32, #tpu.memory_space<vmem>>
      %dma_wait3A_899 = tpu.memref_slice %arg3[%add3A_590] : memref<1000000xi32, #tpu.memory_space<hbm>> -> memref<2000xi32, #tpu.memory_space<hbm>>
      tpu.wait_dma2 semaphore(%arg10 : memref<!tpu.dma_semaphore, #tpu.memory_space<semaphore_mem>>) src(%dma_wait3A_899 : memref<2000xi32, #tpu.memory_space<hbm>>) dst(%dma_wait3A_898 : memref<2000xi32, #tpu.memory_space<vmem>>)
      %dma_wait3A_900 = arith.constant 2000 : i32
      %dma_wait3A_901 = tpu.memref_slice %arg7[%dma_wait3A_900] : memref<18000xi32, #tpu.memory_space<vmem>> -> memref<2000xi32, #tpu.memory_space<vmem>>
      %dma_wait3A_902 = tpu.memref_slice %arg3[%add3A_601] : memref<1000000xi32, #tpu.memory_space<hbm>> -> memref<2000xi32, #tpu.memory_space<hbm>>
      %dma_wait3A_903 = arith.constant 2000 : i32
      %dma_wait3A_904 = tpu.memref_slice %arg7[%dma_wait3A_903] : memref<18000xi32, #tpu.memory_space<vmem>> -> memref<2000xi32, #tpu.memory_space<vmem>>
      %dma_wait3A_905 = tpu.memref_slice %arg3[%add3A_601] : memref<1000000xi32, #tpu.memory_space<hbm>> -> memref<2000xi32, #tpu.memory_space<hbm>>
      tpu.wait_dma2 semaphore(%arg10 : memref<!tpu.dma_semaphore, #tpu.memory_space<semaphore_mem>>) src(%dma_wait3A_905 : memref<2000xi32, #tpu.memory_space<hbm>>) dst(%dma_wait3A_904 : memref<2000xi32, #tpu.memory_space<vmem>>)
      %dma_wait3A_906 = arith.constant 4000 : i32
      %dma_wait3A_907 = tpu.memref_slice %arg7[%dma_wait3A_906] : memref<18000xi32, #tpu.memory_space<vmem>> -> memref<2000xi32, #tpu.memory_space<vmem>>
      %dma_wait3A_908 = tpu.memref_slice %arg3[%add3A_612] : memref<1000000xi32, #tpu.memory_space<hbm>> -> memref<2000xi32, #tpu.memory_space<hbm>>
      %dma_wait3A_909 = arith.constant 4000 : i32
      %dma_wait3A_910 = tpu.memref_slice %arg7[%dma_wait3A_909] : memref<18000xi32, #tpu.memory_space<vmem>> -> memref<2000xi32, #tpu.memory_space<vmem>>
      %dma_wait3A_911 = tpu.memref_slice %arg3[%add3A_612] : memref<1000000xi32, #tpu.memory_space<hbm>> -> memref<2000xi32, #tpu.memory_space<hbm>>
      tpu.wait_dma2 semaphore(%arg10 : memref<!tpu.dma_semaphore, #tpu.memory_space<semaphore_mem>>) src(%dma_wait3A_911 : memref<2000xi32, #tpu.memory_space<hbm>>) dst(%dma_wait3A_910 : memref<2000xi32, #tpu.memory_space<vmem>>)
      %dma_wait3A_912 = arith.constant 6000 : i32
      %dma_wait3A_913 = tpu.memref_slice %arg7[%dma_wait3A_912] : memref<18000xi32, #tpu.memory_space<vmem>> -> memref<2000xi32, #tpu.memory_space<vmem>>
      %dma_wait3A_914 = tpu.memref_slice %arg3[%add3A_623] : memref<1000000xi32, #tpu.memory_space<hbm>> -> memref<2000xi32, #tpu.memory_space<hbm>>
      %dma_wait3A_915 = arith.constant 6000 : i32
      %dma_wait3A_916 = tpu.memref_slice %arg7[%dma_wait3A_915] : memref<18000xi32, #tpu.memory_space<vmem>> -> memref<2000xi32, #tpu.memory_space<vmem>>
      %dma_wait3A_917 = tpu.memref_slice %arg3[%add3A_623] : memref<1000000xi32, #tpu.memory_space<hbm>> -> memref<2000xi32, #tpu.memory_space<hbm>>
      tpu.wait_dma2 semaphore(%arg10 : memref<!tpu.dma_semaphore, #tpu.memory_space<semaphore_mem>>) src(%dma_wait3A_917 : memref<2000xi32, #tpu.memory_space<hbm>>) dst(%dma_wait3A_916 : memref<2000xi32, #tpu.memory_space<vmem>>)
      %dma_wait3A_918 = arith.constant 8000 : i32
      %dma_wait3A_919 = tpu.memref_slice %arg7[%dma_wait3A_918] : memref<18000xi32, #tpu.memory_space<vmem>> -> memref<2000xi32, #tpu.memory_space<vmem>>
      %dma_wait3A_920 = tpu.memref_slice %arg3[%add3A_634] : memref<1000000xi32, #tpu.memory_space<hbm>> -> memref<2000xi32, #tpu.memory_space<hbm>>
      %dma_wait3A_921 = arith.constant 8000 : i32
      %dma_wait3A_922 = tpu.memref_slice %arg7[%dma_wait3A_921] : memref<18000xi32, #tpu.memory_space<vmem>> -> memref<2000xi32, #tpu.memory_space<vmem>>
      %dma_wait3A_923 = tpu.memref_slice %arg3[%add3A_634] : memref<1000000xi32, #tpu.memory_space<hbm>> -> memref<2000xi32, #tpu.memory_space<hbm>>
      tpu.wait_dma2 semaphore(%arg10 : memref<!tpu.dma_semaphore, #tpu.memory_space<semaphore_mem>>) src(%dma_wait3A_923 : memref<2000xi32, #tpu.memory_space<hbm>>) dst(%dma_wait3A_922 : memref<2000xi32, #tpu.memory_space<vmem>>)
      %dma_wait3A_924 = arith.constant 10000 : i32
      %dma_wait3A_925 = tpu.memref_slice %arg7[%dma_wait3A_924] : memref<18000xi32, #tpu.memory_space<vmem>> -> memref<2000xi32, #tpu.memory_space<vmem>>
      %dma_wait3A_926 = tpu.memref_slice %arg3[%add3A_645] : memref<1000000xi32, #tpu.memory_space<hbm>> -> memref<2000xi32, #tpu.memory_space<hbm>>
      %dma_wait3A_927 = arith.constant 10000 : i32
      %dma_wait3A_928 = tpu.memref_slice %arg7[%dma_wait3A_927] : memref<18000xi32, #tpu.memory_space<vmem>> -> memref<2000xi32, #tpu.memory_space<vmem>>
      %dma_wait3A_929 = tpu.memref_slice %arg3[%add3A_645] : memref<1000000xi32, #tpu.memory_space<hbm>> -> memref<2000xi32, #tpu.memory_space<hbm>>
      tpu.wait_dma2 semaphore(%arg10 : memref<!tpu.dma_semaphore, #tpu.memory_space<semaphore_mem>>) src(%dma_wait3A_929 : memref<2000xi32, #tpu.memory_space<hbm>>) dst(%dma_wait3A_928 : memref<2000xi32, #tpu.memory_space<vmem>>)
      %dma_wait3A_930 = arith.constant 12000 : i32
      %dma_wait3A_931 = tpu.memref_slice %arg7[%dma_wait3A_930] : memref<18000xi32, #tpu.memory_space<vmem>> -> memref<2000xi32, #tpu.memory_space<vmem>>
      %dma_wait3A_932 = tpu.memref_slice %arg3[%add3A_656] : memref<1000000xi32, #tpu.memory_space<hbm>> -> memref<2000xi32, #tpu.memory_space<hbm>>
      %dma_wait3A_933 = arith.constant 12000 : i32
      %dma_wait3A_934 = tpu.memref_slice %arg7[%dma_wait3A_933] : memref<18000xi32, #tpu.memory_space<vmem>> -> memref<2000xi32, #tpu.memory_space<vmem>>
      %dma_wait3A_935 = tpu.memref_slice %arg3[%add3A_656] : memref<1000000xi32, #tpu.memory_space<hbm>> -> memref<2000xi32, #tpu.memory_space<hbm>>
      tpu.wait_dma2 semaphore(%arg10 : memref<!tpu.dma_semaphore, #tpu.memory_space<semaphore_mem>>) src(%dma_wait3A_935 : memref<2000xi32, #tpu.memory_space<hbm>>) dst(%dma_wait3A_934 : memref<2000xi32, #tpu.memory_space<vmem>>)
      %dma_wait3A_936 = arith.constant 14000 : i32
      %dma_wait3A_937 = tpu.memref_slice %arg7[%dma_wait3A_936] : memref<18000xi32, #tpu.memory_space<vmem>> -> memref<2000xi32, #tpu.memory_space<vmem>>
      %dma_wait3A_938 = tpu.memref_slice %arg3[%add3A_667] : memref<1000000xi32, #tpu.memory_space<hbm>> -> memref<2000xi32, #tpu.memory_space<hbm>>
      %dma_wait3A_939 = arith.constant 14000 : i32
      %dma_wait3A_940 = tpu.memref_slice %arg7[%dma_wait3A_939] : memref<18000xi32, #tpu.memory_space<vmem>> -> memref<2000xi32, #tpu.memory_space<vmem>>
      %dma_wait3A_941 = tpu.memref_slice %arg3[%add3A_667] : memref<1000000xi32, #tpu.memory_space<hbm>> -> memref<2000xi32, #tpu.memory_space<hbm>>
      tpu.wait_dma2 semaphore(%arg10 : memref<!tpu.dma_semaphore, #tpu.memory_space<semaphore_mem>>) src(%dma_wait3A_941 : memref<2000xi32, #tpu.memory_space<hbm>>) dst(%dma_wait3A_940 : memref<2000xi32, #tpu.memory_space<vmem>>)
      %dma_wait3A_942 = arith.constant 16000 : i32
      %dma_wait3A_943 = tpu.memref_slice %arg7[%dma_wait3A_942] : memref<18000xi32, #tpu.memory_space<vmem>> -> memref<2000xi32, #tpu.memory_space<vmem>>
      %dma_wait3A_944 = tpu.memref_slice %arg3[%add3A_678] : memref<1000000xi32, #tpu.memory_space<hbm>> -> memref<2000xi32, #tpu.memory_space<hbm>>
      %dma_wait3A_945 = arith.constant 16000 : i32
      %dma_wait3A_946 = tpu.memref_slice %arg7[%dma_wait3A_945] : memref<18000xi32, #tpu.memory_space<vmem>> -> memref<2000xi32, #tpu.memory_space<vmem>>
      %dma_wait3A_947 = tpu.memref_slice %arg3[%add3A_678] : memref<1000000xi32, #tpu.memory_space<hbm>> -> memref<2000xi32, #tpu.memory_space<hbm>>
      tpu.wait_dma2 semaphore(%arg10 : memref<!tpu.dma_semaphore, #tpu.memory_space<semaphore_mem>>) src(%dma_wait3A_947 : memref<2000xi32, #tpu.memory_space<hbm>>) dst(%dma_wait3A_946 : memref<2000xi32, #tpu.memory_space<vmem>>)
      %parallel_loop3A_948 = arith.constant 0 : i32
      %parallel_loop3A_949 = arith.constant 1984 : i32
      %parallel_loop3A_950 = arith.constant 32 : i32
      %parallel_loop3A_951 = scf.for %parallel_loop3A_1112 = %parallel_loop3A_948 to %parallel_loop3A_949 step %parallel_loop3A_950 iter_args(%parallel_loop3A_1113 = %add3A_792) -> (vector<16xf32>)  : i32 {
        %parallel_loop3A_1114 = arith.constant 16 : i32
        %parallel_loop3A_1115 = arith.addi %parallel_loop3A_1112, %parallel_loop3A_1114 : i32
        %parallel_loop3A_1116 = arith.constant 16000 : i32
        %parallel_loop3A_1117 = arith.addi %parallel_loop3A_1116, %parallel_loop3A_1112 : i32
        %parallel_loop3A_1118 = arith.index_cast %parallel_loop3A_1117 : i32 to index
        %parallel_loop3A_1119 = tpu.vector_load %arg7[%parallel_loop3A_1118] {strides = array<i32>} : memref<18000xi32, #tpu.memory_space<vmem>>, vector<16xi32>,
        %parallel_loop3A_1120 = arith.sitofp %parallel_loop3A_1119 : vector<16xi32> to vector<16xf32>
        %parallel_loop3A_1121 = arith.constant 1.000000e+00 : f32
        %parallel_loop3A_1122 = vector.broadcast %parallel_loop3A_1121 : f32 to vector<16xf32>
        %parallel_loop3A_1123 = arith.divf %parallel_loop3A_1122, %parallel_loop3A_1120 : vector<16xf32>
        %parallel_loop3A_1124 = arith.constant 0.000000e+00 : f32
        %parallel_loop3A_1125 = vector.broadcast %parallel_loop3A_1124 : f32 to vector<16xf32>
        %parallel_loop3A_1126 = arith.constant 0 : i32
        %parallel_loop3A_1127 = arith.addi %parallel_loop3A_1126, %parallel_loop3A_1112 : i32
        %parallel_loop3A_1128 = arith.index_cast %parallel_loop3A_1127 : i32 to index
        %parallel_loop3A_1129 = tpu.vector_load %arg7[%parallel_loop3A_1128] {strides = array<i32>} : memref<18000xi32, #tpu.memory_space<vmem>>, vector<16xi32>,
        %parallel_loop3A_1130 = tpu.vector_load_idx %arg5[%parallel_loop3A_1129] : memref<50000xf32, #tpu.memory_space<vmem>>[vector<16xi32>], vector<16xf32>,
        %parallel_loop3A_1131 = arith.addf %parallel_loop3A_1125, %parallel_loop3A_1130 : vector<16xf32>
        %parallel_loop3A_1132 = arith.constant 2000 : i32
        %parallel_loop3A_1133 = arith.addi %parallel_loop3A_1132, %parallel_loop3A_1112 : i32
        %parallel_loop3A_1134 = arith.index_cast %parallel_loop3A_1133 : i32 to index
        %parallel_loop3A_1135 = tpu.vector_load %arg7[%parallel_loop3A_1134] {strides = array<i32>} : memref<18000xi32, #tpu.memory_space<vmem>>, vector<16xi32>,
        %parallel_loop3A_1136 = tpu.vector_load_idx %arg5[%parallel_loop3A_1135] : memref<50000xf32, #tpu.memory_space<vmem>>[vector<16xi32>], vector<16xf32>,
        %parallel_loop3A_1137 = arith.addf %parallel_loop3A_1131, %parallel_loop3A_1136 : vector<16xf32>
        %parallel_loop3A_1138 = arith.constant 4000 : i32
        %parallel_loop3A_1139 = arith.addi %parallel_loop3A_1138, %parallel_loop3A_1112 : i32
        %parallel_loop3A_1140 = arith.index_cast %parallel_loop3A_1139 : i32 to index
        %parallel_loop3A_1141 = tpu.vector_load %arg7[%parallel_loop3A_1140] {strides = array<i32>} : memref<18000xi32, #tpu.memory_space<vmem>>, vector<16xi32>,
        %parallel_loop3A_1142 = tpu.vector_load_idx %arg5[%parallel_loop3A_1141] : memref<50000xf32, #tpu.memory_space<vmem>>[vector<16xi32>], vector<16xf32>,
        %parallel_loop3A_1143 = arith.addf %parallel_loop3A_1137, %parallel_loop3A_1142 : vector<16xf32>
        %parallel_loop3A_1144 = arith.constant 6000 : i32
        %parallel_loop3A_1145 = arith.addi %parallel_loop3A_1144, %parallel_loop3A_1112 : i32
        %parallel_loop3A_1146 = arith.index_cast %parallel_loop3A_1145 : i32 to index
        %parallel_loop3A_1147 = tpu.vector_load %arg7[%parallel_loop3A_1146] {strides = array<i32>} : memref<18000xi32, #tpu.memory_space<vmem>>, vector<16xi32>,
        %parallel_loop3A_1148 = tpu.vector_load_idx %arg5[%parallel_loop3A_1147] : memref<50000xf32, #tpu.memory_space<vmem>>[vector<16xi32>], vector<16xf32>,
        %parallel_loop3A_1149 = arith.addf %parallel_loop3A_1143, %parallel_loop3A_1148 : vector<16xf32>
        %parallel_loop3A_1150 = arith.constant 8000 : i32
        %parallel_loop3A_1151 = arith.addi %parallel_loop3A_1150, %parallel_loop3A_1112 : i32
        %parallel_loop3A_1152 = arith.index_cast %parallel_loop3A_1151 : i32 to index
        %parallel_loop3A_1153 = tpu.vector_load %arg7[%parallel_loop3A_1152] {strides = array<i32>} : memref<18000xi32, #tpu.memory_space<vmem>>, vector<16xi32>,
        %parallel_loop3A_1154 = tpu.vector_load_idx %arg5[%parallel_loop3A_1153] : memref<50000xf32, #tpu.memory_space<vmem>>[vector<16xi32>], vector<16xf32>,
        %parallel_loop3A_1155 = arith.addf %parallel_loop3A_1149, %parallel_loop3A_1154 : vector<16xf32>
        %parallel_loop3A_1156 = arith.constant 10000 : i32
        %parallel_loop3A_1157 = arith.addi %parallel_loop3A_1156, %parallel_loop3A_1112 : i32
        %parallel_loop3A_1158 = arith.index_cast %parallel_loop3A_1157 : i32 to index
        %parallel_loop3A_1159 = tpu.vector_load %arg7[%parallel_loop3A_1158] {strides = array<i32>} : memref<18000xi32, #tpu.memory_space<vmem>>, vector<16xi32>,
        %parallel_loop3A_1160 = tpu.vector_load_idx %arg5[%parallel_loop3A_1159] : memref<50000xf32, #tpu.memory_space<vmem>>[vector<16xi32>], vector<16xf32>,
        %parallel_loop3A_1161 = arith.addf %parallel_loop3A_1155, %parallel_loop3A_1160 : vector<16xf32>
        %parallel_loop3A_1162 = arith.constant 12000 : i32
        %parallel_loop3A_1163 = arith.addi %parallel_loop3A_1162, %parallel_loop3A_1112 : i32
        %parallel_loop3A_1164 = arith.index_cast %parallel_loop3A_1163 : i32 to index
        %parallel_loop3A_1165 = tpu.vector_load %arg7[%parallel_loop3A_1164] {strides = array<i32>} : memref<18000xi32, #tpu.memory_space<vmem>>, vector<16xi32>,
        %parallel_loop3A_1166 = tpu.vector_load_idx %arg5[%parallel_loop3A_1165] : memref<50000xf32, #tpu.memory_space<vmem>>[vector<16xi32>], vector<16xf32>,
        %parallel_loop3A_1167 = arith.addf %parallel_loop3A_1161, %parallel_loop3A_1166 : vector<16xf32>
        %parallel_loop3A_1168 = arith.constant 14000 : i32
        %parallel_loop3A_1169 = arith.addi %parallel_loop3A_1168, %parallel_loop3A_1112 : i32
        %parallel_loop3A_1170 = arith.index_cast %parallel_loop3A_1169 : i32 to index
        %parallel_loop3A_1171 = tpu.vector_load %arg7[%parallel_loop3A_1170] {strides = array<i32>} : memref<18000xi32, #tpu.memory_space<vmem>>, vector<16xi32>,
        %parallel_loop3A_1172 = tpu.vector_load_idx %arg5[%parallel_loop3A_1171] : memref<50000xf32, #tpu.memory_space<vmem>>[vector<16xi32>], vector<16xf32>,
        %parallel_loop3A_1173 = arith.addf %parallel_loop3A_1167, %parallel_loop3A_1172 : vector<16xf32>
        %parallel_loop3A_1174 = arith.constant 6000 : i32
        %parallel_loop3A_1175 = arith.addi %mul3A_63, %parallel_loop3A_1174 : i32
        %parallel_loop3A_1176 = arith.addi %parallel_loop3A_1175, %parallel_loop3A_1112 : i32
        %parallel_loop3A_1177 = arith.index_cast %parallel_loop3A_1176 : i32 to index
        %parallel_loop3A_1178 = tpu.vector_load %arg5[%parallel_loop3A_1177] {strides = array<i32>} : memref<50000xf32, #tpu.memory_space<vmem>>, vector<16xf32>,
        %parallel_loop3A_1179 = arith.mulf %parallel_loop3A_1173, %parallel_loop3A_1123 : vector<16xf32>
        %parallel_loop3A_1180 = arith.subf %parallel_loop3A_1178, %parallel_loop3A_1179 : vector<16xf32>
        %parallel_loop3A_1181 = arith.mulf %parallel_loop3A_1180, %parallel_loop3A_1180 : vector<16xf32>
        %parallel_loop3A_1182 = arith.addf %parallel_loop3A_1113, %parallel_loop3A_1181 : vector<16xf32>
        %parallel_loop3A_1183 = arith.constant 16000 : i32
        %parallel_loop3A_1184 = arith.addi %parallel_loop3A_1183, %parallel_loop3A_1115 : i32
        %parallel_loop3A_1185 = arith.index_cast %parallel_loop3A_1184 : i32 to index
        %parallel_loop3A_1186 = tpu.vector_load %arg7[%parallel_loop3A_1185] {strides = array<i32>} : memref<18000xi32, #tpu.memory_space<vmem>>, vector<16xi32>,
        %parallel_loop3A_1187 = arith.sitofp %parallel_loop3A_1186 : vector<16xi32> to vector<16xf32>
        %parallel_loop3A_1188 = arith.constant 1.000000e+00 : f32
        %parallel_loop3A_1189 = vector.broadcast %parallel_loop3A_1188 : f32 to vector<16xf32>
        %parallel_loop3A_1190 = arith.divf %parallel_loop3A_1189, %parallel_loop3A_1187 : vector<16xf32>
        %parallel_loop3A_1191 = arith.constant 0.000000e+00 : f32
        %parallel_loop3A_1192 = vector.broadcast %parallel_loop3A_1191 : f32 to vector<16xf32>
        %parallel_loop3A_1193 = arith.constant 0 : i32
        %parallel_loop3A_1194 = arith.addi %parallel_loop3A_1193, %parallel_loop3A_1115 : i32
        %parallel_loop3A_1195 = arith.index_cast %parallel_loop3A_1194 : i32 to index
        %parallel_loop3A_1196 = tpu.vector_load %arg7[%parallel_loop3A_1195] {strides = array<i32>} : memref<18000xi32, #tpu.memory_space<vmem>>, vector<16xi32>,
        %parallel_loop3A_1197 = tpu.vector_load_idx %arg5[%parallel_loop3A_1196] : memref<50000xf32, #tpu.memory_space<vmem>>[vector<16xi32>], vector<16xf32>,
        %parallel_loop3A_1198 = arith.addf %parallel_loop3A_1192, %parallel_loop3A_1197 : vector<16xf32>
        %parallel_loop3A_1199 = arith.constant 2000 : i32
        %parallel_loop3A_1200 = arith.addi %parallel_loop3A_1199, %parallel_loop3A_1115 : i32
        %parallel_loop3A_1201 = arith.index_cast %parallel_loop3A_1200 : i32 to index
        %parallel_loop3A_1202 = tpu.vector_load %arg7[%parallel_loop3A_1201] {strides = array<i32>} : memref<18000xi32, #tpu.memory_space<vmem>>, vector<16xi32>,
        %parallel_loop3A_1203 = tpu.vector_load_idx %arg5[%parallel_loop3A_1202] : memref<50000xf32, #tpu.memory_space<vmem>>[vector<16xi32>], vector<16xf32>,
        %parallel_loop3A_1204 = arith.addf %parallel_loop3A_1198, %parallel_loop3A_1203 : vector<16xf32>
        %parallel_loop3A_1205 = arith.constant 4000 : i32
        %parallel_loop3A_1206 = arith.addi %parallel_loop3A_1205, %parallel_loop3A_1115 : i32
        %parallel_loop3A_1207 = arith.index_cast %parallel_loop3A_1206 : i32 to index
        %parallel_loop3A_1208 = tpu.vector_load %arg7[%parallel_loop3A_1207] {strides = array<i32>} : memref<18000xi32, #tpu.memory_space<vmem>>, vector<16xi32>,
        %parallel_loop3A_1209 = tpu.vector_load_idx %arg5[%parallel_loop3A_1208] : memref<50000xf32, #tpu.memory_space<vmem>>[vector<16xi32>], vector<16xf32>,
        %parallel_loop3A_1210 = arith.addf %parallel_loop3A_1204, %parallel_loop3A_1209 : vector<16xf32>
        %parallel_loop3A_1211 = arith.constant 6000 : i32
        %parallel_loop3A_1212 = arith.addi %parallel_loop3A_1211, %parallel_loop3A_1115 : i32
        %parallel_loop3A_1213 = arith.index_cast %parallel_loop3A_1212 : i32 to index
        %parallel_loop3A_1214 = tpu.vector_load %arg7[%parallel_loop3A_1213] {strides = array<i32>} : memref<18000xi32, #tpu.memory_space<vmem>>, vector<16xi32>,
        %parallel_loop3A_1215 = tpu.vector_load_idx %arg5[%parallel_loop3A_1214] : memref<50000xf32, #tpu.memory_space<vmem>>[vector<16xi32>], vector<16xf32>,
        %parallel_loop3A_1216 = arith.addf %parallel_loop3A_1210, %parallel_loop3A_1215 : vector<16xf32>
        %parallel_loop3A_1217 = arith.constant 8000 : i32
        %parallel_loop3A_1218 = arith.addi %parallel_loop3A_1217, %parallel_loop3A_1115 : i32
        %parallel_loop3A_1219 = arith.index_cast %parallel_loop3A_1218 : i32 to index
        %parallel_loop3A_1220 = tpu.vector_load %arg7[%parallel_loop3A_1219] {strides = array<i32>} : memref<18000xi32, #tpu.memory_space<vmem>>, vector<16xi32>,
        %parallel_loop3A_1221 = tpu.vector_load_idx %arg5[%parallel_loop3A_1220] : memref<50000xf32, #tpu.memory_space<vmem>>[vector<16xi32>], vector<16xf32>,
        %parallel_loop3A_1222 = arith.addf %parallel_loop3A_1216, %parallel_loop3A_1221 : vector<16xf32>
        %parallel_loop3A_1223 = arith.constant 10000 : i32
        %parallel_loop3A_1224 = arith.addi %parallel_loop3A_1223, %parallel_loop3A_1115 : i32
        %parallel_loop3A_1225 = arith.index_cast %parallel_loop3A_1224 : i32 to index
        %parallel_loop3A_1226 = tpu.vector_load %arg7[%parallel_loop3A_1225] {strides = array<i32>} : memref<18000xi32, #tpu.memory_space<vmem>>, vector<16xi32>,
        %parallel_loop3A_1227 = tpu.vector_load_idx %arg5[%parallel_loop3A_1226] : memref<50000xf32, #tpu.memory_space<vmem>>[vector<16xi32>], vector<16xf32>,
        %parallel_loop3A_1228 = arith.addf %parallel_loop3A_1222, %parallel_loop3A_1227 : vector<16xf32>
        %parallel_loop3A_1229 = arith.constant 12000 : i32
        %parallel_loop3A_1230 = arith.addi %parallel_loop3A_1229, %parallel_loop3A_1115 : i32
        %parallel_loop3A_1231 = arith.index_cast %parallel_loop3A_1230 : i32 to index
        %parallel_loop3A_1232 = tpu.vector_load %arg7[%parallel_loop3A_1231] {strides = array<i32>} : memref<18000xi32, #tpu.memory_space<vmem>>, vector<16xi32>,
        %parallel_loop3A_1233 = tpu.vector_load_idx %arg5[%parallel_loop3A_1232] : memref<50000xf32, #tpu.memory_space<vmem>>[vector<16xi32>], vector<16xf32>,
        %parallel_loop3A_1234 = arith.addf %parallel_loop3A_1228, %parallel_loop3A_1233 : vector<16xf32>
        %parallel_loop3A_1235 = arith.constant 14000 : i32
        %parallel_loop3A_1236 = arith.addi %parallel_loop3A_1235, %parallel_loop3A_1115 : i32
        %parallel_loop3A_1237 = arith.index_cast %parallel_loop3A_1236 : i32 to index
        %parallel_loop3A_1238 = tpu.vector_load %arg7[%parallel_loop3A_1237] {strides = array<i32>} : memref<18000xi32, #tpu.memory_space<vmem>>, vector<16xi32>,
        %parallel_loop3A_1239 = tpu.vector_load_idx %arg5[%parallel_loop3A_1238] : memref<50000xf32, #tpu.memory_space<vmem>>[vector<16xi32>], vector<16xf32>,
        %parallel_loop3A_1240 = arith.addf %parallel_loop3A_1234, %parallel_loop3A_1239 : vector<16xf32>
        %parallel_loop3A_1241 = arith.constant 6000 : i32
        %parallel_loop3A_1242 = arith.addi %mul3A_63, %parallel_loop3A_1241 : i32
        %parallel_loop3A_1243 = arith.addi %parallel_loop3A_1242, %parallel_loop3A_1115 : i32
        %parallel_loop3A_1244 = arith.index_cast %parallel_loop3A_1243 : i32 to index
        %parallel_loop3A_1245 = tpu.vector_load %arg5[%parallel_loop3A_1244] {strides = array<i32>} : memref<50000xf32, #tpu.memory_space<vmem>>, vector<16xf32>,
        %parallel_loop3A_1246 = arith.mulf %parallel_loop3A_1240, %parallel_loop3A_1190 : vector<16xf32>
        %parallel_loop3A_1247 = arith.subf %parallel_loop3A_1245, %parallel_loop3A_1246 : vector<16xf32>
        %parallel_loop3A_1248 = arith.mulf %parallel_loop3A_1247, %parallel_loop3A_1247 : vector<16xf32>
        %parallel_loop3A_1249 = arith.addf %parallel_loop3A_1182, %parallel_loop3A_1248 : vector<16xf32>
        scf.yield %parallel_loop3A_1249 : vector<16xf32>
      } {sc.loop_unroll_factor = 1 : i64, sc.parallel_access}
      %get3A_952 = arith.constant 17984 : index
      %get3A_953 = tpu.vector_load %arg7[%get3A_952] {strides = array<i32>} : memref<18000xi32, #tpu.memory_space<vmem>>, vector<16xi32>,
      %convert_element_type3A_954 = arith.sitofp %get3A_953 : vector<16xi32> to vector<16xf32>
      %div3A_955 = arith.constant 1.000000e+00 : f32
      %div3A_956 = vector.broadcast %div3A_955 : f32 to vector<16xf32>
      %div3A_957 = arith.divf %div3A_956, %convert_element_type3A_954 : vector<16xf32>
      %broadcast_in_dim3A_958 = arith.constant 0.000000e+00 : f32
      %broadcast_in_dim3A_959 = vector.broadcast %broadcast_in_dim3A_958 : f32 to vector<16xf32>
      %get3A_960 = arith.constant 1984 : index
      %get3A_961 = tpu.vector_load %arg7[%get3A_960] {strides = array<i32>} : memref<18000xi32, #tpu.memory_space<vmem>>, vector<16xi32>,
      %gather3A_962 = tpu.vector_load_idx %arg5[%get3A_961] : memref<50000xf32, #tpu.memory_space<vmem>>[vector<16xi32>], vector<16xf32>,
      %add3A_963 = arith.addf %broadcast_in_dim3A_959, %gather3A_962 : vector<16xf32>
      %get3A_964 = arith.constant 3984 : index
      %get3A_965 = tpu.vector_load %arg7[%get3A_964] {strides = array<i32>} : memref<18000xi32, #tpu.memory_space<vmem>>, vector<16xi32>,
      %gather3A_966 = tpu.vector_load_idx %arg5[%get3A_965] : memref<50000xf32, #tpu.memory_space<vmem>>[vector<16xi32>], vector<16xf32>,
      %add3A_967 = arith.addf %add3A_963, %gather3A_966 : vector<16xf32>
      %get3A_968 = arith.constant 5984 : index
      %get3A_969 = tpu.vector_load %arg7[%get3A_968] {strides = array<i32>} : memref<18000xi32, #tpu.memory_space<vmem>>, vector<16xi32>,
      %gather3A_970 = tpu.vector_load_idx %arg5[%get3A_969] : memref<50000xf32, #tpu.memory_space<vmem>>[vector<16xi32>], vector<16xf32>,
      %add3A_971 = arith.addf %add3A_967, %gather3A_970 : vector<16xf32>
      %get3A_972 = arith.constant 7984 : index
      %get3A_973 = tpu.vector_load %arg7[%get3A_972] {strides = array<i32>} : memref<18000xi32, #tpu.memory_space<vmem>>, vector<16xi32>,
      %gather3A_974 = tpu.vector_load_idx %arg5[%get3A_973] : memref<50000xf32, #tpu.memory_space<vmem>>[vector<16xi32>], vector<16xf32>,
      %add3A_975 = arith.addf %add3A_971, %gather3A_974 : vector<16xf32>
      %get3A_976 = arith.constant 9984 : index
      %get3A_977 = tpu.vector_load %arg7[%get3A_976] {strides = array<i32>} : memref<18000xi32, #tpu.memory_space<vmem>>, vector<16xi32>,
      %gather3A_978 = tpu.vector_load_idx %arg5[%get3A_977] : memref<50000xf32, #tpu.memory_space<vmem>>[vector<16xi32>], vector<16xf32>,
      %add3A_979 = arith.addf %add3A_975, %gather3A_978 : vector<16xf32>
      %get3A_980 = arith.constant 11984 : index
      %get3A_981 = tpu.vector_load %arg7[%get3A_980] {strides = array<i32>} : memref<18000xi32, #tpu.memory_space<vmem>>, vector<16xi32>,
      %gather3A_982 = tpu.vector_load_idx %arg5[%get3A_981] : memref<50000xf32, #tpu.memory_space<vmem>>[vector<16xi32>], vector<16xf32>,
      %add3A_983 = arith.addf %add3A_979, %gather3A_982 : vector<16xf32>
      %get3A_984 = arith.constant 13984 : index
      %get3A_985 = tpu.vector_load %arg7[%get3A_984] {strides = array<i32>} : memref<18000xi32, #tpu.memory_space<vmem>>, vector<16xi32>,
      %gather3A_986 = tpu.vector_load_idx %arg5[%get3A_985] : memref<50000xf32, #tpu.memory_space<vmem>>[vector<16xi32>], vector<16xf32>,
      %add3A_987 = arith.addf %add3A_983, %gather3A_986 : vector<16xf32>
      %get3A_988 = arith.constant 15984 : index
      %get3A_989 = tpu.vector_load %arg7[%get3A_988] {strides = array<i32>} : memref<18000xi32, #tpu.memory_space<vmem>>, vector<16xi32>,
      %gather3A_990 = tpu.vector_load_idx %arg5[%get3A_989] : memref<50000xf32, #tpu.memory_space<vmem>>[vector<16xi32>], vector<16xf32>,
      %add3A_991 = arith.addf %add3A_987, %gather3A_990 : vector<16xf32>
      %add3A_992 = arith.constant 6000 : i32
      %add3A_993 = arith.addi %mul3A_63, %add3A_992 : i32
      %add3A_994 = arith.constant 1984 : i32
      %add3A_995 = arith.addi %add3A_993, %add3A_994 : i32
      %get3A_996 = arith.index_cast %add3A_995 : i32 to index
      %get3A_997 = tpu.vector_load %arg5[%get3A_996] {strides = array<i32>} : memref<50000xf32, #tpu.memory_space<vmem>>, vector<16xf32>,
      %mul3A_998 = arith.mulf %add3A_991, %div3A_957 : vector<16xf32>
      %sub3A_999 = arith.subf %get3A_997, %mul3A_998 : vector<16xf32>
      %mul3A_1000 = arith.mulf %sub3A_999, %sub3A_999 : vector<16xf32>
      %add3A_1001 = arith.addf %parallel_loop3A_951, %mul3A_1000 : vector<16xf32>
      %dma_wait3A_1002 = arith.constant 0 : i32
      %dma_wait3A_1003 = tpu.memref_slice %arg6[%dma_wait3A_1002] : memref<18000xi32, #tpu.memory_space<vmem>> -> memref<2000xi32, #tpu.memory_space<vmem>>
      %dma_wait3A_1004 = tpu.memref_slice %arg3[%add3A_799] : memref<1000000xi32, #tpu.memory_space<hbm>> -> memref<2000xi32, #tpu.memory_space<hbm>>
      %dma_wait3A_1005 = arith.constant 0 : i32
      %dma_wait3A_1006 = tpu.memref_slice %arg6[%dma_wait3A_1005] : memref<18000xi32, #tpu.memory_space<vmem>> -> memref<2000xi32, #tpu.memory_space<vmem>>
      %dma_wait3A_1007 = tpu.memref_slice %arg3[%add3A_799] : memref<1000000xi32, #tpu.memory_space<hbm>> -> memref<2000xi32, #tpu.memory_space<hbm>>
      tpu.wait_dma2 semaphore(%arg10 : memref<!tpu.dma_semaphore, #tpu.memory_space<semaphore_mem>>) src(%dma_wait3A_1007 : memref<2000xi32, #tpu.memory_space<hbm>>) dst(%dma_wait3A_1006 : memref<2000xi32, #tpu.memory_space<vmem>>)
      %dma_wait3A_1008 = arith.constant 2000 : i32
      %dma_wait3A_1009 = tpu.memref_slice %arg6[%dma_wait3A_1008] : memref<18000xi32, #tpu.memory_space<vmem>> -> memref<2000xi32, #tpu.memory_space<vmem>>
      %dma_wait3A_1010 = tpu.memref_slice %arg3[%add3A_810] : memref<1000000xi32, #tpu.memory_space<hbm>> -> memref<2000xi32, #tpu.memory_space<hbm>>
      %dma_wait3A_1011 = arith.constant 2000 : i32
      %dma_wait3A_1012 = tpu.memref_slice %arg6[%dma_wait3A_1011] : memref<18000xi32, #tpu.memory_space<vmem>> -> memref<2000xi32, #tpu.memory_space<vmem>>
      %dma_wait3A_1013 = tpu.memref_slice %arg3[%add3A_810] : memref<1000000xi32, #tpu.memory_space<hbm>> -> memref<2000xi32, #tpu.memory_space<hbm>>
      tpu.wait_dma2 semaphore(%arg10 : memref<!tpu.dma_semaphore, #tpu.memory_space<semaphore_mem>>) src(%dma_wait3A_1013 : memref<2000xi32, #tpu.memory_space<hbm>>) dst(%dma_wait3A_1012 : memref<2000xi32, #tpu.memory_space<vmem>>)
      %dma_wait3A_1014 = arith.constant 4000 : i32
      %dma_wait3A_1015 = tpu.memref_slice %arg6[%dma_wait3A_1014] : memref<18000xi32, #tpu.memory_space<vmem>> -> memref<2000xi32, #tpu.memory_space<vmem>>
      %dma_wait3A_1016 = tpu.memref_slice %arg3[%add3A_821] : memref<1000000xi32, #tpu.memory_space<hbm>> -> memref<2000xi32, #tpu.memory_space<hbm>>
      %dma_wait3A_1017 = arith.constant 4000 : i32
      %dma_wait3A_1018 = tpu.memref_slice %arg6[%dma_wait3A_1017] : memref<18000xi32, #tpu.memory_space<vmem>> -> memref<2000xi32, #tpu.memory_space<vmem>>
      %dma_wait3A_1019 = tpu.memref_slice %arg3[%add3A_821] : memref<1000000xi32, #tpu.memory_space<hbm>> -> memref<2000xi32, #tpu.memory_space<hbm>>
      tpu.wait_dma2 semaphore(%arg10 : memref<!tpu.dma_semaphore, #tpu.memory_space<semaphore_mem>>) src(%dma_wait3A_1019 : memref<2000xi32, #tpu.memory_space<hbm>>) dst(%dma_wait3A_1018 : memref<2000xi32, #tpu.memory_space<vmem>>)
      %dma_wait3A_1020 = arith.constant 6000 : i32
      %dma_wait3A_1021 = tpu.memref_slice %arg6[%dma_wait3A_1020] : memref<18000xi32, #tpu.memory_space<vmem>> -> memref<2000xi32, #tpu.memory_space<vmem>>
      %dma_wait3A_1022 = tpu.memref_slice %arg3[%add3A_832] : memref<1000000xi32, #tpu.memory_space<hbm>> -> memref<2000xi32, #tpu.memory_space<hbm>>
      %dma_wait3A_1023 = arith.constant 6000 : i32
      %dma_wait3A_1024 = tpu.memref_slice %arg6[%dma_wait3A_1023] : memref<18000xi32, #tpu.memory_space<vmem>> -> memref<2000xi32, #tpu.memory_space<vmem>>
      %dma_wait3A_1025 = tpu.memref_slice %arg3[%add3A_832] : memref<1000000xi32, #tpu.memory_space<hbm>> -> memref<2000xi32, #tpu.memory_space<hbm>>
      tpu.wait_dma2 semaphore(%arg10 : memref<!tpu.dma_semaphore, #tpu.memory_space<semaphore_mem>>) src(%dma_wait3A_1025 : memref<2000xi32, #tpu.memory_space<hbm>>) dst(%dma_wait3A_1024 : memref<2000xi32, #tpu.memory_space<vmem>>)
      %dma_wait3A_1026 = arith.constant 8000 : i32
      %dma_wait3A_1027 = tpu.memref_slice %arg6[%dma_wait3A_1026] : memref<18000xi32, #tpu.memory_space<vmem>> -> memref<2000xi32, #tpu.memory_space<vmem>>
      %dma_wait3A_1028 = tpu.memref_slice %arg3[%add3A_843] : memref<1000000xi32, #tpu.memory_space<hbm>> -> memref<2000xi32, #tpu.memory_space<hbm>>
      %dma_wait3A_1029 = arith.constant 8000 : i32
      %dma_wait3A_1030 = tpu.memref_slice %arg6[%dma_wait3A_1029] : memref<18000xi32, #tpu.memory_space<vmem>> -> memref<2000xi32, #tpu.memory_space<vmem>>
      %dma_wait3A_1031 = tpu.memref_slice %arg3[%add3A_843] : memref<1000000xi32, #tpu.memory_space<hbm>> -> memref<2000xi32, #tpu.memory_space<hbm>>
      tpu.wait_dma2 semaphore(%arg10 : memref<!tpu.dma_semaphore, #tpu.memory_space<semaphore_mem>>) src(%dma_wait3A_1031 : memref<2000xi32, #tpu.memory_space<hbm>>) dst(%dma_wait3A_1030 : memref<2000xi32, #tpu.memory_space<vmem>>)
      %dma_wait3A_1032 = arith.constant 10000 : i32
      %dma_wait3A_1033 = tpu.memref_slice %arg6[%dma_wait3A_1032] : memref<18000xi32, #tpu.memory_space<vmem>> -> memref<2000xi32, #tpu.memory_space<vmem>>
      %dma_wait3A_1034 = tpu.memref_slice %arg3[%add3A_854] : memref<1000000xi32, #tpu.memory_space<hbm>> -> memref<2000xi32, #tpu.memory_space<hbm>>
      %dma_wait3A_1035 = arith.constant 10000 : i32
      %dma_wait3A_1036 = tpu.memref_slice %arg6[%dma_wait3A_1035] : memref<18000xi32, #tpu.memory_space<vmem>> -> memref<2000xi32, #tpu.memory_space<vmem>>
      %dma_wait3A_1037 = tpu.memref_slice %arg3[%add3A_854] : memref<1000000xi32, #tpu.memory_space<hbm>> -> memref<2000xi32, #tpu.memory_space<hbm>>
      tpu.wait_dma2 semaphore(%arg10 : memref<!tpu.dma_semaphore, #tpu.memory_space<semaphore_mem>>) src(%dma_wait3A_1037 : memref<2000xi32, #tpu.memory_space<hbm>>) dst(%dma_wait3A_1036 : memref<2000xi32, #tpu.memory_space<vmem>>)
      %dma_wait3A_1038 = arith.constant 12000 : i32
      %dma_wait3A_1039 = tpu.memref_slice %arg6[%dma_wait3A_1038] : memref<18000xi32, #tpu.memory_space<vmem>> -> memref<2000xi32, #tpu.memory_space<vmem>>
      %dma_wait3A_1040 = tpu.memref_slice %arg3[%add3A_865] : memref<1000000xi32, #tpu.memory_space<hbm>> -> memref<2000xi32, #tpu.memory_space<hbm>>
      %dma_wait3A_1041 = arith.constant 12000 : i32
      %dma_wait3A_1042 = tpu.memref_slice %arg6[%dma_wait3A_1041] : memref<18000xi32, #tpu.memory_space<vmem>> -> memref<2000xi32, #tpu.memory_space<vmem>>
      %dma_wait3A_1043 = tpu.memref_slice %arg3[%add3A_865] : memref<1000000xi32, #tpu.memory_space<hbm>> -> memref<2000xi32, #tpu.memory_space<hbm>>
      tpu.wait_dma2 semaphore(%arg10 : memref<!tpu.dma_semaphore, #tpu.memory_space<semaphore_mem>>) src(%dma_wait3A_1043 : memref<2000xi32, #tpu.memory_space<hbm>>) dst(%dma_wait3A_1042 : memref<2000xi32, #tpu.memory_space<vmem>>)
      %dma_wait3A_1044 = arith.constant 14000 : i32
      %dma_wait3A_1045 = tpu.memref_slice %arg6[%dma_wait3A_1044] : memref<18000xi32, #tpu.memory_space<vmem>> -> memref<2000xi32, #tpu.memory_space<vmem>>
      %dma_wait3A_1046 = tpu.memref_slice %arg3[%add3A_876] : memref<1000000xi32, #tpu.memory_space<hbm>> -> memref<2000xi32, #tpu.memory_space<hbm>>
      %dma_wait3A_1047 = arith.constant 14000 : i32
      %dma_wait3A_1048 = tpu.memref_slice %arg6[%dma_wait3A_1047] : memref<18000xi32, #tpu.memory_space<vmem>> -> memref<2000xi32, #tpu.memory_space<vmem>>
      %dma_wait3A_1049 = tpu.memref_slice %arg3[%add3A_876] : memref<1000000xi32, #tpu.memory_space<hbm>> -> memref<2000xi32, #tpu.memory_space<hbm>>
      tpu.wait_dma2 semaphore(%arg10 : memref<!tpu.dma_semaphore, #tpu.memory_space<semaphore_mem>>) src(%dma_wait3A_1049 : memref<2000xi32, #tpu.memory_space<hbm>>) dst(%dma_wait3A_1048 : memref<2000xi32, #tpu.memory_space<vmem>>)
      %dma_wait3A_1050 = arith.constant 16000 : i32
      %dma_wait3A_1051 = tpu.memref_slice %arg6[%dma_wait3A_1050] : memref<18000xi32, #tpu.memory_space<vmem>> -> memref<2000xi32, #tpu.memory_space<vmem>>
      %dma_wait3A_1052 = tpu.memref_slice %arg3[%add3A_887] : memref<1000000xi32, #tpu.memory_space<hbm>> -> memref<2000xi32, #tpu.memory_space<hbm>>
      %dma_wait3A_1053 = arith.constant 16000 : i32
      %dma_wait3A_1054 = tpu.memref_slice %arg6[%dma_wait3A_1053] : memref<18000xi32, #tpu.memory_space<vmem>> -> memref<2000xi32, #tpu.memory_space<vmem>>
      %dma_wait3A_1055 = tpu.memref_slice %arg3[%add3A_887] : memref<1000000xi32, #tpu.memory_space<hbm>> -> memref<2000xi32, #tpu.memory_space<hbm>>
      tpu.wait_dma2 semaphore(%arg10 : memref<!tpu.dma_semaphore, #tpu.memory_space<semaphore_mem>>) src(%dma_wait3A_1055 : memref<2000xi32, #tpu.memory_space<hbm>>) dst(%dma_wait3A_1054 : memref<2000xi32, #tpu.memory_space<vmem>>)
      %parallel_loop3A_1056 = arith.constant 0 : i32
      %parallel_loop3A_1057 = arith.constant 1984 : i32
      %parallel_loop3A_1058 = arith.constant 32 : i32
      %parallel_loop3A_1059 = scf.for %parallel_loop3A_1112 = %parallel_loop3A_1056 to %parallel_loop3A_1057 step %parallel_loop3A_1058 iter_args(%parallel_loop3A_1113 = %add3A_1001) -> (vector<16xf32>)  : i32 {
        %parallel_loop3A_1114 = arith.constant 16 : i32
        %parallel_loop3A_1115 = arith.addi %parallel_loop3A_1112, %parallel_loop3A_1114 : i32
        %parallel_loop3A_1116 = arith.constant 16000 : i32
        %parallel_loop3A_1117 = arith.addi %parallel_loop3A_1116, %parallel_loop3A_1112 : i32
        %parallel_loop3A_1118 = arith.index_cast %parallel_loop3A_1117 : i32 to index
        %parallel_loop3A_1119 = tpu.vector_load %arg6[%parallel_loop3A_1118] {strides = array<i32>} : memref<18000xi32, #tpu.memory_space<vmem>>, vector<16xi32>,
        %parallel_loop3A_1120 = arith.sitofp %parallel_loop3A_1119 : vector<16xi32> to vector<16xf32>
        %parallel_loop3A_1121 = arith.constant 1.000000e+00 : f32
        %parallel_loop3A_1122 = vector.broadcast %parallel_loop3A_1121 : f32 to vector<16xf32>
        %parallel_loop3A_1123 = arith.divf %parallel_loop3A_1122, %parallel_loop3A_1120 : vector<16xf32>
        %parallel_loop3A_1124 = arith.constant 0.000000e+00 : f32
        %parallel_loop3A_1125 = vector.broadcast %parallel_loop3A_1124 : f32 to vector<16xf32>
        %parallel_loop3A_1126 = arith.constant 0 : i32
        %parallel_loop3A_1127 = arith.addi %parallel_loop3A_1126, %parallel_loop3A_1112 : i32
        %parallel_loop3A_1128 = arith.index_cast %parallel_loop3A_1127 : i32 to index
        %parallel_loop3A_1129 = tpu.vector_load %arg6[%parallel_loop3A_1128] {strides = array<i32>} : memref<18000xi32, #tpu.memory_space<vmem>>, vector<16xi32>,
        %parallel_loop3A_1130 = tpu.vector_load_idx %arg5[%parallel_loop3A_1129] : memref<50000xf32, #tpu.memory_space<vmem>>[vector<16xi32>], vector<16xf32>,
        %parallel_loop3A_1131 = arith.addf %parallel_loop3A_1125, %parallel_loop3A_1130 : vector<16xf32>
        %parallel_loop3A_1132 = arith.constant 2000 : i32
        %parallel_loop3A_1133 = arith.addi %parallel_loop3A_1132, %parallel_loop3A_1112 : i32
        %parallel_loop3A_1134 = arith.index_cast %parallel_loop3A_1133 : i32 to index
        %parallel_loop3A_1135 = tpu.vector_load %arg6[%parallel_loop3A_1134] {strides = array<i32>} : memref<18000xi32, #tpu.memory_space<vmem>>, vector<16xi32>,
        %parallel_loop3A_1136 = tpu.vector_load_idx %arg5[%parallel_loop3A_1135] : memref<50000xf32, #tpu.memory_space<vmem>>[vector<16xi32>], vector<16xf32>,
        %parallel_loop3A_1137 = arith.addf %parallel_loop3A_1131, %parallel_loop3A_1136 : vector<16xf32>
        %parallel_loop3A_1138 = arith.constant 4000 : i32
        %parallel_loop3A_1139 = arith.addi %parallel_loop3A_1138, %parallel_loop3A_1112 : i32
        %parallel_loop3A_1140 = arith.index_cast %parallel_loop3A_1139 : i32 to index
        %parallel_loop3A_1141 = tpu.vector_load %arg6[%parallel_loop3A_1140] {strides = array<i32>} : memref<18000xi32, #tpu.memory_space<vmem>>, vector<16xi32>,
        %parallel_loop3A_1142 = tpu.vector_load_idx %arg5[%parallel_loop3A_1141] : memref<50000xf32, #tpu.memory_space<vmem>>[vector<16xi32>], vector<16xf32>,
        %parallel_loop3A_1143 = arith.addf %parallel_loop3A_1137, %parallel_loop3A_1142 : vector<16xf32>
        %parallel_loop3A_1144 = arith.constant 6000 : i32
        %parallel_loop3A_1145 = arith.addi %parallel_loop3A_1144, %parallel_loop3A_1112 : i32
        %parallel_loop3A_1146 = arith.index_cast %parallel_loop3A_1145 : i32 to index
        %parallel_loop3A_1147 = tpu.vector_load %arg6[%parallel_loop3A_1146] {strides = array<i32>} : memref<18000xi32, #tpu.memory_space<vmem>>, vector<16xi32>,
        %parallel_loop3A_1148 = tpu.vector_load_idx %arg5[%parallel_loop3A_1147] : memref<50000xf32, #tpu.memory_space<vmem>>[vector<16xi32>], vector<16xf32>,
        %parallel_loop3A_1149 = arith.addf %parallel_loop3A_1143, %parallel_loop3A_1148 : vector<16xf32>
        %parallel_loop3A_1150 = arith.constant 8000 : i32
        %parallel_loop3A_1151 = arith.addi %parallel_loop3A_1150, %parallel_loop3A_1112 : i32
        %parallel_loop3A_1152 = arith.index_cast %parallel_loop3A_1151 : i32 to index
        %parallel_loop3A_1153 = tpu.vector_load %arg6[%parallel_loop3A_1152] {strides = array<i32>} : memref<18000xi32, #tpu.memory_space<vmem>>, vector<16xi32>,
        %parallel_loop3A_1154 = tpu.vector_load_idx %arg5[%parallel_loop3A_1153] : memref<50000xf32, #tpu.memory_space<vmem>>[vector<16xi32>], vector<16xf32>,
        %parallel_loop3A_1155 = arith.addf %parallel_loop3A_1149, %parallel_loop3A_1154 : vector<16xf32>
        %parallel_loop3A_1156 = arith.constant 10000 : i32
        %parallel_loop3A_1157 = arith.addi %parallel_loop3A_1156, %parallel_loop3A_1112 : i32
        %parallel_loop3A_1158 = arith.index_cast %parallel_loop3A_1157 : i32 to index
        %parallel_loop3A_1159 = tpu.vector_load %arg6[%parallel_loop3A_1158] {strides = array<i32>} : memref<18000xi32, #tpu.memory_space<vmem>>, vector<16xi32>,
        %parallel_loop3A_1160 = tpu.vector_load_idx %arg5[%parallel_loop3A_1159] : memref<50000xf32, #tpu.memory_space<vmem>>[vector<16xi32>], vector<16xf32>,
        %parallel_loop3A_1161 = arith.addf %parallel_loop3A_1155, %parallel_loop3A_1160 : vector<16xf32>
        %parallel_loop3A_1162 = arith.constant 12000 : i32
        %parallel_loop3A_1163 = arith.addi %parallel_loop3A_1162, %parallel_loop3A_1112 : i32
        %parallel_loop3A_1164 = arith.index_cast %parallel_loop3A_1163 : i32 to index
        %parallel_loop3A_1165 = tpu.vector_load %arg6[%parallel_loop3A_1164] {strides = array<i32>} : memref<18000xi32, #tpu.memory_space<vmem>>, vector<16xi32>,
        %parallel_loop3A_1166 = tpu.vector_load_idx %arg5[%parallel_loop3A_1165] : memref<50000xf32, #tpu.memory_space<vmem>>[vector<16xi32>], vector<16xf32>,
        %parallel_loop3A_1167 = arith.addf %parallel_loop3A_1161, %parallel_loop3A_1166 : vector<16xf32>
        %parallel_loop3A_1168 = arith.constant 14000 : i32
        %parallel_loop3A_1169 = arith.addi %parallel_loop3A_1168, %parallel_loop3A_1112 : i32
        %parallel_loop3A_1170 = arith.index_cast %parallel_loop3A_1169 : i32 to index
        %parallel_loop3A_1171 = tpu.vector_load %arg6[%parallel_loop3A_1170] {strides = array<i32>} : memref<18000xi32, #tpu.memory_space<vmem>>, vector<16xi32>,
        %parallel_loop3A_1172 = tpu.vector_load_idx %arg5[%parallel_loop3A_1171] : memref<50000xf32, #tpu.memory_space<vmem>>[vector<16xi32>], vector<16xf32>,
        %parallel_loop3A_1173 = arith.addf %parallel_loop3A_1167, %parallel_loop3A_1172 : vector<16xf32>
        %parallel_loop3A_1174 = arith.constant 8000 : i32
        %parallel_loop3A_1175 = arith.addi %mul3A_63, %parallel_loop3A_1174 : i32
        %parallel_loop3A_1176 = arith.addi %parallel_loop3A_1175, %parallel_loop3A_1112 : i32
        %parallel_loop3A_1177 = arith.index_cast %parallel_loop3A_1176 : i32 to index
        %parallel_loop3A_1178 = tpu.vector_load %arg5[%parallel_loop3A_1177] {strides = array<i32>} : memref<50000xf32, #tpu.memory_space<vmem>>, vector<16xf32>,
        %parallel_loop3A_1179 = arith.mulf %parallel_loop3A_1173, %parallel_loop3A_1123 : vector<16xf32>
        %parallel_loop3A_1180 = arith.subf %parallel_loop3A_1178, %parallel_loop3A_1179 : vector<16xf32>
        %parallel_loop3A_1181 = arith.mulf %parallel_loop3A_1180, %parallel_loop3A_1180 : vector<16xf32>
        %parallel_loop3A_1182 = arith.addf %parallel_loop3A_1113, %parallel_loop3A_1181 : vector<16xf32>
        %parallel_loop3A_1183 = arith.constant 16000 : i32
        %parallel_loop3A_1184 = arith.addi %parallel_loop3A_1183, %parallel_loop3A_1115 : i32
        %parallel_loop3A_1185 = arith.index_cast %parallel_loop3A_1184 : i32 to index
        %parallel_loop3A_1186 = tpu.vector_load %arg6[%parallel_loop3A_1185] {strides = array<i32>} : memref<18000xi32, #tpu.memory_space<vmem>>, vector<16xi32>,
        %parallel_loop3A_1187 = arith.sitofp %parallel_loop3A_1186 : vector<16xi32> to vector<16xf32>
        %parallel_loop3A_1188 = arith.constant 1.000000e+00 : f32
        %parallel_loop3A_1189 = vector.broadcast %parallel_loop3A_1188 : f32 to vector<16xf32>
        %parallel_loop3A_1190 = arith.divf %parallel_loop3A_1189, %parallel_loop3A_1187 : vector<16xf32>
        %parallel_loop3A_1191 = arith.constant 0.000000e+00 : f32
        %parallel_loop3A_1192 = vector.broadcast %parallel_loop3A_1191 : f32 to vector<16xf32>
        %parallel_loop3A_1193 = arith.constant 0 : i32
        %parallel_loop3A_1194 = arith.addi %parallel_loop3A_1193, %parallel_loop3A_1115 : i32
        %parallel_loop3A_1195 = arith.index_cast %parallel_loop3A_1194 : i32 to index
        %parallel_loop3A_1196 = tpu.vector_load %arg6[%parallel_loop3A_1195] {strides = array<i32>} : memref<18000xi32, #tpu.memory_space<vmem>>, vector<16xi32>,
        %parallel_loop3A_1197 = tpu.vector_load_idx %arg5[%parallel_loop3A_1196] : memref<50000xf32, #tpu.memory_space<vmem>>[vector<16xi32>], vector<16xf32>,
        %parallel_loop3A_1198 = arith.addf %parallel_loop3A_1192, %parallel_loop3A_1197 : vector<16xf32>
        %parallel_loop3A_1199 = arith.constant 2000 : i32
        %parallel_loop3A_1200 = arith.addi %parallel_loop3A_1199, %parallel_loop3A_1115 : i32
        %parallel_loop3A_1201 = arith.index_cast %parallel_loop3A_1200 : i32 to index
        %parallel_loop3A_1202 = tpu.vector_load %arg6[%parallel_loop3A_1201] {strides = array<i32>} : memref<18000xi32, #tpu.memory_space<vmem>>, vector<16xi32>,
        %parallel_loop3A_1203 = tpu.vector_load_idx %arg5[%parallel_loop3A_1202] : memref<50000xf32, #tpu.memory_space<vmem>>[vector<16xi32>], vector<16xf32>,
        %parallel_loop3A_1204 = arith.addf %parallel_loop3A_1198, %parallel_loop3A_1203 : vector<16xf32>
        %parallel_loop3A_1205 = arith.constant 4000 : i32
        %parallel_loop3A_1206 = arith.addi %parallel_loop3A_1205, %parallel_loop3A_1115 : i32
        %parallel_loop3A_1207 = arith.index_cast %parallel_loop3A_1206 : i32 to index
        %parallel_loop3A_1208 = tpu.vector_load %arg6[%parallel_loop3A_1207] {strides = array<i32>} : memref<18000xi32, #tpu.memory_space<vmem>>, vector<16xi32>,
        %parallel_loop3A_1209 = tpu.vector_load_idx %arg5[%parallel_loop3A_1208] : memref<50000xf32, #tpu.memory_space<vmem>>[vector<16xi32>], vector<16xf32>,
        %parallel_loop3A_1210 = arith.addf %parallel_loop3A_1204, %parallel_loop3A_1209 : vector<16xf32>
        %parallel_loop3A_1211 = arith.constant 6000 : i32
        %parallel_loop3A_1212 = arith.addi %parallel_loop3A_1211, %parallel_loop3A_1115 : i32
        %parallel_loop3A_1213 = arith.index_cast %parallel_loop3A_1212 : i32 to index
        %parallel_loop3A_1214 = tpu.vector_load %arg6[%parallel_loop3A_1213] {strides = array<i32>} : memref<18000xi32, #tpu.memory_space<vmem>>, vector<16xi32>,
        %parallel_loop3A_1215 = tpu.vector_load_idx %arg5[%parallel_loop3A_1214] : memref<50000xf32, #tpu.memory_space<vmem>>[vector<16xi32>], vector<16xf32>,
        %parallel_loop3A_1216 = arith.addf %parallel_loop3A_1210, %parallel_loop3A_1215 : vector<16xf32>
        %parallel_loop3A_1217 = arith.constant 8000 : i32
        %parallel_loop3A_1218 = arith.addi %parallel_loop3A_1217, %parallel_loop3A_1115 : i32
        %parallel_loop3A_1219 = arith.index_cast %parallel_loop3A_1218 : i32 to index
        %parallel_loop3A_1220 = tpu.vector_load %arg6[%parallel_loop3A_1219] {strides = array<i32>} : memref<18000xi32, #tpu.memory_space<vmem>>, vector<16xi32>,
        %parallel_loop3A_1221 = tpu.vector_load_idx %arg5[%parallel_loop3A_1220] : memref<50000xf32, #tpu.memory_space<vmem>>[vector<16xi32>], vector<16xf32>,
        %parallel_loop3A_1222 = arith.addf %parallel_loop3A_1216, %parallel_loop3A_1221 : vector<16xf32>
        %parallel_loop3A_1223 = arith.constant 10000 : i32
        %parallel_loop3A_1224 = arith.addi %parallel_loop3A_1223, %parallel_loop3A_1115 : i32
        %parallel_loop3A_1225 = arith.index_cast %parallel_loop3A_1224 : i32 to index
        %parallel_loop3A_1226 = tpu.vector_load %arg6[%parallel_loop3A_1225] {strides = array<i32>} : memref<18000xi32, #tpu.memory_space<vmem>>, vector<16xi32>,
        %parallel_loop3A_1227 = tpu.vector_load_idx %arg5[%parallel_loop3A_1226] : memref<50000xf32, #tpu.memory_space<vmem>>[vector<16xi32>], vector<16xf32>,
        %parallel_loop3A_1228 = arith.addf %parallel_loop3A_1222, %parallel_loop3A_1227 : vector<16xf32>
        %parallel_loop3A_1229 = arith.constant 12000 : i32
        %parallel_loop3A_1230 = arith.addi %parallel_loop3A_1229, %parallel_loop3A_1115 : i32
        %parallel_loop3A_1231 = arith.index_cast %parallel_loop3A_1230 : i32 to index
        %parallel_loop3A_1232 = tpu.vector_load %arg6[%parallel_loop3A_1231] {strides = array<i32>} : memref<18000xi32, #tpu.memory_space<vmem>>, vector<16xi32>,
        %parallel_loop3A_1233 = tpu.vector_load_idx %arg5[%parallel_loop3A_1232] : memref<50000xf32, #tpu.memory_space<vmem>>[vector<16xi32>], vector<16xf32>,
        %parallel_loop3A_1234 = arith.addf %parallel_loop3A_1228, %parallel_loop3A_1233 : vector<16xf32>
        %parallel_loop3A_1235 = arith.constant 14000 : i32
        %parallel_loop3A_1236 = arith.addi %parallel_loop3A_1235, %parallel_loop3A_1115 : i32
        %parallel_loop3A_1237 = arith.index_cast %parallel_loop3A_1236 : i32 to index
        %parallel_loop3A_1238 = tpu.vector_load %arg6[%parallel_loop3A_1237] {strides = array<i32>} : memref<18000xi32, #tpu.memory_space<vmem>>, vector<16xi32>,
        %parallel_loop3A_1239 = tpu.vector_load_idx %arg5[%parallel_loop3A_1238] : memref<50000xf32, #tpu.memory_space<vmem>>[vector<16xi32>], vector<16xf32>,
        %parallel_loop3A_1240 = arith.addf %parallel_loop3A_1234, %parallel_loop3A_1239 : vector<16xf32>
        %parallel_loop3A_1241 = arith.constant 8000 : i32
        %parallel_loop3A_1242 = arith.addi %mul3A_63, %parallel_loop3A_1241 : i32
        %parallel_loop3A_1243 = arith.addi %parallel_loop3A_1242, %parallel_loop3A_1115 : i32
        %parallel_loop3A_1244 = arith.index_cast %parallel_loop3A_1243 : i32 to index
        %parallel_loop3A_1245 = tpu.vector_load %arg5[%parallel_loop3A_1244] {strides = array<i32>} : memref<50000xf32, #tpu.memory_space<vmem>>, vector<16xf32>,
        %parallel_loop3A_1246 = arith.mulf %parallel_loop3A_1240, %parallel_loop3A_1190 : vector<16xf32>
        %parallel_loop3A_1247 = arith.subf %parallel_loop3A_1245, %parallel_loop3A_1246 : vector<16xf32>
        %parallel_loop3A_1248 = arith.mulf %parallel_loop3A_1247, %parallel_loop3A_1247 : vector<16xf32>
        %parallel_loop3A_1249 = arith.addf %parallel_loop3A_1182, %parallel_loop3A_1248 : vector<16xf32>
        scf.yield %parallel_loop3A_1249 : vector<16xf32>
      } {sc.loop_unroll_factor = 1 : i64, sc.parallel_access}
      %get3A_1060 = arith.constant 17984 : index
      %get3A_1061 = tpu.vector_load %arg6[%get3A_1060] {strides = array<i32>} : memref<18000xi32, #tpu.memory_space<vmem>>, vector<16xi32>,
      %convert_element_type3A_1062 = arith.sitofp %get3A_1061 : vector<16xi32> to vector<16xf32>
      %div3A_1063 = arith.constant 1.000000e+00 : f32
      %div3A_1064 = vector.broadcast %div3A_1063 : f32 to vector<16xf32>
      %div3A_1065 = arith.divf %div3A_1064, %convert_element_type3A_1062 : vector<16xf32>
      %broadcast_in_dim3A_1066 = arith.constant 0.000000e+00 : f32
      %broadcast_in_dim3A_1067 = vector.broadcast %broadcast_in_dim3A_1066 : f32 to vector<16xf32>
      %get3A_1068 = arith.constant 1984 : index
      %get3A_1069 = tpu.vector_load %arg6[%get3A_1068] {strides = array<i32>} : memref<18000xi32, #tpu.memory_space<vmem>>, vector<16xi32>,
      %gather3A_1070 = tpu.vector_load_idx %arg5[%get3A_1069] : memref<50000xf32, #tpu.memory_space<vmem>>[vector<16xi32>], vector<16xf32>,
      %add3A_1071 = arith.addf %broadcast_in_dim3A_1067, %gather3A_1070 : vector<16xf32>
      %get3A_1072 = arith.constant 3984 : index
      %get3A_1073 = tpu.vector_load %arg6[%get3A_1072] {strides = array<i32>} : memref<18000xi32, #tpu.memory_space<vmem>>, vector<16xi32>,
      %gather3A_1074 = tpu.vector_load_idx %arg5[%get3A_1073] : memref<50000xf32, #tpu.memory_space<vmem>>[vector<16xi32>], vector<16xf32>,
      %add3A_1075 = arith.addf %add3A_1071, %gather3A_1074 : vector<16xf32>
      %get3A_1076 = arith.constant 5984 : index
      %get3A_1077 = tpu.vector_load %arg6[%get3A_1076] {strides = array<i32>} : memref<18000xi32, #tpu.memory_space<vmem>>, vector<16xi32>,
      %gather3A_1078 = tpu.vector_load_idx %arg5[%get3A_1077] : memref<50000xf32, #tpu.memory_space<vmem>>[vector<16xi32>], vector<16xf32>,
      %add3A_1079 = arith.addf %add3A_1075, %gather3A_1078 : vector<16xf32>
      %get3A_1080 = arith.constant 7984 : index
      %get3A_1081 = tpu.vector_load %arg6[%get3A_1080] {strides = array<i32>} : memref<18000xi32, #tpu.memory_space<vmem>>, vector<16xi32>,
      %gather3A_1082 = tpu.vector_load_idx %arg5[%get3A_1081] : memref<50000xf32, #tpu.memory_space<vmem>>[vector<16xi32>], vector<16xf32>,
      %add3A_1083 = arith.addf %add3A_1079, %gather3A_1082 : vector<16xf32>
      %get3A_1084 = arith.constant 9984 : index
      %get3A_1085 = tpu.vector_load %arg6[%get3A_1084] {strides = array<i32>} : memref<18000xi32, #tpu.memory_space<vmem>>, vector<16xi32>,
      %gather3A_1086 = tpu.vector_load_idx %arg5[%get3A_1085] : memref<50000xf32, #tpu.memory_space<vmem>>[vector<16xi32>], vector<16xf32>,
      %add3A_1087 = arith.addf %add3A_1083, %gather3A_1086 : vector<16xf32>
      %get3A_1088 = arith.constant 11984 : index
      %get3A_1089 = tpu.vector_load %arg6[%get3A_1088] {strides = array<i32>} : memref<18000xi32, #tpu.memory_space<vmem>>, vector<16xi32>,
      %gather3A_1090 = tpu.vector_load_idx %arg5[%get3A_1089] : memref<50000xf32, #tpu.memory_space<vmem>>[vector<16xi32>], vector<16xf32>,
      %add3A_1091 = arith.addf %add3A_1087, %gather3A_1090 : vector<16xf32>
      %get3A_1092 = arith.constant 13984 : index
      %get3A_1093 = tpu.vector_load %arg6[%get3A_1092] {strides = array<i32>} : memref<18000xi32, #tpu.memory_space<vmem>>, vector<16xi32>,
      %gather3A_1094 = tpu.vector_load_idx %arg5[%get3A_1093] : memref<50000xf32, #tpu.memory_space<vmem>>[vector<16xi32>], vector<16xf32>,
      %add3A_1095 = arith.addf %add3A_1091, %gather3A_1094 : vector<16xf32>
      %get3A_1096 = arith.constant 15984 : index
      %get3A_1097 = tpu.vector_load %arg6[%get3A_1096] {strides = array<i32>} : memref<18000xi32, #tpu.memory_space<vmem>>, vector<16xi32>,
      %gather3A_1098 = tpu.vector_load_idx %arg5[%get3A_1097] : memref<50000xf32, #tpu.memory_space<vmem>>[vector<16xi32>], vector<16xf32>,
      %add3A_1099 = arith.addf %add3A_1095, %gather3A_1098 : vector<16xf32>
      %add3A_1100 = arith.constant 8000 : i32
      %add3A_1101 = arith.addi %mul3A_63, %add3A_1100 : i32
      %add3A_1102 = arith.constant 1984 : i32
      %add3A_1103 = arith.addi %add3A_1101, %add3A_1102 : i32
      %get3A_1104 = arith.index_cast %add3A_1103 : i32 to index
      %get3A_1105 = tpu.vector_load %arg5[%get3A_1104] {strides = array<i32>} : memref<50000xf32, #tpu.memory_space<vmem>>, vector<16xf32>,
      %mul3A_1106 = arith.mulf %add3A_1099, %div3A_1065 : vector<16xf32>
      %sub3A_1107 = arith.subf %get3A_1105, %mul3A_1106 : vector<16xf32>
      %mul3A_1108 = arith.mulf %sub3A_1107, %sub3A_1107 : vector<16xf32>
      %add3A_1109 = arith.addf %parallel_loop3A_1059, %mul3A_1108 : vector<16xf32>
      %swap3A_1110 = arith.constant 0 : index
      %swap3A_1111 = tpu.vector_load %arg8[%swap3A_1110] {strides = array<i32>} : memref<16xf32, #tpu.memory_space<vmem>>, vector<16xf32>,
      tpu.vector_store %arg8[%swap3A_1110], %add3A_1109 {strides = array<i32>} : memref<16xf32, #tpu.memory_space<vmem>>, vector<16xf32>,
    } else {
    }
    %mul3A_5 = arith.constant 16 : i32
    %mul3A_6 = arith.muli %add3A, %mul3A_5 : i32
    "tpu.region"() ({
      %run_scoped3A = tpu.sem_alloc : memref<!tpu.dma_semaphore, #tpu.memory_space<semaphore_mem>>
      %dma_start3A = tpu.memref_slice %arg4[%mul3A_6] : memref<512xf32, #tpu.memory_space<hbm>> -> memref<16xf32, #tpu.memory_space<hbm>>
      %dma_start3A_7 = tpu.memref_slice %arg4[%mul3A_6] : memref<512xf32, #tpu.memory_space<hbm>> -> memref<16xf32, #tpu.memory_space<hbm>>
      tpu.enqueue_dma source(%arg8 : memref<16xf32, #tpu.memory_space<vmem>>) target(%dma_start3A_7 : memref<16xf32, #tpu.memory_space<hbm>>) target_semaphore(%run_scoped3A : memref<!tpu.dma_semaphore, #tpu.memory_space<semaphore_mem>>)
      %dma_wait3A = tpu.memref_slice %arg4[%mul3A_6] : memref<512xf32, #tpu.memory_space<hbm>> -> memref<16xf32, #tpu.memory_space<hbm>>
      %dma_wait3A_8 = tpu.memref_slice %arg4[%mul3A_6] : memref<512xf32, #tpu.memory_space<hbm>> -> memref<16xf32, #tpu.memory_space<hbm>>
      tpu.wait_dma2 semaphore(%run_scoped3A : memref<!tpu.dma_semaphore, #tpu.memory_space<semaphore_mem>>) src(%arg8 : memref<16xf32, #tpu.memory_space<vmem>>) dst(%dma_wait3A_8 : memref<16xf32, #tpu.memory_space<hbm>>)
      tpu.yield
    }) : () -> ()
    return
  }
}

module attributes {stable_mosaic.version = 14 : i64} {
  func.func @_diff_body(%arg0: memref<3x50000xf32, #tpu.memory_space<vmem>>, %arg1: memref<3x50000xf32, #tpu.memory_space<vmem>>, %arg2: memref<3x50000xf32, #tpu.memory_space<vmem>>, %arg3: memref<3x50000xf32, #tpu.memory_space<vmem>>, %arg4: memref<300000xf32, #tpu.memory_space<vmem>>) attributes {dimension_semantics = [], scalar_prefetch = 0 : i64, scratch_operands = 0 : i64, tpu.core_type = #tpu.core_type<tc>} {
    %get3A = arith.constant 0 : index
    %get3A_0 = arith.constant 0 : index
    %get3A_1 = vector.load %arg0[%get3A, %get3A_0] : memref<3x50000xf32, #tpu.memory_space<vmem>>, vector<1x50000xf32>
    %get3A_2 = vector.shape_cast %get3A_1 : vector<1x50000xf32> to vector<50000xf32>
    %get3A_3 = arith.constant 0 : index
    %get3A_4 = arith.constant 0 : index
    %get3A_5 = vector.load %arg1[%get3A_3, %get3A_4] : memref<3x50000xf32, #tpu.memory_space<vmem>>, vector<1x50000xf32>
    %get3A_6 = vector.shape_cast %get3A_5 : vector<1x50000xf32> to vector<50000xf32>
    %sub3A = arith.subf %get3A_2, %get3A_6 : vector<50000xf32>
    %swap3A = arith.constant 0 : index
    %swap3A_7 = vector.load %arg4[%swap3A] : memref<300000xf32, #tpu.memory_space<vmem>>, vector<50000xf32>
    tpu.vector_store %arg4[%swap3A], %sub3A {strides = array<i32>} : memref<300000xf32, #tpu.memory_space<vmem>>, vector<50000xf32>,
    %get3A_8 = arith.constant 0 : index
    %get3A_9 = arith.constant 0 : index
    %get3A_10 = vector.load %arg2[%get3A_8, %get3A_9] : memref<3x50000xf32, #tpu.memory_space<vmem>>, vector<1x50000xf32>
    %get3A_11 = vector.shape_cast %get3A_10 : vector<1x50000xf32> to vector<50000xf32>
    %get3A_12 = arith.constant 0 : index
    %get3A_13 = arith.constant 0 : index
    %get3A_14 = vector.load %arg3[%get3A_12, %get3A_13] : memref<3x50000xf32, #tpu.memory_space<vmem>>, vector<1x50000xf32>
    %get3A_15 = vector.shape_cast %get3A_14 : vector<1x50000xf32> to vector<50000xf32>
    %sub3A_16 = arith.subf %get3A_11, %get3A_15 : vector<50000xf32>
    %swap3A_17 = arith.constant 150000 : index
    %swap3A_18 = vector.load %arg4[%swap3A_17] : memref<300000xf32, #tpu.memory_space<vmem>>, vector<50000xf32>
    tpu.vector_store %arg4[%swap3A_17], %sub3A_16 {strides = array<i32>} : memref<300000xf32, #tpu.memory_space<vmem>>, vector<50000xf32>,
    %get3A_19 = arith.constant 1 : index
    %get3A_20 = arith.constant 0 : index
    %get3A_21 = vector.load %arg0[%get3A_19, %get3A_20] : memref<3x50000xf32, #tpu.memory_space<vmem>>, vector<1x50000xf32>
    %get3A_22 = vector.shape_cast %get3A_21 : vector<1x50000xf32> to vector<50000xf32>
    %get3A_23 = arith.constant 1 : index
    %get3A_24 = arith.constant 0 : index
    %get3A_25 = vector.load %arg1[%get3A_23, %get3A_24] : memref<3x50000xf32, #tpu.memory_space<vmem>>, vector<1x50000xf32>
    %get3A_26 = vector.shape_cast %get3A_25 : vector<1x50000xf32> to vector<50000xf32>
    %sub3A_27 = arith.subf %get3A_22, %get3A_26 : vector<50000xf32>
    %swap3A_28 = arith.constant 50000 : index
    %swap3A_29 = vector.load %arg4[%swap3A_28] : memref<300000xf32, #tpu.memory_space<vmem>>, vector<50000xf32>
    tpu.vector_store %arg4[%swap3A_28], %sub3A_27 {strides = array<i32>} : memref<300000xf32, #tpu.memory_space<vmem>>, vector<50000xf32>,
    %get3A_30 = arith.constant 1 : index
    %get3A_31 = arith.constant 0 : index
    %get3A_32 = vector.load %arg2[%get3A_30, %get3A_31] : memref<3x50000xf32, #tpu.memory_space<vmem>>, vector<1x50000xf32>
    %get3A_33 = vector.shape_cast %get3A_32 : vector<1x50000xf32> to vector<50000xf32>
    %get3A_34 = arith.constant 1 : index
    %get3A_35 = arith.constant 0 : index
    %get3A_36 = vector.load %arg3[%get3A_34, %get3A_35] : memref<3x50000xf32, #tpu.memory_space<vmem>>, vector<1x50000xf32>
    %get3A_37 = vector.shape_cast %get3A_36 : vector<1x50000xf32> to vector<50000xf32>
    %sub3A_38 = arith.subf %get3A_33, %get3A_37 : vector<50000xf32>
    %swap3A_39 = arith.constant 200000 : index
    %swap3A_40 = vector.load %arg4[%swap3A_39] : memref<300000xf32, #tpu.memory_space<vmem>>, vector<50000xf32>
    tpu.vector_store %arg4[%swap3A_39], %sub3A_38 {strides = array<i32>} : memref<300000xf32, #tpu.memory_space<vmem>>, vector<50000xf32>,
    %get3A_41 = arith.constant 2 : index
    %get3A_42 = arith.constant 0 : index
    %get3A_43 = vector.load %arg0[%get3A_41, %get3A_42] : memref<3x50000xf32, #tpu.memory_space<vmem>>, vector<1x50000xf32>
    %get3A_44 = vector.shape_cast %get3A_43 : vector<1x50000xf32> to vector<50000xf32>
    %get3A_45 = arith.constant 2 : index
    %get3A_46 = arith.constant 0 : index
    %get3A_47 = vector.load %arg1[%get3A_45, %get3A_46] : memref<3x50000xf32, #tpu.memory_space<vmem>>, vector<1x50000xf32>
    %get3A_48 = vector.shape_cast %get3A_47 : vector<1x50000xf32> to vector<50000xf32>
    %sub3A_49 = arith.subf %get3A_44, %get3A_48 : vector<50000xf32>
    %swap3A_50 = arith.constant 100000 : index
    %swap3A_51 = vector.load %arg4[%swap3A_50] : memref<300000xf32, #tpu.memory_space<vmem>>, vector<50000xf32>
    tpu.vector_store %arg4[%swap3A_50], %sub3A_49 {strides = array<i32>} : memref<300000xf32, #tpu.memory_space<vmem>>, vector<50000xf32>,
    %get3A_52 = arith.constant 2 : index
    %get3A_53 = arith.constant 0 : index
    %get3A_54 = vector.load %arg2[%get3A_52, %get3A_53] : memref<3x50000xf32, #tpu.memory_space<vmem>>, vector<1x50000xf32>
    %get3A_55 = vector.shape_cast %get3A_54 : vector<1x50000xf32> to vector<50000xf32>
    %get3A_56 = arith.constant 2 : index
    %get3A_57 = arith.constant 0 : index
    %get3A_58 = vector.load %arg3[%get3A_56, %get3A_57] : memref<3x50000xf32, #tpu.memory_space<vmem>>, vector<1x50000xf32>
    %get3A_59 = vector.shape_cast %get3A_58 : vector<1x50000xf32> to vector<50000xf32>
    %sub3A_60 = arith.subf %get3A_55, %get3A_59 : vector<50000xf32>
    %swap3A_61 = arith.constant 250000 : index
    %swap3A_62 = vector.load %arg4[%swap3A_61] : memref<300000xf32, #tpu.memory_space<vmem>>, vector<50000xf32>
    tpu.vector_store %arg4[%swap3A_61], %sub3A_60 {strides = array<i32>} : memref<300000xf32, #tpu.memory_space<vmem>>, vector<50000xf32>,
    return
  }
}

</mosaic_0001>

<sc_bundles>
// kernel: kernel.4.cloned.1.call-start
scs
__scs_entry_jumppad:
0x0: {  	(pc) =	sbr.rel $0x88, $3  }
0x1: {  	(tag) =	ssettag $0x0;
	lr =	simm.s32 $0x1  }
0x2: {  	[smem:$0x3F9C] =	sst lr;
	_ =	strace $0xD0000000  }
0x3: {  	_ = 	snop  }
0x4: {  	_ = 	snop  }
0x5: {  	_ = 	snop  }
0x6: {  	_ = 	snop  }
0x7: {  	_ = 	snop  }
__scs_overlays_trampoline_lowered:
0x8: {  	[smem:$0x3FAB] =	sst s0  }
0x9: {  	[smem:$0x3FAC] =	sst s1  }
0xa: {  	[smem:$0x3FAD] =	sst s2  }
0xb: {  	[smem:$0x3FAE] =	sst s3  }
0xc: {  	[smem:$0x3FAF] =	sst s4  }
0xd: {  	[smem:$0x3FB0] =	sst s5  }
0xe: {  	[smem:$0x3FB1] =	sst s6  }
0xf: {  	[smem:$0x3FB2] =	sst s7  }
0x10: {  	[smem:$0x3FB3] =	sst s8  }
0x11: {  	[smem:$0x3FB4] =	sst s9;
	s0 =	simm.s32 @!p0 $0x0  }
0x12: {  	s1 =	sld [smem:$0x3F9A];
	s0 =	simm.s32 @p0 $0x1  }
0x13: {  	[smem:$0x3FB5] =	sst s0;
	s0 =	simm.s32 @!p1 $0x0  }
0x14: {  	s2 =	sld [smem:$0x3F99];
	s0 =	simm.s32 @p1 $0x1  }
0x15: {  	[smem:$0x3FB6] =	sst s0;
	s0 =	simm.s32 @!p2 $0x0  }
0x16: {  	s3 =	sld [smem:$0x3FDB];
	s0 =	simm.s32 @p2 $0x1  }
0x17: {  	s4 =	simm.s32 $0x1BF5;
	[smem:$0x3FB8] =	sst s0  }
0x18: {  	s0 =	sld [smem:$0x3F9B];
	_ =	swait.ge [sflag:s4], $0x0  }
0x19: {  	s7 =	sld [smem:$0x3F9C]  }
0x1a: {  	s8 =	sadd.s32 $0xFFFFE003, lr  }
0x1b: {  	s9 =	sadd.s32 $0xFFFFFEF7, lr;
	s5 =	simm.s32 $0xFFFFFFFF;
	p2 =	slt.u32 s8, $0xFFFFF086  }
0x1c: {  	p1 =	slt.u32 s9, $0xF7A;
	s5 =	simm.s32 @!p2 $0x0  }
0x1d: {  	s5 =	simm.s32 @p1 $0x1;
	p0 =	seq.s32 s7, s2  }
0x1e: {  	s7 =	smul.u32 @!p0 $0xF7A, s2;
	p2 =	seq.s32 @!p0 s5, $0x0  }
0x1f: {  	s9 =	smul.u32 $0xF7A, s1;
	s8 =	simm.s32 @!p0 $0x1BF5;
	p2 =	por !p2, p0  }
0x20: {  	[sflag:s8] =	ssyncset.s32 @!p0 $0xFFFFF086;
	s6 =	sadd.s32 @!p0 s3, s7;
	s7 =	simm.s32 @!p0 $0x108  }
0x21: {  	s3 =	sadd.s32 s3, s9;
	s6 =	sadd.s32 @!p0 $0x88, s6;
	s7 =	simm.s32 @p2 $0x1082  }
0x22: {  	[simem:s7], [sflag:s8] =	dma.local @!p0 [hbm:s6], $0xF7A  }
0x23: {  	s9 =	sor.u32 $0xD0000000, s2;
	s6 =	simm.s32 $0x108;
	_ =	swait.ge @!p0 [sflag:s8], $0x0  }
0x24: {  	s3 =	sadd.s32 $0x88, s3;
	s6 =	simm.s32 @!p1 $0x1082;
	[sflag:s4] =	ssyncset.s32 $0xFFFFF086  }
0x25: {  	[simem:s6], [sflag:s4] =	dma.local [hbm:s3], $0xF7A  }
0x26: {  	[smem:$0x3F9C] =	sst s1;
	(tag) =	ssettag s2;
	_ =	strace s9  }
0x27: {  	s1 =	sld [smem:$0x3FAC]  }
0x28: {  	s2 =	sld [smem:$0x3FAD]  }
0x29: {  	s4 =	sld [smem:$0x3FAF]  }
0x2a: {  	p0 =	seq.s32 s5, $0x0;
	s5 =	sld [smem:$0x3FB0]  }
0x2b: {  	s6 =	sld [smem:$0x3FB1]  }
0x2c: {  	s7 =	sld [smem:$0x3FB2]  }
0x2d: {  	s3 =	simm.s32 $0x108;
	s8 =	sld [smem:$0x3FB3]  }
0x2e: {  	s3 =	simm.s32 @!p0 $0x1082;
	s9 =	sld [smem:$0x3FB4]  }
0x2f: {  	lr =	sadd.s32 s0, s3;
	s0 =	sld [smem:$0x3FAB]  }
0x30: {  	s3 =	sld [smem:$0x3FAE]  }
0x31: {  	[smem:$0x3FB7] =	sst s10  }
0x32: {  	s10 =	sld [smem:$0x3FB5];
	_ =	sdelay $0x3  }
0x33: {  	p0 =	seq.s32 s10, $0x1;
	s10 =	sld [smem:$0x3FB7];
	_ =	sdelay $0x3  }
0x34: {  	[smem:$0x3FB7] =	sst s10  }
0x35: {  	s10 =	sld [smem:$0x3FB6];
	_ =	sdelay $0x3  }
0x36: {  	p1 =	seq.s32 s10, $0x1;
	s10 =	sld [smem:$0x3FB7];
	_ =	sdelay $0x3  }
0x37: {  	[smem:$0x3FB7] =	sst s10  }
0x38: {  	s10 =	sld [smem:$0x3FB8]  }
0x39: {  	_ = 	snop;
	(pc) =	sbr.ind lr, $3  }
0x3a: {  	_ = 	snop  }
0x3b: {  	_ = 	snop  }
0x3c: {  	p2 =	seq.s32 s10, $0x1;
	s10 =	sld [smem:$0x3FB7]  }
0x3d: {  	_ =	shalt  }
0x3e: {  	_ =	shalt  }
0x3f: {  	_ =	shalt  }
0x40: {  	_ =	shalt  }
0x41: {  	_ =	shalt  }
0x42: {  	_ =	shalt  }
0x43: {  	_ =	shalt  }
0x44: {  	_ =	shalt  }
0x45: {  	_ =	shalt  }
0x46: {  	_ =	shalt  }
0x47: {  	_ =	shalt  }
0x48: {  	_ =	shalt  }
0x49: {  	_ =	shalt  }
0x4a: {  	_ =	shalt  }
0x4b: {  	_ =	shalt  }
0x4c: {  	_ =	shalt  }
0x4d: {  	_ =	shalt  }
0x4e: {  	_ =	shalt  }
0x4f: {  	_ =	shalt  }
0x50: {  	_ =	shalt  }
0x51: {  	_ =	shalt  }
0x52: {  	_ =	shalt  }
0x53: {  	_ =	shalt  }
0x54: {  	_ =	shalt  }
0x55: {  	_ =	shalt  }
0x56: {  	_ =	shalt  }
0x57: {  	_ =	shalt  }
0x58: {  	_ =	shalt  }
0x59: {  	_ =	shalt  }
0x5a: {  	_ =	shalt  }
0x5b: {  	_ =	shalt  }
0x5c: {  	_ =	shalt  }
0x5d: {  	_ =	shalt  }
0x5e: {  	_ =	shalt  }
0x5f: {  	_ =	shalt  }
0x60: {  	_ =	shalt  }
0x61: {  	_ =	shalt  }
0x62: {  	_ =	shalt  }
0x63: {  	_ =	shalt  }
0x64: {  	_ =	shalt  }
0x65: {  	_ =	shalt  }
0x66: {  	_ =	shalt  }
0x67: {  	_ =	shalt  }
0x68: {  	_ =	shalt  }
0x69: {  	_ =	shalt  }
0x6a: {  	_ =	shalt  }
0x6b: {  	_ =	shalt  }
0x6c: {  	_ =	shalt  }
0x6d: {  	_ =	shalt  }
0x6e: {  	_ =	shalt  }
0x6f: {  	_ =	shalt  }
0x70: {  	_ =	shalt  }
0x71: {  	_ =	shalt  }
0x72: {  	_ =	shalt  }
0x73: {  	_ =	shalt  }
0x74: {  	_ =	shalt  }
0x75: {  	_ =	shalt  }
0x76: {  	_ =	shalt  }
0x77: {  	_ =	shalt  }
0x78: {  	_ =	shalt  }
0x79: {  	_ =	shalt  }
0x7a: {  	_ =	shalt  }
0x7b: {  	_ =	shalt  }
0x7c: {  	_ =	shalt  }
0x7d: {  	_ =	shalt  }
0x7e: {  	_ =	shalt  }
0x7f: {  	_ =	shalt  }
0x80: {  	_ =	shalt  }
0x81: {  	_ =	shalt  }
0x82: {  	_ =	shalt  }
0x83: {  	_ =	shalt  }
0x84: {  	_ =	shalt  }
0x85: {  	_ =	shalt  }
0x86: {  	_ =	shalt  }
0x87: {  	_ =	shalt  }
.Lfunc_end0:
.L_simem_size_0:
called_computation_lowered:
.L_overlay_start_0:
0x88: {  	s2 =	sld [smem:$0x3FD9]  }
0x89: {  	s3 =	sld [smem:$0x3FFE];
	_ =	sdelay $0x1  }
0x8a: {  	s1 =	srdreg.scid  }
0x8b: {  	s0 =	sand.u32 $0x1, s1  }
0x8c: {  	s16 =	sshll.u32 s0, $0xA;
	s2 =	sadd.s32 s3, s2  }
0x8d: {  	s2 =	sadd.s32 s2, s16  }
0x8e: {  	[smem:$0x3FC3] =	sst s2  }
0x8f: {  	_ = 	snop  }
0x90: {  	(tm) =	ssettm $0x1  }
0x91: {  	s17 =	sld [smem:$0x3FFB];
	_ =	sdelay $0x3  }
0x92: {  	_ =	strace s17  }
0x93: {  	s2 =	sld [smem:$0x3FFC];
	_ =	sdelay $0x3  }
0x94: {  	_ =	strace s2  }
0x95: {  	s2 =	sld [smem:$0x3FFD];
	_ =	sdelay $0x3  }
0x96: {  	_ =	strace s2  }
0x97: {  	_ =	strace $0x8FFFFFFF  }
0x98: {  	s18 =	sld [smem:$0x3FDB];
	_ =	sdelay $0x1  }
0x99: {  	s19 =	simm.s32 $_scs_section_size  }
0x9a: {  	s4 =	simm.s32 $_size__tile_overlayer_lowered;
	s5 =	simm.s32 $_tile_overlayer_lowered  }
0x9b: {  	s22 =	simm.s32 $0x1BFF;
	s21 =	sshll.u32 s5, $0x1;
	s2 =	sadd.s32 s19, s18  }
0x9c: {  	s6 =	simm.s32 $0x0;
	s20 =	sshll.u32 s4, $0x1;
	s4 =	sadd.s32 s21, s2  }
0x9d: {  	[timem:s6], [sflag:s22] =	dma.local [hbm:s4], s20  }
0x9e: {  	_ =	swait.ge [sflag:s22], s20  }
0x9f: {  	s3 =	ssub.s32 $0x0, s20;
	[sflag:s22] =	ssyncset.done $0x0  }
0xa0: {  	[sflag:s22] =	ssyncadd.s32 s3;
	_ =	sdelay $0x1  }
0xa1: {  	s23 =	simm.s32 $0x1B8B  }
0xa2: {  	_ =	swait.ge [sflag:s23], $0x1  }
0xa3: {  	[sflag:s23] =	ssyncset.done $0x0  }
0xa4: {  	s25 =	simm.s32 $0x1B8E;
	s24 =	sld [smem:$0x3FFE];
	[sflag:s23] =	ssyncadd.s32 $0xFFFFFFFF  }
0xa5: {  	s26 =	simm.s32 $execute0_lowered;
	[smem:$0x3FD2] =	sst s25  }
0xa6: {  	s4 =	sshll.u32 s26, $0x1;
	_ =	strace $0x80000046;
	[dreg:$0x1] =	wrdreg $0xFFFFFFFF  }
0xa7: {  	s28 =	simm.s32 $_size_execute0_lowered;
	s2 =	sadd.s32 s2, s4;
	[dreg:$0x0] =	wrdreg $0x0  }
0xa8: {  	s4 =	sshll.u32 s28, $0x1;
	[dreg:$0x2] =	wrdreg s2  }
0xa9: {  	[dreg:$0x3] =	wrdreg s4  }
0xaa: {  	[dreg:$0x4] =	wrdreg $0xC0  }
0xab: {  	_ =	task [dreg:s6], $0x5FFFF  }
0xac: {  	[dreg:$0x1] =	wrdreg $0xFFFFFFFF  }
0xad: {  	[dreg:$0x0] =	wrdreg $0x60  }
0xae: {  	[dreg:$0x2] =	wrdreg s24  }
0xaf: {  	[dreg:$0x3] =	wrdreg $0x9  }
0xb0: {  	_ =	task.clear_ibuf [dreg:s6], $0x4FFFF;
	_ =	strace $0x90000046  }
0xb1: {  	s29 =	simm.s32 $0x9;
	_ =	strace $0x80000048  }
0xb2: {  	_ =	swait.ge [sflag:s29], $0x1  }
0xb3: {  	[sflag:s29] =	ssyncadd.s32 $0xFFFFFFFF  }
0xb4: {  	_ =	strace $0x90000048  }
0xb5: {  	_ =	sfence  }
0xb6: {  	s30 =	sld [smem:$0x0];
	_ =	sdelay $0x2  }
0xb7: {  	s31 =	sshll.u32 s1, $0xD;
	s1 =	sshrl.u32 s1, $0x2  }
0xb8: {  	s3 =	sand.u32 $0x4000, s31;
	s1 =	sadd.s32 s1, s30  }
0xb9: {  	s0 =	sor.u32 s3, s0;
	s1 =	sshll.u32 s1, $0x11  }
0xba: {  	s0 =	sor.u32 s1, s0  }
0xbb: {  	s0 =	sadd.s32 $0x8F2B, s0  }
0xbc: {  	[sflag:s0] =	ssyncadd.remote.s32 $0x1  }
0xbd: {  	_ =	sfence.sel $0xFFFF  }
0xbe: {  	[dreg:$0x0] =	wrdreg $0xFFFFFFFF;
	(pc) =	sbr.abs _section_cstart, $3  }
0xbf: {  	[dreg:$0x1] =	wrdreg $0xFFFFFFFF  }
0xc0: {  	_ =	task.clear_ibuf [dreg:s6], $0x2FFFF;
	_ =	strace $0x9FFFFFFF  }
0xc1: {  	(tm) =	ssettm $0x7FFFFFFF  }
tec
execute0_lowered:
.L_overlay_start_1:
0x0: {  	(tag) =	ssettag $0x1  }
0x1: {  	s0 =	srdreg.scid  }
0x2: {  	s6 =	sand.u32 $0x1, s0  }
0x3: {  	s1 =	stileid.u32;
	s0 =	sshll.u32 s6, $0x4  }
0x4: {  	s14 =	sor.u32 s1, s0  }
0x5: {  	s1 =	smul.u32 $0x2B, s14;
	_ =	sdelay $0x1  }
0x6: {  	s2 =	sshrl.u32 s1, $0x8  }
0x7: {  	s1 =	smul.u32 $0x6, s2  }
0x8: {  	s8 =	rddreg [dreg:$0x0];
	s6 =	ssub.s32 $0x2, s6  }
0x9: {  	s7 =	simm.s32 $0xC350;
	s11 =	sshrl.u32 s6, $0x1;
	s1 =	ssub.s32 s14, s1  }
0xa: {  	s5 =	sadd.s32 $0xA00, s8;
	s12 =	ssub.s32 s6, s11;
	s4 =	sand.u32 $0xFF, s1  }
0xb: {  	[smem:$0x7FD] =	sst s12;
	s3 =	smul.u32 $0x186A, s4;
	p0 =	sgt.u32 s4, $0x2  }
0xc: {  	s17 =	smul.u32 $0x2710, s2;
	s1 =	simm.s32 $0x0;
	s7 =	simm.s32 @!p0 $0x0  }
0xd: {  	[smem:$0x7FF] =	sst s1;
	s9 =	sadd.s32 s3, s8;
	s12 =	sadd.s32 $0x493E0, s7  }
0xe: {  	[smem:$0x7FB] =	sst s9;
	s9 =	sshll.u32 s14, $0x1;
	s11 =	sadd.s32 s17, s12  }
0xf: {  	s10 =	sadd.s32 s9, s8;
	s8 =	sadd.s32 $0x186A0, s7;
	s22 =	sshrl.u32 s11, $0x3  }
0x10: {  	[smem:$0x7FC] =	sst s10;
	s10 =	sadd.s32 s17, s7;
	s15 =	sadd.s32 s17, s8  }
0x11: {  	s24 =	sadd.s32 s5, s22;
	s22 =	sadd.s32 $0xDBBA0, s7;
	s13 =	sshrl.u32 s10, $0x3  }
0x12: {  	s18 =	sshrl.u32 s15, $0x3;
	s10 =	sadd.s32 $0x30D40, s7;
	[dreg:$0x5] =	wrdreg s24  }
0x13: {  	s15 =	sadd.s32 $0x7D0, s17;
	s16 =	sadd.s32 s5, s13;
	s19 =	sadd.s32 s5, s18  }
0x14: {  	s20 =	sadd.s32 s17, s10;
	s13 =	sadd.s32 $0x61A80, s7;
	[dreg:$0x2] =	wrdreg s16  }
0x15: {  	s24 =	sadd.s32 s15, s8;
	[dreg:$0x3] =	wrdreg s19;
	s9 =	sshrl.u32 s20, $0x3  }
0x16: {  	s23 =	sadd.s32 s17, s13;
	s19 =	sadd.s32 $0x7A120, s7;
	s20 =	sadd.s32 $0x927C0, s7  }
0x17: {  	s28 =	sadd.s32 s15, s13;
	s21 =	sadd.s32 s5, s9;
	s25 =	sshrl.u32 s23, $0x3  }
0x18: {  	s0 =	sadd.s32 s17, s19;
	s2 =	sadd.s32 s17, s20;
	s23 =	sadd.s32 s7, s15  }
0x19: {  	s29 =	sadd.s32 s15, s19;
	s30 =	sadd.s32 s15, s20;
	[dreg:$0x4] =	wrdreg s21  }
0x1a: {  	s26 =	sadd.s32 s5, s25;
	s9 =	sshrl.u32 s0, $0x3;
	s21 =	sadd.s32 $0xAAE60, s7  }
0x1b: {  	s4 =	sshrl.u32 s2, $0x3;
	s25 =	sadd.s32 s15, s10;
	s0 =	sadd.s32 $0x1770, s17  }
0x1c: {  	[dreg:$0x6] =	wrdreg s26;
	s3 =	sadd.s32 s5, s9;
	s6 =	sadd.s32 s17, s21  }
0x1d: {  	s9 =	sadd.s32 s5, s4;
	s26 =	sadd.s32 s15, s12;
	[dreg:$0x7] =	wrdreg s3  }
0x1e: {  	s31 =	sadd.s32 s15, s21;
	[dreg:$0x8] =	wrdreg s9;
	s11 =	sshrl.u32 s6, $0x3  }
0x1f: {  	s6 =	sadd.s32 s15, s22;
	s9 =	sadd.s32 $0xFA0, s17;
	s16 =	sadd.s32 s5, s11  }
0x20: {  	s3 =	sadd.s32 s7, s9;
	s4 =	sadd.s32 s9, s8;
	s11 =	sadd.s32 s9, s10  }
0x21: {  	s15 =	sadd.s32 s9, s13;
	s18 =	sadd.s32 s9, s19;
	[dreg:$0x9] =	wrdreg s16  }
0x22: {  	s2 =	sadd.s32 s9, s20;
	s16 =	sadd.s32 s9, s12;
	[smem:$0x7E2] =	sst s18  }
0x23: {  	[smem:$0x7E3] =	sst s2;
	s18 =	sadd.s32 s9, s21;
	s9 =	sadd.s32 s9, s22  }
0x24: {  	[smem:$0x7E4] =	sst s9;
	s9 =	sadd.s32 s7, s0  }
0x25: {  	[smem:$0x7E5] =	sst s9;
	s9 =	sadd.s32 s0, s8  }
0x26: {  	[smem:$0x7E6] =	sst s9;
	s9 =	sadd.s32 s0, s10  }
0x27: {  	[smem:$0x7E7] =	sst s9;
	s9 =	sadd.s32 s0, s12  }
0x28: {  	[smem:$0x7E8] =	sst s9;
	s9 =	sadd.s32 s0, s13  }
0x29: {  	s24 =	sshrl.u32 s24, $0x3;
	[smem:$0x7E9] =	sst s9;
	s9 =	sadd.s32 s0, s19  }
0x2a: {  	s23 =	sshrl.u32 s23, $0x3;
	[smem:$0x7EC] =	sst s9;
	s9 =	sadd.s32 s0, s20  }
0x2b: {  	s2 =	sadd.s32 $0x1F40, s17;
	[smem:$0x7ED] =	sst s9;
	s9 =	sadd.s32 s0, s21  }
0x2c: {  	s7 =	sadd.s32 s7, s2;
	s0 =	sadd.s32 s0, s22;
	[smem:$0x7EE] =	sst s9  }
0x2d: {  	s8 =	sadd.s32 s2, s8;
	[smem:$0x7F2] =	sst s0;
	s9 =	sadd.s32 s2, s22  }
0x2e: {  	s10 =	sadd.s32 s2, s10;
	s22 =	sadd.s32 s17, s22;
	[smem:$0x7FA] =	sst s9  }
0x2f: {  	s0 =	sshrl.u32 s22, $0x3;
	s9 =	sadd.s32 s5, s23;
	s22 =	sld [smem:$0x7E2]  }
0x30: {  	s23 =	sadd.s32 s5, s24;
	s24 =	sshrl.u32 s25, $0x3;
	[dreg:$0xb] =	wrdreg s9  }
0x31: {  	s25 =	sshrl.u32 s26, $0x3;
	s0 =	sadd.s32 s5, s0;
	[dreg:$0xc] =	wrdreg s23  }
0x32: {  	s26 =	sshrl.u32 s28, $0x3;
	s9 =	sadd.s32 s5, s25;
	[dreg:$0xa] =	wrdreg s0  }
0x33: {  	s12 =	sadd.s32 s2, s12;
	s23 =	sadd.s32 s5, s26;
	[dreg:$0xe] =	wrdreg s9  }
0x34: {  	s25 =	sshrl.u32 s30, $0x3;
	s0 =	sadd.s32 s5, s24;
	[dreg:$0xf] =	wrdreg s23  }
0x35: {  	s9 =	sadd.s32 s5, s25;
	s25 =	sshrl.u32 s3, $0x3;
	s3 =	sld [smem:$0x7E5]  }
0x36: {  	s13 =	sadd.s32 s2, s13;
	s26 =	sshrl.u32 s31, $0x3;
	[dreg:$0xd] =	wrdreg s0  }
0x37: {  	s19 =	sadd.s32 s2, s19;
	s23 =	sadd.s32 s5, s26;
	[dreg:$0x11] =	wrdreg s9  }
0x38: {  	s20 =	sadd.s32 s2, s20;
	s24 =	sshrl.u32 s29, $0x3;
	[dreg:$0x12] =	wrdreg s23  }
0x39: {  	s21 =	sadd.s32 s2, s21;
	s0 =	sadd.s32 s5, s24;
	s23 =	sld [smem:$0x7E3]  }
0x3a: {  	s26 =	sshrl.u32 s4, $0x3;
	s2 =	sadd.s32 s5, s25;
	[dreg:$0x10] =	wrdreg s0  }
0x3b: {  	s4 =	sadd.s32 s5, s26;
	[dreg:$0x14] =	wrdreg s2  }
0x3c: {  	s24 =	sshrl.u32 s6, $0x3;
	s6 =	sshrl.u32 s11, $0x3;
	[dreg:$0x15] =	wrdreg s4  }
0x3d: {  	s9 =	sshrl.u32 s16, $0x3;
	s11 =	sshrl.u32 s15, $0x3;
	s4 =	sld [smem:$0x7E6]  }
0x3e: {  	s0 =	sadd.s32 s5, s24;
	s16 =	sadd.s32 s5, s11;
	s11 =	sld [smem:$0x7E7]  }
0x3f: {  	s15 =	sadd.s32 s5, s9;
	[dreg:$0x13] =	wrdreg s0  }
0x40: {  	[dreg:$0x17] =	wrdreg s15  }
0x41: {  	[dreg:$0x18] =	wrdreg s16  }
0x42: {  	s15 =	sld [smem:$0x7E8]  }
0x43: {  	s24 =	sshrl.u32 s18, $0x3;
	s16 =	sld [smem:$0x7E9]  }
0x44: {  	s0 =	sadd.s32 s5, s6;
	s26 =	sadd.s32 s5, s24;
	s24 =	sld [smem:$0x7ED]  }
0x45: {  	[dreg:$0x16] =	wrdreg s0  }
0x46: {  	[dreg:$0x1b] =	wrdreg s26  }
0x47: {  	s0 =	sshrl.u32 s22, $0x3;
	s2 =	sshrl.u32 s23, $0x3;
	s23 =	sld [smem:$0x7EC]  }
0x48: {  	s0 =	sadd.s32 s5, s0;
	s25 =	sadd.s32 s5, s2;
	s2 =	sld [smem:$0x7E4]  }
0x49: {  	p0 =	sgt.u32 s14, $0x1D;
	s28 =	simm.s32 $0xC380;
	[dreg:$0x19] =	wrdreg s0  }
0x4a: {  	s30 =	simm.s32 $0xD320;
	s31 =	simm.s32 $0xDAF0;
	[dreg:$0x1a] =	wrdreg s25  }
0x4b: {  	s29 =	simm.s32 $0xCB50;
	s25 =	sld [smem:$0x7EE];
	s0 =	sshrl.u32 s2, $0x3  }
0x4c: {  	s2 =	sshrl.u32 s3, $0x3;
	s3 =	sshrl.u32 s4, $0x3;
	s4 =	sshrl.u32 s7, $0x3  }
0x4d: {  	s0 =	sadd.s32 s5, s0;
	s6 =	sadd.s32 s5, s2;
	s9 =	sadd.s32 s5, s3  }
0x4e: {  	s3 =	sshrl.u32 s16, $0x3;
	s16 =	sshrl.u32 s20, $0x3;
	s20 =	sld [smem:$0x7FA]  }
0x4f: {  	s2 =	sshrl.u32 s15, $0x3;
	s7 =	sadd.s32 s5, s4;
	[dreg:$0x1c] =	wrdreg s0  }
0x50: {  	s15 =	sshrl.u32 s19, $0x3;
	s19 =	sshrl.u32 s21, $0x3;
	[dreg:$0x1d] =	wrdreg s6  }
0x51: {  	s4 =	simm.s32 $0xF260;
	[dreg:$0x1e] =	wrdreg s9;
	s0 =	sshrl.u32 s11, $0x3  }
0x52: {  	s18 =	sadd.s32 s5, s2;
	s22 =	sadd.s32 s5, s3;
	[smem:$0x7F4] =	sst s7  }
0x53: {  	s2 =	sshrl.u32 s24, $0x3;
	s3 =	sshrl.u32 s25, $0x3;
	[smem:$0x7EA] =	sst s18  }
0x54: {  	s6 =	sshrl.u32 s8, $0x3;
	s0 =	sadd.s32 s5, s0;
	[smem:$0x7EB] =	sst s22  }
0x55: {  	s26 =	sadd.s32 s5, s2;
	s2 =	sadd.s32 s5, s3;
	s3 =	sld [smem:$0x7F2]  }
0x56: {  	s9 =	sshrl.u32 s10, $0x3;
	s10 =	sshrl.u32 s12, $0x3;
	[dreg:$0x1f] =	wrdreg s0  }
0x57: {  	s11 =	sshrl.u32 s13, $0x3;
	s16 =	sadd.s32 s5, s16;
	[smem:$0x7F0] =	sst s26  }
0x58: {  	s7 =	simm.s32 $0x1;
	s8 =	sadd.s32 s5, s6;
	[smem:$0x7F1] =	sst s2  }
0x59: {  	s12 =	sadd.s32 s5, s10;
	s0 =	sshrl.u32 s23, $0x3;
	[smem:$0x7F5] =	sst s8  }
0x5a: {  	s13 =	sadd.s32 s5, s11;
	[smem:$0x7F7] =	sst s12;
	s0 =	sadd.s32 s5, s0  }
0x5b: {  	s18 =	smulhi.u32 $0x2AAAAAAB, s14;
	[smem:$0x7EF] =	sst s0;
	s0 =	sshrl.u32 s3, $0x3  }
0x5c: {  	s6 =	simm.s32 $0x10200;
	[smem:$0x7F8] =	sst s13;
	s0 =	sadd.s32 s5, s0  }
0x5d: {  	s10 =	simm.s32 $0x0;
	[smem:$0x7F3] =	sst s0;
	s0 =	sadd.s32 s5, s9  }
0x5e: {  	s3 =	smul.u32 $0x9C40, s18;
	[smem:$0x7F6] =	sst s0;
	s0 =	sadd.s32 s5, s15  }
0x5f: {  	s2 =	sadd.s32 s5, s19;
	s12 =	simm.s32 $0x2;
	[smem:$0x7F9] =	sst s0  }
0x60: {  	s13 =	simm.s32 $0x3;
	s22 =	sshrl.u32 s3, $0x2;
	_ =	strace $0x80000047  }
0x61: {  	s3 =	simm.s32 $0xEA90;
	s9 =	simm.s32 $0x15080;
	s21 =	sld [smem:$0x7FB]  }
.Ltmp0:
0x62: {  	s11 =	sadd.s32 $0x10, s22;
	s25 =	sld [smem:$0x7FC];
	(pc) =	sbr.rel .LBB2_1-.Ltmp0, $4  }
0x63: {  	s23 =	sadd.s32 $0x7E0, s22;
	s0 =	sshrl.u32 s20, $0x3;
	s26 =	sld [smem:$0x7FD]  }
0x64: {  	s24 =	sadd.s32 $0xFB0, s22;
	s18 =	sadd.s32 s5, s0;
	s0 =	simm.s32 $0xE2C0  }
0x65: {  	s5 =	simm.s32 $0xFA30;
	s19 =	sadd.s32 $0x1F400, s21;
	s20 =	sadd.s32 $0x28800, s25  }
0x66: {  	v0 =	vimm.f32 $0.0e+00;
	s21 =	smax.u32 s26, $0x1;
	s25 =	sadd.s32 $0x1780, s22;
	s26 =	sadd.s32 $0x1F50, s22  }
.LBB2_12:
0x67: {  	v11 =	vld [tilespmem:$0xCB40];
	_ =	sdelay $0x1  }
0x68: {  	v12 =	vld [tilespmem:$0xD310];
	_ =	sdelay $0x1  }
0x69: {  	v13 =	vld [tilespmem:$0xDAE0]  }
0x6a: {  	v14 =	vld [tilespmem:$0xE2B0]  }
0x6b: {  	v15 =	vld [tilespmem:$0x109C0]  }
0x6c: {  	v16 =	vld [tilespmem:$0xEA80]  }
0x6d: {  	v11 =	vld.idx.msk [tilespmem:v11+s1+$0x0], $0xffff  }
0x6e: {  	v17 =	vld [tilespmem:$0xF250]  }
0x6f: {  	v12 =	vld.idx.msk [tilespmem:v12+s1+$0x0], $0xffff  }
0x70: {  	v18 =	vld [tilespmem:$0xFA20]  }
0x71: {  	v13 =	vld.idx.msk [tilespmem:v13+s1+$0x0], $0xffff  }
0x72: {  	v19 =	vld [tilespmem:$0x101F0];
	v11 =	vadd.f32 $0.0e+00, v11  }
0x73: {  	v14 =	vld.idx.msk [tilespmem:v14+s1+$0x0], $0xffff  }
0x74: {  	v11 =	vadd.f32 v12, v11  }
0x75: {  	v53 =	vld.idx.msk [tilespmem:v16+s1+$0x0], $0xffff  }
0x76: {  	v54 =	vcvt.s32.f32 v15;
	v11 =	vadd.f32 v13, v11  }
0x77: {  	v55 =	vld.idx.msk [tilespmem:v17+s1+$0x0], $0xffff  }
0x78: {  	(erf) = vrcp.f32 v54;
	v11 =	vadd.f32 v14, v11  }
0x79: {  	v3 =	vadd.f32 v3, v10;
	v56 =	vld.idx.msk [tilespmem:v18+s1+$0x0], $0xffff  }
0x7a: {  	v5 =	vadd.f32 v5, v9;
	v57 =	vadd.f32 v53, v11  }
0x7b: {  	v3 =	vadd.f32 v4, v3;
	v58 =	vld.idx.msk [tilespmem:v19+s1+$0x0], $0xffff  }
0x7c: {  	v5 =	vadd.f32 v6, v5;
	v59 =	vadd.f32 v55, v57  }
0x7d: {  	v60 =	vpop (erf)  }
0x7e: {  	v3 =	vmul.f32 v3, v60;
	v5 =	vadd.f32 v8, v5;
	v6 =	vadd.f32 v56, v59  }
0x7f: {  	v62 =	vld [tilespmem:s17+$0x2700];
	v61 =	vpop (erf)  }
0x80: {  	v3 =	vsub.f32 v7, v3;
	v5 =	vmul.f32 v5, v61;
	v4 =	vadd.f32 v58, v6  }
0x81: {  	v63 =	vpop (erf)  }
0x82: {  	v3 =	vmul.f32 v3, v3;
	v2 =	vsub.f32 v2, v5;
	v4 =	vmul.f32 v4, v63;
	_ =	sdelay $0x1  }
0x83: {  	v1 =	vadd.f32 v3, v1;
	v2 =	vmul.f32 v2, v2;
	v3 =	vsub.f32 v62, v4;
	_ =	sdelay $0x1  }
0x84: {  	v1 =	vadd.f32 v2, v1;
	v2 =	vmul.f32 v3, v3;
	_ =	sdelay $0x1  }
0x85: {  	v1 =	vadd.f32 v2, v1;
	_ =	sdelay $0x1  }
0x86: {  	[tilespmem:$0x15080] =	vst v1  }
.LBB2_13:
0x87: {  	s10 =	sadd.s32 $0x1, s10  }
0x88: {  	p1 =	sne.s32 s10, s21  }
.Ltmp1:
0x89: {  	_ = 	snop;
	(pc) =	sbr.rel @!p1 .LBB2_14-.Ltmp1, $4  }
0x8a: {  	[hbm4b:s20+s1] =	stream.linear.scatter [tilespmem:s9], [sflag:$0x3], $0x10, $0x38;
	[tilespmem:$0x15100] =	vst v63  }
0x8b: {  	_ =	swait.ge [sflag:s13], $0x10  }
0x8c: {  	[sflag:s13] =	ssyncset.done $0x0  }
0x8d: {  	[sflag:s13] =	ssyncadd.s32 $0xFFFFFFF0  }
.LBB2_1:
.Ltmp2:
0x8e: {  	(pc) =	sbr.rel @p0 .LBB2_13-.Ltmp2, $2  }
0x8f: {  	_ =	sdelay $0x2  }
0x90: {  	[tilespmem:$0x15080] =	vst v0  }
0x91: {  	[tilespmem:s1], [sflag:$0x1] =	stream.linear.gather [hbm4b:s19+s1], $0xC350, $0x38;
	[tilespmem:$0x15100] =	vst v63  }
0x92: {  	s8 =	rddreg [dreg:$0x2]  }
0x93: {  	[tilespmem:s28], [sflag:$0x2] =	stream.linear.gather [hbm4b:s8+s1], $0x7D0, $0x38;
	[tilespmem:$0x15100] =	vst v63  }
0x94: {  	s14 =	rddreg [dreg:$0x3]  }
0x95: {  	[tilespmem:s29], [sflag:$0x2] =	stream.linear.gather [hbm4b:s14+s1], $0x7D0, $0x38;
	[tilespmem:$0x15100] =	vst v63  }
0x96: {  	s15 =	rddreg [dreg:$0x4]  }
0x97: {  	[tilespmem:s30], [sflag:$0x2] =	stream.linear.gather [hbm4b:s15+s1], $0x7D0, $0x38;
	[tilespmem:$0x15100] =	vst v63  }
0x98: {  	s22 =	rddreg [dreg:$0x5]  }
0x99: {  	[tilespmem:s31], [sflag:$0x2] =	stream.linear.gather [hbm4b:s22+s1], $0x7D0, $0x38;
	[tilespmem:$0x15100] =	vst v63  }
0x9a: {  	s14 =	rddreg [dreg:$0x6]  }
0x9b: {  	[tilespmem:s0], [sflag:$0x2] =	stream.linear.gather [hbm4b:s14+s1], $0x7D0, $0x38;
	[tilespmem:$0x15100] =	vst v63  }
0x9c: {  	s15 =	rddreg [dreg:$0x7]  }
0x9d: {  	[tilespmem:s3], [sflag:$0x2] =	stream.linear.gather [hbm4b:s15+s1], $0x7D0, $0x38;
	[tilespmem:$0x15100] =	vst v63  }
0x9e: {  	s22 =	rddreg [dreg:$0x8]  }
0x9f: {  	[tilespmem:s4], [sflag:$0x2] =	stream.linear.gather [hbm4b:s22+s1], $0x7D0, $0x38;
	[tilespmem:$0x15100] =	vst v63  }
0xa0: {  	s14 =	rddreg [dreg:$0x9]  }
0xa1: {  	[tilespmem:s5], [sflag:$0x2] =	stream.linear.gather [hbm4b:s14+s1], $0x7D0, $0x38;
	[tilespmem:$0x15100] =	vst v63  }
0xa2: {  	s15 =	rddreg [dreg:$0xa]  }
0xa3: {  	[tilespmem:s6], [sflag:$0x2] =	stream.linear.gather [hbm4b:s15+s1], $0x7D0, $0x38;
	[tilespmem:$0x15100] =	vst v63  }
0xa4: {  	_ =	swait.ge [sflag:s7], $0xC350  }
0xa5: {  	[sflag:s7] =	ssyncset.done $0x0  }
0xa6: {  	s14 =	simm.s32 $0x10A00;
	s22 =	rddreg [dreg:$0xb];
	[sflag:s7] =	ssyncadd.s32 $0xFFFF3CB0  }
0xa7: {  	[tilespmem:s14], [sflag:$0x2] =	stream.linear.gather [hbm4b:s22+s1], $0x7D0, $0x38;
	[tilespmem:$0x15100] =	vst v63  }
0xa8: {  	s15 =	rddreg [dreg:$0xc];
	s22 =	simm.s32 $0x111D0  }
0xa9: {  	[tilespmem:s22], [sflag:$0x2] =	stream.linear.gather [hbm4b:s15+s1], $0x7D0, $0x38;
	[tilespmem:$0x15100] =	vst v63  }
0xaa: {  	s15 =	rddreg [dreg:$0xd];
	s22 =	simm.s32 $0x119A0  }
0xab: {  	[tilespmem:s22], [sflag:$0x2] =	stream.linear.gather [hbm4b:s15+s1], $0x7D0, $0x38;
	[tilespmem:$0x15100] =	vst v63  }
0xac: {  	s15 =	rddreg [dreg:$0xe];
	s22 =	simm.s32 $0x12170  }
0xad: {  	[tilespmem:s22], [sflag:$0x2] =	stream.linear.gather [hbm4b:s15+s1], $0x7D0, $0x38;
	[tilespmem:$0x15100] =	vst v63  }
0xae: {  	s15 =	rddreg [dreg:$0xf];
	s22 =	simm.s32 $0x12940  }
0xaf: {  	[tilespmem:s22], [sflag:$0x2] =	stream.linear.gather [hbm4b:s15+s1], $0x7D0, $0x38;
	[tilespmem:$0x15100] =	vst v63  }
0xb0: {  	s15 =	rddreg [dreg:$0x10];
	s22 =	simm.s32 $0x13110  }
0xb1: {  	[tilespmem:s22], [sflag:$0x2] =	stream.linear.gather [hbm4b:s15+s1], $0x7D0, $0x38;
	[tilespmem:$0x15100] =	vst v63  }
0xb2: {  	s15 =	rddreg [dreg:$0x11];
	s22 =	simm.s32 $0x138E0  }
0xb3: {  	[tilespmem:s22], [sflag:$0x2] =	stream.linear.gather [hbm4b:s15+s1], $0x7D0, $0x38;
	[tilespmem:$0x15100] =	vst v63  }
0xb4: {  	s15 =	rddreg [dreg:$0x12];
	s22 =	simm.s32 $0x140B0  }
0xb5: {  	[tilespmem:s22], [sflag:$0x2] =	stream.linear.gather [hbm4b:s15+s1], $0x7D0, $0x38;
	[tilespmem:$0x15100] =	vst v63  }
0xb6: {  	s15 =	rddreg [dreg:$0x13];
	s22 =	simm.s32 $0x14880  }
0xb7: {  	[tilespmem:s22], [sflag:$0x2] =	stream.linear.gather [hbm4b:s15+s1], $0x7D0, $0x38;
	[tilespmem:$0x15100] =	vst v63  }
0xb8: {  	_ =	swait.ge [sflag:s12], $0x7D0  }
0xb9: {  	[sflag:s12] =	ssyncset.done $0x0  }
0xba: {  	[sflag:s12] =	ssyncadd.s32 $0xFFFFF830  }
0xbb: {  	_ =	swait.ge [sflag:s12], $0x7D0  }
0xbc: {  	[sflag:s12] =	ssyncset.done $0x0  }
0xbd: {  	[sflag:s12] =	ssyncadd.s32 $0xFFFFF830  }
0xbe: {  	_ =	swait.ge [sflag:s12], $0x7D0  }
0xbf: {  	[sflag:s12] =	ssyncset.done $0x0  }
0xc0: {  	[sflag:s12] =	ssyncadd.s32 $0xFFFFF830  }
0xc1: {  	_ =	swait.ge [sflag:s12], $0x7D0  }
0xc2: {  	[sflag:s12] =	ssyncset.done $0x0  }
0xc3: {  	[sflag:s12] =	ssyncadd.s32 $0xFFFFF830  }
0xc4: {  	_ =	swait.ge [sflag:s12], $0x7D0  }
0xc5: {  	[sflag:s12] =	ssyncset.done $0x0  }
0xc6: {  	[sflag:s12] =	ssyncadd.s32 $0xFFFFF830  }
0xc7: {  	_ =	swait.ge [sflag:s12], $0x7D0  }
0xc8: {  	[sflag:s12] =	ssyncset.done $0x0  }
0xc9: {  	[sflag:s12] =	ssyncadd.s32 $0xFFFFF830  }
0xca: {  	_ =	swait.ge [sflag:s12], $0x7D0  }
0xcb: {  	[sflag:s12] =	ssyncset.done $0x0  }
0xcc: {  	[sflag:s12] =	ssyncadd.s32 $0xFFFFF830  }
0xcd: {  	_ =	swait.ge [sflag:s12], $0x7D0  }
0xce: {  	[sflag:s12] =	ssyncset.done $0x0  }
0xcf: {  	[sflag:s12] =	ssyncadd.s32 $0xFFFFF830  }
0xd0: {  	_ =	swait.ge [sflag:s12], $0x7D0  }
0xd1: {  	[sflag:s12] =	ssyncset.done $0x0  }
0xd2: {  	s15 =	simm.s32 $0xE2D0;
	[sflag:s12] =	ssyncadd.s32 $0xFFFFF830  }
0xd3: {  	v5 =	vld [tilespmem:s15+$0x1770]  }
0xd4: {  	v1 =	vld [tilespmem:s15+$0x1F40]  }
0xd5: {  	v2 =	vld [tilespmem:s15+$0x1760]  }
0xd6: {  	v3 =	vld [tilespmem:s15+$0xF90]  }
0xd7: {  	v4 =	vld [tilespmem:s15+$0x7D0]  }
0xd8: {  	v6 =	vld [tilespmem:s15+$0x7C0]  }
0xd9: {  	v8 =	vld [tilespmem:s15+$0x0]  }
0xda: {  	v9 =	vld [tilespmem:s15+$0xFFFFFFF0]  }
0xdb: {  	v10 =	vld [tilespmem:s15+$0xFFFFF820]  }
0xdc: {  	v11 =	vld [tilespmem:s15+$0xFFFFE0B0]  }
0xdd: {  	v12 =	vld [tilespmem:s15+$0xFFFFE880]  }
0xde: {  	v13 =	vld [tilespmem:s15+$0xFFFFE0C0]  }
0xdf: {  	v14 =	vld [tilespmem:s15+$0xFFFFF050]  }
0xe0: {  	s14 =	simm.s32 $0x0;
	v15 =	vld [tilespmem:s15+$0xFFFFE890]  }
0xe1: {  	s22 =	sand.u32 $0x7E0, s14;
	v16 =	vld [tilespmem:s15+$0xFFFFF060]  }
0xe2: {  	v17 =	vld [tilespmem:s22+$0x10200]  }
0xe3: {  	v18 =	vld [tilespmem:s22+$0xDB00]  }
0xe4: {  	v11 =	vld.idx.msk [tilespmem:v11+s1+$0x0], $0xffff  }
0xe5: {  	v12 =	vld.idx.msk [tilespmem:v12+s1+$0x0], $0xffff  }
0xe6: {  	v13 =	vld.idx.msk [tilespmem:v13+s1+$0x0], $0xffff  }
0xe7: {  	v14 =	vld.idx.msk [tilespmem:v14+s1+$0x0], $0xffff  }
0xe8: {  	v15 =	vld.idx.msk [tilespmem:v15+s1+$0x0], $0xffff  }
0xe9: {  	v10 =	vld.idx.msk [tilespmem:v10+s1+$0x0], $0xffff;
	v11 =	vadd.f32 $0.0e+00, v11  }
0xea: {  	v16 =	vld.idx.msk [tilespmem:v16+s1+$0x0], $0xffff  }
0xeb: {  	v7 =	vld [tilespmem:s15+$0xFA0];
	v60 =	vadd.f32 $0.0e+00, v13;
	v11 =	vadd.f32 v12, v11  }
0xec: {  	v18 =	vld.idx.msk [tilespmem:v18+s1+$0x0], $0xffff  }
0xed: {  	v19 =	vld.idx.msk [tilespmem:v8+s1+$0x0], $0xffff;
	v8 =	vadd.f32 v14, v11;
	v11 =	vadd.f32 v15, v60  }
0xee: {  	v9 =	vld.idx.msk [tilespmem:v9+s1+$0x0], $0xffff  }
0xef: {  	v61 =	vld.idx.msk [tilespmem:v6+s1+$0x0], $0xffff;
	v8 =	vadd.f32 v10, v8;
	v10 =	vadd.f32 v16, v11;
	v11 =	vcvt.s32.f32 v17  }
0xf0: {  	v3 =	vld.idx.msk [tilespmem:v3+s1+$0x0], $0xffff  }
0xf1: {  	v62 =	vcvt.s32.f32 v1;
	v6 =	vld.idx.msk [tilespmem:v4+s1+$0x0], $0xffff;
	(erf) = vrcp.f32 v11  }
0xf2: {  	v4 =	vld.idx.msk [tilespmem:v2+s1+$0x0], $0xffff  }
0xf3: {  	v7 =	vld.idx.msk [tilespmem:v7+s1+$0x0], $0xffff;
	v9 =	vadd.f32 v9, v8;
	v63 =	vadd.f32 v18, v10;
	(erf) = vrcp.f32 v62  }
0xf4: {  	v2 =	vld [tilespmem:s11+$0x0]  }
0xf5: {  	v8 =	vld.idx.msk [tilespmem:v5+s1+$0x0], $0xffff;
	v10 =	vadd.f32 v61, v9;
	v9 =	vadd.f32 v19, v63  }
0xf6: {  	s8 =	simm.s32 $0xE2F0;
	s22 =	smov.u32 s11;
	v1 =	vimm.f32 $0.0e+00;
	v5 =	vld [tilespmem:s11+$0xFFFFFFF0]  }
.LBB2_3:
0xf7: {  	v11 =	vld [tilespmem:s8+$0x1770];
	v3 =	vadd.f32 v3, v10;
	v12 =	vadd.f32 v6, v9  }
0xf8: {  	v9 =	vld [tilespmem:s8+$0x1F40]  }
0xf9: {  	v10 =	vld [tilespmem:s8+$0x1760];
	v3 =	vadd.f32 v4, v3;
	v4 =	vadd.f32 v7, v12  }
0xfa: {  	v7 =	vld [tilespmem:s8+$0xFA0];
	v6 =	vpop (erf)  }
0xfb: {  	v12 =	vld [tilespmem:s8+$0xF90];
	v3 =	vmul.f32 v3, v6;
	v4 =	vadd.f32 v8, v4  }
0xfc: {  	v6 =	vld [tilespmem:s8+$0x7D0];
	v8 =	vpop (erf)  }
0xfd: {  	v13 =	vld [tilespmem:s8+$0x7C0];
	v3 =	vsub.f32 v5, v3;
	v4 =	vmul.f32 v4, v8  }
0xfe: {  	v5 =	vld [tilespmem:s8+$0x0]  }
0xff: {  	v8 =	vld [tilespmem:s8+$0xFFFFFFF0];
	v3 =	vmul.f32 v3, v3;
	v2 =	vsub.f32 v2, v4  }
0x100: {  	v4 =	vld [tilespmem:s8+$0xFFFFF820]  }
0x101: {  	v14 =	vld [tilespmem:s8+$0xFFFFE0B0];
	v1 =	vadd.f32 v3, v1;
	v2 =	vmul.f32 v2, v2  }
0x102: {  	v3 =	vld [tilespmem:s8+$0xFFFFE880]  }
0x103: {  	v15 =	vld [tilespmem:s8+$0xFFFFE0C0];
	v1 =	vadd.f32 v2, v1  }
0x104: {  	v2 =	vld [tilespmem:s8+$0xFFFFF050]  }
0x105: {  	s14 =	sadd.s32 $0x20, s14;
	v16 =	vld [tilespmem:s8+$0xFFFFE890]  }
0x106: {  	s15 =	sand.u32 $0x7E0, s14;
	p1 =	slt.u32 s14, $0x7A0;
	v17 =	vld [tilespmem:s8+$0xFFFFF060]  }
0x107: {  	v18 =	vld [tilespmem:s15+$0x10200]  }
0x108: {  	v19 =	vld [tilespmem:s15+$0xDB00]  }
0x109: {  	v14 =	vld.idx.msk [tilespmem:v14+s1+$0x0], $0xffff  }
0x10a: {  	v3 =	vld.idx.msk [tilespmem:v3+s1+$0x0], $0xffff  }
0x10b: {  	v15 =	vld.idx.msk [tilespmem:v15+s1+$0x0], $0xffff  }
0x10c: {  	v2 =	vld.idx.msk [tilespmem:v2+s1+$0x0], $0xffff  }
0x10d: {  	v16 =	vld.idx.msk [tilespmem:v16+s1+$0x0], $0xffff  }
0x10e: {  	v4 =	vld.idx.msk [tilespmem:v4+s1+$0x0], $0xffff  }
0x10f: {  	v14 =	vadd.f32 $0.0e+00, v14;
	v17 =	vld.idx.msk [tilespmem:v17+s1+$0x0], $0xffff  }
0x110: {  	v19 =	vld.idx.msk [tilespmem:v19+s1+$0x0], $0xffff  }
0x111: {  	v3 =	vadd.f32 v3, v14;
	v14 =	vadd.f32 $0.0e+00, v15;
	v8 =	vld.idx.msk [tilespmem:v8+s1+$0x0], $0xffff  }
0x112: {  	v13 =	vld.idx.msk [tilespmem:v13+s1+$0x0], $0xffff  }
0x113: {  	v15 =	vcvt.s32.f32 v18;
	v2 =	vadd.f32 v2, v3;
	v14 =	vadd.f32 v16, v14;
	v5 =	vld.idx.msk [tilespmem:v5+s1+$0x0], $0xffff  }
0x114: {  	v9 =	vcvt.s32.f32 v9;
	v3 =	vld.idx.msk [tilespmem:v12+s1+$0x0], $0xffff  }
0x115: {  	v2 =	vadd.f32 v4, v2;
	v12 =	vadd.f32 v17, v14;
	v6 =	vld.idx.msk [tilespmem:v6+s1+$0x0], $0xffff;
	(erf) = vrcp.f32 v15  }
.Ltmp3:
0x116: {  	v4 =	vld.idx.msk [tilespmem:v10+s1+$0x0], $0xffff;
	(pc) =	sbr.rel @p1 .LBB2_3-.Ltmp3, $4  }
0x117: {  	s22 =	sadd.s32 $0x20, s22;
	v8 =	vadd.f32 v8, v2;
	v12 =	vadd.f32 v19, v12;
	v7 =	vld.idx.msk [tilespmem:v7+s1+$0x0], $0xffff;
	(erf) = vrcp.f32 v9  }
0x118: {  	v2 =	vld [tilespmem:s22+$0x0]  }
0x119: {  	v10 =	vadd.f32 v13, v8;
	v9 =	vadd.f32 v5, v12;
	v8 =	vld.idx.msk [tilespmem:v11+s1+$0x0], $0xffff  }
0x11a: {  	s8 =	sadd.s32 $0x20, s8;
	v5 =	vld [tilespmem:s22+$0xFFFFFFF0]  }
0x11b: {  	v11 =	vld [tilespmem:$0x109C0]  }
0x11c: {  	v12 =	vld [tilespmem:$0xCB40]  }
0x11d: {  	v13 =	vld [tilespmem:$0xD310]  }
0x11e: {  	v14 =	vld [tilespmem:$0xDAE0]  }
0x11f: {  	v15 =	vld [tilespmem:$0xE2B0]  }
0x120: {  	v16 =	vld [tilespmem:$0xEA80]  }
0x121: {  	v17 =	vld [tilespmem:$0xF250]  }
0x122: {  	v18 =	vld [tilespmem:$0xFA20]  }
0x123: {  	v19 =	vld [tilespmem:$0x101F0]  }
0x124: {  	v20 =	vld [tilespmem:s17+$0x7C0]  }
0x125: {  	v12 =	vld.idx.msk [tilespmem:v12+s1+$0x0], $0xffff  }
0x126: {  	v13 =	vld.idx.msk [tilespmem:v13+s1+$0x0], $0xffff  }
0x127: {  	v14 =	vld.idx.msk [tilespmem:v14+s1+$0x0], $0xffff  }
0x128: {  	v15 =	vld.idx.msk [tilespmem:v15+s1+$0x0], $0xffff  }
0x129: {  	v16 =	vld.idx.msk [tilespmem:v16+s1+$0x0], $0xffff  }
0x12a: {  	v17 =	vld.idx.msk [tilespmem:v17+s1+$0x0], $0xffff  }
0x12b: {  	s8 =	rddreg [dreg:$0x14];
	v18 =	vld.idx.msk [tilespmem:v18+s1+$0x0], $0xffff  }
0x12c: {  	v19 =	vld.idx.msk [tilespmem:v19+s1+$0x0], $0xffff;
	[tilespmem:s28], [sflag:$0x2] =	stream.linear.gather [hbm4b:s8+s1], $0x7D0, $0x38  }
0x12d: {  	s14 =	rddreg [dreg:$0x15]  }
0x12e: {  	[tilespmem:s29], [sflag:$0x2] =	stream.linear.gather [hbm4b:s14+s1], $0x7D0, $0x38;
	[tilespmem:$0x15100] =	vst v63  }
0x12f: {  	s15 =	rddreg [dreg:$0x16]  }
0x130: {  	[tilespmem:s30], [sflag:$0x2] =	stream.linear.gather [hbm4b:s15+s1], $0x7D0, $0x38;
	[tilespmem:$0x15100] =	vst v63  }
0x131: {  	s22 =	rddreg [dreg:$0x17];
	v11 =	vcvt.s32.f32 v11  }
0x132: {  	[tilespmem:s31], [sflag:$0x2] =	stream.linear.gather [hbm4b:s22+s1], $0x7D0, $0x38;
	[tilespmem:$0x15100] =	vst v63  }
0x133: {  	(erf) = vrcp.f32 v11;
	s14 =	rddreg [dreg:$0x18]  }
0x134: {  	[tilespmem:s0], [sflag:$0x2] =	stream.linear.gather [hbm4b:s14+s1], $0x7D0, $0x38;
	[tilespmem:$0x15100] =	vst v63  }
0x135: {  	s15 =	rddreg [dreg:$0x19]  }
0x136: {  	[tilespmem:s3], [sflag:$0x2] =	stream.linear.gather [hbm4b:s15+s1], $0x7D0, $0x38;
	[tilespmem:$0x15100] =	vst v63  }
0x137: {  	s22 =	rddreg [dreg:$0x1a]  }
0x138: {  	[tilespmem:s4], [sflag:$0x2] =	stream.linear.gather [hbm4b:s22+s1], $0x7D0, $0x38;
	[tilespmem:$0x15100] =	vst v63  }
0x139: {  	s14 =	rddreg [dreg:$0x1b]  }
0x13a: {  	v11 =	vpop (erf);
	[tilespmem:s5], [sflag:$0x2] =	stream.linear.gather [hbm4b:s14+s1], $0x7D0, $0x38;
	[tilespmem:$0x15100] =	vst v63  }
0x13b: {  	v21 =	vpop (erf);
	s15 =	rddreg [dreg:$0x1c]  }
0x13c: {  	v22 =	vpop (erf);
	[tilespmem:s6], [sflag:$0x2] =	stream.linear.gather [hbm4b:s15+s1], $0x7D0, $0x38;
	[tilespmem:$0x15100] =	vst v63  }
0x13d: {  	_ =	swait.ge [sflag:s12], $0x7D0  }
0x13e: {  	[sflag:s12] =	ssyncset.done $0x0  }
0x13f: {  	[sflag:s12] =	ssyncadd.s32 $0xFFFFF830  }
0x140: {  	_ =	swait.ge [sflag:s12], $0x7D0  }
0x141: {  	[sflag:s12] =	ssyncset.done $0x0  }
0x142: {  	[sflag:s12] =	ssyncadd.s32 $0xFFFFF830  }
0x143: {  	_ =	swait.ge [sflag:s12], $0x7D0  }
0x144: {  	[sflag:s12] =	ssyncset.done $0x0  }
0x145: {  	[sflag:s12] =	ssyncadd.s32 $0xFFFFF830  }
0x146: {  	_ =	swait.ge [sflag:s12], $0x7D0  }
0x147: {  	[sflag:s12] =	ssyncset.done $0x0  }
0x148: {  	[sflag:s12] =	ssyncadd.s32 $0xFFFFF830  }
0x149: {  	_ =	swait.ge [sflag:s12], $0x7D0  }
0x14a: {  	[sflag:s12] =	ssyncset.done $0x0  }
0x14b: {  	[sflag:s12] =	ssyncadd.s32 $0xFFFFF830  }
0x14c: {  	_ =	swait.ge [sflag:s12], $0x7D0  }
0x14d: {  	[sflag:s12] =	ssyncset.done $0x0  }
0x14e: {  	[sflag:s12] =	ssyncadd.s32 $0xFFFFF830  }
0x14f: {  	_ =	swait.ge [sflag:s12], $0x7D0  }
0x150: {  	[sflag:s12] =	ssyncset.done $0x0  }
0x151: {  	[sflag:s12] =	ssyncadd.s32 $0xFFFFF830  }
0x152: {  	_ =	swait.ge [sflag:s12], $0x7D0  }
0x153: {  	[sflag:s12] =	ssyncset.done $0x0  }
0x154: {  	[sflag:s12] =	ssyncadd.s32 $0xFFFFF830  }
0x155: {  	_ =	swait.ge [sflag:s12], $0x7D0  }
0x156: {  	v12 =	vadd.f32 $0.0e+00, v12;
	[sflag:s12] =	ssyncset.done $0x0  }
0x157: {  	s22 =	simm.s32 $0x12950;
	[sflag:s12] =	ssyncadd.s32 $0xFFFFF830  }
0x158: {  	v12 =	vadd.f32 v13, v12;
	v23 =	vld [tilespmem:s22+$0x1770]  }
0x159: {  	v24 =	vld [tilespmem:s22+$0x1F40]  }
0x15a: {  	v12 =	vadd.f32 v14, v12;
	v25 =	vld [tilespmem:s22+$0x1760]  }
0x15b: {  	v26 =	vld [tilespmem:s22+$0xFA0]  }
0x15c: {  	v12 =	vadd.f32 v15, v12;
	v27 =	vld [tilespmem:s22+$0xF90]  }
0x15d: {  	v3 =	vadd.f32 v3, v10;
	v28 =	vld [tilespmem:s22+$0x7D0]  }
0x15e: {  	v6 =	vadd.f32 v6, v9;
	v9 =	vadd.f32 v16, v12;
	v29 =	vld [tilespmem:s22+$0x7C0]  }
0x15f: {  	v3 =	vadd.f32 v4, v3;
	v30 =	vld [tilespmem:s22+$0x0]  }
0x160: {  	v6 =	vadd.f32 v7, v6;
	v7 =	vadd.f32 v17, v9;
	v31 =	vld [tilespmem:s22+$0xFFFFFFF0]  }
0x161: {  	v32 =	vld [tilespmem:s22+$0xFFFFF820]  }
0x162: {  	v6 =	vadd.f32 v8, v6;
	v3 =	vmul.f32 v3, v11;
	v7 =	vadd.f32 v18, v7;
	v33 =	vld [tilespmem:s22+$0xFFFFE0B0]  }
0x163: {  	v34 =	vld [tilespmem:s22+$0xFFFFE880]  }
0x164: {  	v3 =	vsub.f32 v5, v3;
	v5 =	vmul.f32 v6, v21;
	v6 =	vadd.f32 v19, v7;
	v35 =	vld [tilespmem:s22+$0xFFFFE0C0]  }
0x165: {  	v36 =	vld [tilespmem:s22+$0xFFFFF050]  }
0x166: {  	v2 =	vsub.f32 v2, v5;
	s14 =	simm.s32 $0x0;
	v5 =	vmul.f32 v6, v22;
	v6 =	vmul.f32 v3, v3;
	v54 =	vld [tilespmem:s22+$0xFFFFE890]  }
0x167: {  	s15 =	sand.u32 $0x7E0, s14;
	v37 =	vld [tilespmem:s22+$0xFFFFF060]  }
0x168: {  	v2 =	vmul.f32 v2, v2;
	v1 =	vadd.f32 v6, v1;
	v55 =	vld [tilespmem:s15+$0x14880]  }
0x169: {  	v38 =	vld [tilespmem:s15+$0x12180]  }
0x16a: {  	v1 =	vadd.f32 v2, v1;
	v2 =	vld [tilespmem:s23+$0x0]  }
0x16b: {  	v56 =	vld.idx.msk [tilespmem:v33+s1+$0x0], $0xffff  }
0x16c: {  	v10 =	vld.idx.msk [tilespmem:v34+s1+$0x0], $0xffff  }
0x16d: {  	v57 =	vld.idx.msk [tilespmem:v35+s1+$0x0], $0xffff  }
0x16e: {  	v4 =	vld.idx.msk [tilespmem:v36+s1+$0x0], $0xffff  }
0x16f: {  	v9 =	vld.idx.msk [tilespmem:v54+s1+$0x0], $0xffff  }
0x170: {  	v58 =	vld.idx.msk [tilespmem:v32+s1+$0x0], $0xffff;
	v11 =	vadd.f32 $0.0e+00, v56  }
0x171: {  	v8 =	vld.idx.msk [tilespmem:v37+s1+$0x0], $0xffff  }
0x172: {  	v59 =	vld.idx.msk [tilespmem:v38+s1+$0x0], $0xffff;
	v7 =	vadd.f32 v10, v11;
	v10 =	vadd.f32 $0.0e+00, v57  }
0x173: {  	v60 =	vld.idx.msk [tilespmem:v31+s1+$0x0], $0xffff  }
0x174: {  	v61 =	vld.idx.msk [tilespmem:v30+s1+$0x0], $0xffff;
	v4 =	vadd.f32 v4, v7;
	v7 =	vadd.f32 v9, v10;
	v10 =	vcvt.s32.f32 v55  }
0x175: {  	v6 =	vsub.f32 v20, v5;
	v62 =	vcvt.s32.f32 v24;
	v11 =	vld.idx.msk [tilespmem:v29+s1+$0x0], $0xffff  }
0x176: {  	v3 =	vld.idx.msk [tilespmem:v27+s1+$0x0], $0xffff;
	v9 =	vadd.f32 v58, v4;
	v8 =	vadd.f32 v8, v7;
	(erf) = vrcp.f32 v10  }
0x177: {  	v6 =	vmul.f32 v6, v6;
	v5 =	vld.idx.msk [tilespmem:v28+s1+$0x0], $0xffff  }
0x178: {  	v4 =	vld.idx.msk [tilespmem:v25+s1+$0x0], $0xffff;
	(erf) = vrcp.f32 v62;
	v9 =	vadd.f32 v60, v9;
	v63 =	vadd.f32 v59, v8  }
0x179: {  	v1 =	vadd.f32 v6, v1;
	v7 =	vld.idx.msk [tilespmem:v26+s1+$0x0], $0xffff  }
0x17a: {  	v6 =	vld [tilespmem:s23+$0xFFFFFFF0];
	v10 =	vadd.f32 v11, v9;
	v9 =	vadd.f32 v61, v63  }
0x17b: {  	s8 =	simm.s32 $0x12970;
	s22 =	smov.u32 s23;
	v8 =	vld.idx.msk [tilespmem:v23+s1+$0x0], $0xffff  }
.LBB2_5:
0x17c: {  	v11 =	vld [tilespmem:s8+$0x1770];
	v3 =	vadd.f32 v3, v10;
	v12 =	vadd.f32 v5, v9  }
0x17d: {  	v9 =	vld [tilespmem:s8+$0x1F40]  }
0x17e: {  	v10 =	vld [tilespmem:s8+$0x1760];
	v3 =	vadd.f32 v4, v3;
	v4 =	vadd.f32 v7, v12  }
0x17f: {  	v7 =	vld [tilespmem:s8+$0xFA0];
	v5 =	vpop (erf)  }
0x180: {  	v12 =	vld [tilespmem:s8+$0xF90];
	v3 =	vmul.f32 v3, v5;
	v4 =	vadd.f32 v8, v4  }
0x181: {  	v5 =	vld [tilespmem:s8+$0x7D0];
	v8 =	vpop (erf)  }
0x182: {  	v13 =	vld [tilespmem:s8+$0x7C0];
	v3 =	vsub.f32 v6, v3;
	v4 =	vmul.f32 v4, v8  }
0x183: {  	v6 =	vld [tilespmem:s8+$0x0]  }
0x184: {  	v8 =	vld [tilespmem:s8+$0xFFFFFFF0];
	v3 =	vmul.f32 v3, v3;
	v2 =	vsub.f32 v2, v4  }
0x185: {  	v4 =	vld [tilespmem:s8+$0xFFFFF820]  }
0x186: {  	v14 =	vld [tilespmem:s8+$0xFFFFE0B0];
	v1 =	vadd.f32 v3, v1;
	v2 =	vmul.f32 v2, v2  }
0x187: {  	v3 =	vld [tilespmem:s8+$0xFFFFE880]  }
0x188: {  	v15 =	vld [tilespmem:s8+$0xFFFFE0C0];
	v1 =	vadd.f32 v2, v1  }
0x189: {  	v2 =	vld [tilespmem:s8+$0xFFFFF050]  }
0x18a: {  	s14 =	sadd.s32 $0x20, s14;
	v16 =	vld [tilespmem:s8+$0xFFFFE890]  }
0x18b: {  	s15 =	sand.u32 $0x7E0, s14;
	p1 =	slt.u32 s14, $0x7A0;
	v17 =	vld [tilespmem:s8+$0xFFFFF060]  }
0x18c: {  	v18 =	vld [tilespmem:s15+$0x14880]  }
0x18d: {  	v19 =	vld [tilespmem:s15+$0x12180]  }
0x18e: {  	v14 =	vld.idx.msk [tilespmem:v14+s1+$0x0], $0xffff  }
0x18f: {  	v3 =	vld.idx.msk [tilespmem:v3+s1+$0x0], $0xffff  }
0x190: {  	v15 =	vld.idx.msk [tilespmem:v15+s1+$0x0], $0xffff  }
0x191: {  	v2 =	vld.idx.msk [tilespmem:v2+s1+$0x0], $0xffff  }
0x192: {  	v16 =	vld.idx.msk [tilespmem:v16+s1+$0x0], $0xffff  }
0x193: {  	v4 =	vld.idx.msk [tilespmem:v4+s1+$0x0], $0xffff  }
0x194: {  	v14 =	vadd.f32 $0.0e+00, v14;
	v17 =	vld.idx.msk [tilespmem:v17+s1+$0x0], $0xffff  }
0x195: {  	v19 =	vld.idx.msk [tilespmem:v19+s1+$0x0], $0xffff  }
0x196: {  	v3 =	vadd.f32 v3, v14;
	v14 =	vadd.f32 $0.0e+00, v15;
	v8 =	vld.idx.msk [tilespmem:v8+s1+$0x0], $0xffff  }
0x197: {  	v13 =	vld.idx.msk [tilespmem:v13+s1+$0x0], $0xffff  }
0x198: {  	v15 =	vcvt.s32.f32 v18;
	v2 =	vadd.f32 v2, v3;
	v14 =	vadd.f32 v16, v14;
	v6 =	vld.idx.msk [tilespmem:v6+s1+$0x0], $0xffff  }
0x199: {  	v9 =	vcvt.s32.f32 v9;
	v3 =	vld.idx.msk [tilespmem:v12+s1+$0x0], $0xffff  }
0x19a: {  	v2 =	vadd.f32 v4, v2;
	v12 =	vadd.f32 v17, v14;
	v5 =	vld.idx.msk [tilespmem:v5+s1+$0x0], $0xffff;
	(erf) = vrcp.f32 v15  }
.Ltmp4:
0x19b: {  	v4 =	vld.idx.msk [tilespmem:v10+s1+$0x0], $0xffff;
	(pc) =	sbr.rel @p1 .LBB2_5-.Ltmp4, $4  }
0x19c: {  	s22 =	sadd.s32 $0x20, s22;
	v8 =	vadd.f32 v8, v2;
	v12 =	vadd.f32 v19, v12;
	v7 =	vld.idx.msk [tilespmem:v7+s1+$0x0], $0xffff;
	(erf) = vrcp.f32 v9  }
0x19d: {  	v2 =	vld [tilespmem:s22+$0x0]  }
0x19e: {  	v10 =	vadd.f32 v13, v8;
	v9 =	vadd.f32 v6, v12;
	v8 =	vld.idx.msk [tilespmem:v11+s1+$0x0], $0xffff  }
0x19f: {  	s8 =	sadd.s32 $0x20, s8;
	v6 =	vld [tilespmem:s22+$0xFFFFFFF0]  }
0x1a0: {  	v11 =	vld [tilespmem:$0x15040]  }
0x1a1: {  	v12 =	vld [tilespmem:$0x111C0]  }
0x1a2: {  	v13 =	vld [tilespmem:$0x11990]  }
0x1a3: {  	v14 =	vld [tilespmem:$0x12160]  }
0x1a4: {  	v15 =	vld [tilespmem:$0x12930]  }
0x1a5: {  	v16 =	vld [tilespmem:$0x13100]  }
0x1a6: {  	v17 =	vld [tilespmem:$0x138D0]  }
0x1a7: {  	v18 =	vld [tilespmem:$0x140A0]  }
0x1a8: {  	v19 =	vld [tilespmem:$0x14870]  }
0x1a9: {  	v20 =	vld [tilespmem:s17+$0xF90]  }
0x1aa: {  	v12 =	vld.idx.msk [tilespmem:v12+s1+$0x0], $0xffff  }
0x1ab: {  	v13 =	vld.idx.msk [tilespmem:v13+s1+$0x0], $0xffff  }
0x1ac: {  	v14 =	vld.idx.msk [tilespmem:v14+s1+$0x0], $0xffff  }
0x1ad: {  	v15 =	vld.idx.msk [tilespmem:v15+s1+$0x0], $0xffff  }
0x1ae: {  	v16 =	vld.idx.msk [tilespmem:v16+s1+$0x0], $0xffff  }
0x1af: {  	v17 =	vld.idx.msk [tilespmem:v17+s1+$0x0], $0xffff  }
0x1b0: {  	s8 =	rddreg [dreg:$0x1d];
	s14 =	simm.s32 $0x10A00;
	v18 =	vld.idx.msk [tilespmem:v18+s1+$0x0], $0xffff  }
0x1b1: {  	v19 =	vld.idx.msk [tilespmem:v19+s1+$0x0], $0xffff;
	[tilespmem:s14], [sflag:$0x2] =	stream.linear.gather [hbm4b:s8+s1], $0x7D0, $0x38  }
0x1b2: {  	s15 =	rddreg [dreg:$0x1e];
	s22 =	simm.s32 $0x111D0  }
0x1b3: {  	[tilespmem:s22], [sflag:$0x2] =	stream.linear.gather [hbm4b:s15+s1], $0x7D0, $0x38;
	[tilespmem:$0x15100] =	vst v63  }
0x1b4: {  	s15 =	rddreg [dreg:$0x1f];
	s22 =	simm.s32 $0x119A0  }
0x1b5: {  	[tilespmem:s22], [sflag:$0x2] =	stream.linear.gather [hbm4b:s15+s1], $0x7D0, $0x38;
	[tilespmem:$0x15100] =	vst v63  }
0x1b6: {  	s15 =	sld [smem:$0x7EA];
	_ =	sdelay $0x1  }
0x1b7: {  	s22 =	simm.s32 $0x12170  }
0x1b8: {  	[tilespmem:s22], [sflag:$0x2] =	stream.linear.gather [hbm4b:s15+s1], $0x7D0, $0x38;
	[tilespmem:$0x15100] =	vst v63  }
0x1b9: {  	s15 =	sld [smem:$0x7EB];
	_ =	sdelay $0x1  }
0x1ba: {  	s22 =	simm.s32 $0x12940  }
0x1bb: {  	[tilespmem:s22], [sflag:$0x2] =	stream.linear.gather [hbm4b:s15+s1], $0x7D0, $0x38;
	[tilespmem:$0x15100] =	vst v63  }
0x1bc: {  	s15 =	sld [smem:$0x7EF];
	_ =	sdelay $0x1  }
0x1bd: {  	v11 =	vcvt.s32.f32 v11;
	s22 =	simm.s32 $0x13110  }
0x1be: {  	[tilespmem:s22], [sflag:$0x2] =	stream.linear.gather [hbm4b:s15+s1], $0x7D0, $0x38;
	[tilespmem:$0x15100] =	vst v63  }
0x1bf: {  	(erf) = vrcp.f32 v11;
	s15 =	sld [smem:$0x7F0];
	_ =	sdelay $0x1  }
0x1c0: {  	s22 =	simm.s32 $0x138E0  }
0x1c1: {  	[tilespmem:s22], [sflag:$0x2] =	stream.linear.gather [hbm4b:s15+s1], $0x7D0, $0x38;
	[tilespmem:$0x15100] =	vst v63  }
0x1c2: {  	s15 =	sld [smem:$0x7F1];
	_ =	sdelay $0x1  }
0x1c3: {  	s14 =	sld [smem:$0x7F3];
	s22 =	simm.s32 $0x140B0  }
0x1c4: {  	v11 =	vpop (erf);
	[tilespmem:s22], [sflag:$0x2] =	stream.linear.gather [hbm4b:s15+s1], $0x7D0, $0x38;
	[tilespmem:$0x15100] =	vst v63  }
0x1c5: {  	v21 =	vpop (erf);
	s15 =	simm.s32 $0x14880  }
0x1c6: {  	v22 =	vpop (erf);
	[tilespmem:s15], [sflag:$0x2] =	stream.linear.gather [hbm4b:s14+s1], $0x7D0, $0x38;
	[tilespmem:$0x15100] =	vst v63  }
0x1c7: {  	_ =	swait.ge [sflag:s12], $0x7D0  }
0x1c8: {  	[sflag:s12] =	ssyncset.done $0x0  }
0x1c9: {  	[sflag:s12] =	ssyncadd.s32 $0xFFFFF830  }
0x1ca: {  	_ =	swait.ge [sflag:s12], $0x7D0  }
0x1cb: {  	[sflag:s12] =	ssyncset.done $0x0  }
0x1cc: {  	[sflag:s12] =	ssyncadd.s32 $0xFFFFF830  }
0x1cd: {  	_ =	swait.ge [sflag:s12], $0x7D0  }
0x1ce: {  	[sflag:s12] =	ssyncset.done $0x0  }
0x1cf: {  	[sflag:s12] =	ssyncadd.s32 $0xFFFFF830  }
0x1d0: {  	_ =	swait.ge [sflag:s12], $0x7D0  }
0x1d1: {  	[sflag:s12] =	ssyncset.done $0x0  }
0x1d2: {  	[sflag:s12] =	ssyncadd.s32 $0xFFFFF830  }
0x1d3: {  	_ =	swait.ge [sflag:s12], $0x7D0  }
0x1d4: {  	[sflag:s12] =	ssyncset.done $0x0  }
0x1d5: {  	[sflag:s12] =	ssyncadd.s32 $0xFFFFF830  }
0x1d6: {  	_ =	swait.ge [sflag:s12], $0x7D0  }
0x1d7: {  	[sflag:s12] =	ssyncset.done $0x0  }
0x1d8: {  	[sflag:s12] =	ssyncadd.s32 $0xFFFFF830  }
0x1d9: {  	_ =	swait.ge [sflag:s12], $0x7D0  }
0x1da: {  	[sflag:s12] =	ssyncset.done $0x0  }
0x1db: {  	[sflag:s12] =	ssyncadd.s32 $0xFFFFF830  }
0x1dc: {  	_ =	swait.ge [sflag:s12], $0x7D0  }
0x1dd: {  	[sflag:s12] =	ssyncset.done $0x0  }
0x1de: {  	[sflag:s12] =	ssyncadd.s32 $0xFFFFF830  }
0x1df: {  	_ =	swait.ge [sflag:s12], $0x7D0  }
0x1e0: {  	v12 =	vadd.f32 $0.0e+00, v12;
	[sflag:s12] =	ssyncset.done $0x0  }
0x1e1: {  	s22 =	simm.s32 $0xE2D0;
	[sflag:s12] =	ssyncadd.s32 $0xFFFFF830  }
0x1e2: {  	v12 =	vadd.f32 v13, v12;
	v23 =	vld [tilespmem:s22+$0x1770]  }
0x1e3: {  	v24 =	vld [tilespmem:s22+$0x1F40]  }
0x1e4: {  	v12 =	vadd.f32 v14, v12;
	v25 =	vld [tilespmem:s22+$0x1760]  }
0x1e5: {  	v26 =	vld [tilespmem:s22+$0xFA0]  }
0x1e6: {  	v12 =	vadd.f32 v15, v12;
	v27 =	vld [tilespmem:s22+$0xF90]  }
0x1e7: {  	v3 =	vadd.f32 v3, v10;
	v28 =	vld [tilespmem:s22+$0x7D0]  }
0x1e8: {  	v5 =	vadd.f32 v5, v9;
	v9 =	vadd.f32 v16, v12;
	v29 =	vld [tilespmem:s22+$0x7C0]  }
0x1e9: {  	v3 =	vadd.f32 v4, v3;
	v30 =	vld [tilespmem:s22+$0x0]  }
0x1ea: {  	v5 =	vadd.f32 v7, v5;
	v7 =	vadd.f32 v17, v9;
	v31 =	vld [tilespmem:s22+$0xFFFFFFF0]  }
0x1eb: {  	v32 =	vld [tilespmem:s22+$0xFFFFF820]  }
0x1ec: {  	v5 =	vadd.f32 v8, v5;
	v3 =	vmul.f32 v3, v11;
	v7 =	vadd.f32 v18, v7;
	v33 =	vld [tilespmem:s22+$0xFFFFE0B0]  }
0x1ed: {  	v34 =	vld [tilespmem:s22+$0xFFFFE880]  }
0x1ee: {  	v5 =	vmul.f32 v5, v21;
	v3 =	vsub.f32 v6, v3;
	v6 =	vadd.f32 v19, v7;
	v35 =	vld [tilespmem:s22+$0xFFFFE0C0]  }
0x1ef: {  	v36 =	vld [tilespmem:s22+$0xFFFFF050]  }
0x1f0: {  	v2 =	vsub.f32 v2, v5;
	s14 =	simm.s32 $0x0;
	v5 =	vmul.f32 v6, v22;
	v6 =	vmul.f32 v3, v3;
	v54 =	vld [tilespmem:s22+$0xFFFFE890]  }
0x1f1: {  	s15 =	sand.u32 $0x7E0, s14;
	v37 =	vld [tilespmem:s22+$0xFFFFF060]  }
0x1f2: {  	v2 =	vmul.f32 v2, v2;
	v1 =	vadd.f32 v6, v1;
	v55 =	vld [tilespmem:s15+$0x10200]  }
0x1f3: {  	v38 =	vld [tilespmem:s15+$0xDB00]  }
0x1f4: {  	v1 =	vadd.f32 v2, v1;
	v2 =	vld [tilespmem:s24+$0x0]  }
0x1f5: {  	v56 =	vld.idx.msk [tilespmem:v33+s1+$0x0], $0xffff  }
0x1f6: {  	v10 =	vld.idx.msk [tilespmem:v34+s1+$0x0], $0xffff  }
0x1f7: {  	v57 =	vld.idx.msk [tilespmem:v35+s1+$0x0], $0xffff  }
0x1f8: {  	v4 =	vld.idx.msk [tilespmem:v36+s1+$0x0], $0xffff  }
0x1f9: {  	v9 =	vld.idx.msk [tilespmem:v54+s1+$0x0], $0xffff  }
0x1fa: {  	v58 =	vld.idx.msk [tilespmem:v32+s1+$0x0], $0xffff;
	v11 =	vadd.f32 $0.0e+00, v56  }
0x1fb: {  	v8 =	vld.idx.msk [tilespmem:v37+s1+$0x0], $0xffff  }
0x1fc: {  	v59 =	vld.idx.msk [tilespmem:v38+s1+$0x0], $0xffff;
	v7 =	vadd.f32 v10, v11;
	v10 =	vadd.f32 $0.0e+00, v57  }
0x1fd: {  	v60 =	vld.idx.msk [tilespmem:v31+s1+$0x0], $0xffff  }
0x1fe: {  	v61 =	vld.idx.msk [tilespmem:v30+s1+$0x0], $0xffff;
	v4 =	vadd.f32 v4, v7;
	v7 =	vadd.f32 v9, v10;
	v10 =	vcvt.s32.f32 v55  }
0x1ff: {  	v6 =	vsub.f32 v20, v5;
	v62 =	vcvt.s32.f32 v24;
	v11 =	vld.idx.msk [tilespmem:v29+s1+$0x0], $0xffff  }
0x200: {  	v3 =	vld.idx.msk [tilespmem:v27+s1+$0x0], $0xffff;
	v9 =	vadd.f32 v58, v4;
	v8 =	vadd.f32 v8, v7;
	(erf) = vrcp.f32 v10  }
0x201: {  	v6 =	vmul.f32 v6, v6;
	v5 =	vld.idx.msk [tilespmem:v28+s1+$0x0], $0xffff  }
0x202: {  	v4 =	vld.idx.msk [tilespmem:v25+s1+$0x0], $0xffff;
	(erf) = vrcp.f32 v62;
	v9 =	vadd.f32 v60, v9;
	v63 =	vadd.f32 v59, v8  }
0x203: {  	v1 =	vadd.f32 v6, v1;
	v7 =	vld.idx.msk [tilespmem:v26+s1+$0x0], $0xffff  }
0x204: {  	v6 =	vld [tilespmem:s24+$0xFFFFFFF0];
	v10 =	vadd.f32 v11, v9;
	v9 =	vadd.f32 v61, v63  }
0x205: {  	s8 =	simm.s32 $0xE2F0;
	s22 =	smov.u32 s24;
	v8 =	vld.idx.msk [tilespmem:v23+s1+$0x0], $0xffff  }
.LBB2_7:
0x206: {  	v11 =	vld [tilespmem:s8+$0x1770];
	v3 =	vadd.f32 v3, v10;
	v12 =	vadd.f32 v5, v9  }
0x207: {  	v9 =	vld [tilespmem:s8+$0x1F40]  }
0x208: {  	v10 =	vld [tilespmem:s8+$0x1760];
	v3 =	vadd.f32 v4, v3;
	v4 =	vadd.f32 v7, v12  }
0x209: {  	v7 =	vld [tilespmem:s8+$0xFA0];
	v5 =	vpop (erf)  }
0x20a: {  	v12 =	vld [tilespmem:s8+$0xF90];
	v3 =	vmul.f32 v3, v5;
	v4 =	vadd.f32 v8, v4  }
0x20b: {  	v5 =	vld [tilespmem:s8+$0x7D0];
	v8 =	vpop (erf)  }
0x20c: {  	v13 =	vld [tilespmem:s8+$0x7C0];
	v3 =	vsub.f32 v6, v3;
	v4 =	vmul.f32 v4, v8  }
0x20d: {  	v6 =	vld [tilespmem:s8+$0x0]  }
0x20e: {  	v8 =	vld [tilespmem:s8+$0xFFFFFFF0];
	v3 =	vmul.f32 v3, v3;
	v2 =	vsub.f32 v2, v4  }
0x20f: {  	v4 =	vld [tilespmem:s8+$0xFFFFF820]  }
0x210: {  	v14 =	vld [tilespmem:s8+$0xFFFFE0B0];
	v1 =	vadd.f32 v3, v1;
	v2 =	vmul.f32 v2, v2  }
0x211: {  	v3 =	vld [tilespmem:s8+$0xFFFFE880]  }
0x212: {  	v15 =	vld [tilespmem:s8+$0xFFFFE0C0];
	v1 =	vadd.f32 v2, v1  }
0x213: {  	v2 =	vld [tilespmem:s8+$0xFFFFF050]  }
0x214: {  	s14 =	sadd.s32 $0x20, s14;
	v16 =	vld [tilespmem:s8+$0xFFFFE890]  }
0x215: {  	s15 =	sand.u32 $0x7E0, s14;
	p1 =	slt.u32 s14, $0x7A0;
	v17 =	vld [tilespmem:s8+$0xFFFFF060]  }
0x216: {  	v18 =	vld [tilespmem:s15+$0x10200]  }
0x217: {  	v19 =	vld [tilespmem:s15+$0xDB00]  }
0x218: {  	v14 =	vld.idx.msk [tilespmem:v14+s1+$0x0], $0xffff  }
0x219: {  	v3 =	vld.idx.msk [tilespmem:v3+s1+$0x0], $0xffff  }
0x21a: {  	v15 =	vld.idx.msk [tilespmem:v15+s1+$0x0], $0xffff  }
0x21b: {  	v2 =	vld.idx.msk [tilespmem:v2+s1+$0x0], $0xffff  }
0x21c: {  	v16 =	vld.idx.msk [tilespmem:v16+s1+$0x0], $0xffff  }
0x21d: {  	v4 =	vld.idx.msk [tilespmem:v4+s1+$0x0], $0xffff  }
0x21e: {  	v14 =	vadd.f32 $0.0e+00, v14;
	v17 =	vld.idx.msk [tilespmem:v17+s1+$0x0], $0xffff  }
0x21f: {  	v19 =	vld.idx.msk [tilespmem:v19+s1+$0x0], $0xffff  }
0x220: {  	v3 =	vadd.f32 v3, v14;
	v14 =	vadd.f32 $0.0e+00, v15;
	v8 =	vld.idx.msk [tilespmem:v8+s1+$0x0], $0xffff  }
0x221: {  	v13 =	vld.idx.msk [tilespmem:v13+s1+$0x0], $0xffff  }
0x222: {  	v15 =	vcvt.s32.f32 v18;
	v2 =	vadd.f32 v2, v3;
	v14 =	vadd.f32 v16, v14;
	v6 =	vld.idx.msk [tilespmem:v6+s1+$0x0], $0xffff  }
0x223: {  	v9 =	vcvt.s32.f32 v9;
	v3 =	vld.idx.msk [tilespmem:v12+s1+$0x0], $0xffff  }
0x224: {  	v2 =	vadd.f32 v4, v2;
	v12 =	vadd.f32 v17, v14;
	v5 =	vld.idx.msk [tilespmem:v5+s1+$0x0], $0xffff;
	(erf) = vrcp.f32 v15  }
.Ltmp5:
0x225: {  	v4 =	vld.idx.msk [tilespmem:v10+s1+$0x0], $0xffff;
	(pc) =	sbr.rel @p1 .LBB2_7-.Ltmp5, $4  }
0x226: {  	s22 =	sadd.s32 $0x20, s22;
	v8 =	vadd.f32 v8, v2;
	v12 =	vadd.f32 v19, v12;
	v7 =	vld.idx.msk [tilespmem:v7+s1+$0x0], $0xffff;
	(erf) = vrcp.f32 v9  }
0x227: {  	v2 =	vld [tilespmem:s22+$0x0]  }
0x228: {  	v10 =	vadd.f32 v13, v8;
	v9 =	vadd.f32 v6, v12;
	v8 =	vld.idx.msk [tilespmem:v11+s1+$0x0], $0xffff  }
0x229: {  	s8 =	sadd.s32 $0x20, s8;
	v6 =	vld [tilespmem:s22+$0xFFFFFFF0]  }
0x22a: {  	v11 =	vld [tilespmem:$0x109C0]  }
0x22b: {  	v12 =	vld [tilespmem:$0xCB40]  }
0x22c: {  	v13 =	vld [tilespmem:$0xD310]  }
0x22d: {  	v14 =	vld [tilespmem:$0xDAE0]  }
0x22e: {  	v15 =	vld [tilespmem:$0xE2B0]  }
0x22f: {  	v16 =	vld [tilespmem:$0xEA80]  }
0x230: {  	v17 =	vld [tilespmem:$0xF250]  }
0x231: {  	v18 =	vld [tilespmem:$0xFA20]  }
0x232: {  	v19 =	vld [tilespmem:$0x101F0]  }
0x233: {  	v20 =	vld [tilespmem:s17+$0x1760]  }
0x234: {  	v12 =	vld.idx.msk [tilespmem:v12+s1+$0x0], $0xffff  }
0x235: {  	v13 =	vld.idx.msk [tilespmem:v13+s1+$0x0], $0xffff  }
0x236: {  	v14 =	vld.idx.msk [tilespmem:v14+s1+$0x0], $0xffff  }
0x237: {  	v15 =	vld.idx.msk [tilespmem:v15+s1+$0x0], $0xffff  }
0x238: {  	s8 =	sld [smem:$0x7F4];
	v16 =	vld.idx.msk [tilespmem:v16+s1+$0x0], $0xffff  }
0x239: {  	v17 =	vld.idx.msk [tilespmem:v17+s1+$0x0], $0xffff  }
0x23a: {  	s14 =	sld [smem:$0x7F5];
	v18 =	vld.idx.msk [tilespmem:v18+s1+$0x0], $0xffff  }
0x23b: {  	v19 =	vld.idx.msk [tilespmem:v19+s1+$0x0], $0xffff;
	[tilespmem:s28], [sflag:$0x2] =	stream.linear.gather [hbm4b:s8+s1], $0x7D0, $0x38  }
0x23c: {  	s15 =	sld [smem:$0x7F6]  }
0x23d: {  	[tilespmem:s29], [sflag:$0x2] =	stream.linear.gather [hbm4b:s14+s1], $0x7D0, $0x38;
	[tilespmem:$0x15100] =	vst v63  }
0x23e: {  	s22 =	sld [smem:$0x7F7]  }
0x23f: {  	[tilespmem:s30], [sflag:$0x2] =	stream.linear.gather [hbm4b:s15+s1], $0x7D0, $0x38;
	[tilespmem:$0x15100] =	vst v63  }
0x240: {  	v11 =	vcvt.s32.f32 v11;
	s14 =	sld [smem:$0x7F8]  }
0x241: {  	[tilespmem:s31], [sflag:$0x2] =	stream.linear.gather [hbm4b:s22+s1], $0x7D0, $0x38;
	[tilespmem:$0x15100] =	vst v63  }
0x242: {  	(erf) = vrcp.f32 v11;
	s15 =	sld [smem:$0x7F9]  }
0x243: {  	[tilespmem:s0], [sflag:$0x2] =	stream.linear.gather [hbm4b:s14+s1], $0x7D0, $0x38;
	[tilespmem:$0x15100] =	vst v63  }
0x244: {  	_ = 	snop  }
0x245: {  	[tilespmem:s3], [sflag:$0x2] =	stream.linear.gather [hbm4b:s15+s1], $0x7D0, $0x38;
	[tilespmem:$0x15100] =	vst v63  }
0x246: {  	_ = 	snop  }
0x247: {  	[tilespmem:s4], [sflag:$0x2] =	stream.linear.gather [hbm4b:s16+s1], $0x7D0, $0x38;
	[tilespmem:$0x15100] =	vst v63  }
0x248: {  	_ = 	snop  }
0x249: {  	v11 =	vpop (erf);
	[tilespmem:s5], [sflag:$0x2] =	stream.linear.gather [hbm4b:s2+s1], $0x7D0, $0x38;
	[tilespmem:$0x15100] =	vst v63  }
0x24a: {  	v21 =	vpop (erf)  }
0x24b: {  	v22 =	vpop (erf);
	[tilespmem:s6], [sflag:$0x2] =	stream.linear.gather [hbm4b:s18+s1], $0x7D0, $0x38;
	[tilespmem:$0x15100] =	vst v63  }
0x24c: {  	_ =	swait.ge [sflag:s12], $0x7D0  }
0x24d: {  	[sflag:s12] =	ssyncset.done $0x0  }
0x24e: {  	[sflag:s12] =	ssyncadd.s32 $0xFFFFF830  }
0x24f: {  	_ =	swait.ge [sflag:s12], $0x7D0  }
0x250: {  	[sflag:s12] =	ssyncset.done $0x0  }
0x251: {  	[sflag:s12] =	ssyncadd.s32 $0xFFFFF830  }
0x252: {  	_ =	swait.ge [sflag:s12], $0x7D0  }
0x253: {  	[sflag:s12] =	ssyncset.done $0x0  }
0x254: {  	[sflag:s12] =	ssyncadd.s32 $0xFFFFF830  }
0x255: {  	_ =	swait.ge [sflag:s12], $0x7D0  }
0x256: {  	[sflag:s12] =	ssyncset.done $0x0  }
0x257: {  	[sflag:s12] =	ssyncadd.s32 $0xFFFFF830  }
0x258: {  	_ =	swait.ge [sflag:s12], $0x7D0  }
0x259: {  	[sflag:s12] =	ssyncset.done $0x0  }
0x25a: {  	[sflag:s12] =	ssyncadd.s32 $0xFFFFF830  }
0x25b: {  	_ =	swait.ge [sflag:s12], $0x7D0  }
0x25c: {  	[sflag:s12] =	ssyncset.done $0x0  }
0x25d: {  	[sflag:s12] =	ssyncadd.s32 $0xFFFFF830  }
0x25e: {  	_ =	swait.ge [sflag:s12], $0x7D0  }
0x25f: {  	[sflag:s12] =	ssyncset.done $0x0  }
0x260: {  	[sflag:s12] =	ssyncadd.s32 $0xFFFFF830  }
0x261: {  	_ =	swait.ge [sflag:s12], $0x7D0  }
0x262: {  	[sflag:s12] =	ssyncset.done $0x0  }
0x263: {  	[sflag:s12] =	ssyncadd.s32 $0xFFFFF830  }
0x264: {  	_ =	swait.ge [sflag:s12], $0x7D0  }
0x265: {  	v12 =	vadd.f32 $0.0e+00, v12;
	[sflag:s12] =	ssyncset.done $0x0  }
0x266: {  	s22 =	simm.s32 $0x12950;
	[sflag:s12] =	ssyncadd.s32 $0xFFFFF830  }
0x267: {  	v12 =	vadd.f32 v13, v12;
	v23 =	vld [tilespmem:s22+$0x1770]  }
0x268: {  	v24 =	vld [tilespmem:s22+$0x1F40]  }
0x269: {  	v12 =	vadd.f32 v14, v12;
	v25 =	vld [tilespmem:s22+$0x1760]  }
0x26a: {  	v26 =	vld [tilespmem:s22+$0xFA0]  }
0x26b: {  	v12 =	vadd.f32 v15, v12;
	v27 =	vld [tilespmem:s22+$0xF90]  }
0x26c: {  	v3 =	vadd.f32 v3, v10;
	v28 =	vld [tilespmem:s22+$0x7D0]  }
0x26d: {  	v5 =	vadd.f32 v5, v9;
	v9 =	vadd.f32 v16, v12;
	v29 =	vld [tilespmem:s22+$0x7C0]  }
0x26e: {  	v3 =	vadd.f32 v4, v3;
	v30 =	vld [tilespmem:s22+$0x0]  }
0x26f: {  	v5 =	vadd.f32 v7, v5;
	v7 =	vadd.f32 v17, v9;
	v31 =	vld [tilespmem:s22+$0xFFFFFFF0]  }
0x270: {  	v32 =	vld [tilespmem:s22+$0xFFFFF820]  }
0x271: {  	v5 =	vadd.f32 v8, v5;
	v3 =	vmul.f32 v3, v11;
	v7 =	vadd.f32 v18, v7;
	v33 =	vld [tilespmem:s22+$0xFFFFE0B0]  }
0x272: {  	v34 =	vld [tilespmem:s22+$0xFFFFE880]  }
0x273: {  	v5 =	vmul.f32 v5, v21;
	v3 =	vsub.f32 v6, v3;
	v6 =	vadd.f32 v19, v7;
	v35 =	vld [tilespmem:s22+$0xFFFFE0C0]  }
0x274: {  	v36 =	vld [tilespmem:s22+$0xFFFFF050]  }
0x275: {  	v2 =	vsub.f32 v2, v5;
	s14 =	simm.s32 $0x0;
	v5 =	vmul.f32 v6, v22;
	v6 =	vmul.f32 v3, v3;
	v54 =	vld [tilespmem:s22+$0xFFFFE890]  }
0x276: {  	s15 =	sand.u32 $0x7E0, s14;
	v37 =	vld [tilespmem:s22+$0xFFFFF060]  }
0x277: {  	v2 =	vmul.f32 v2, v2;
	v1 =	vadd.f32 v6, v1;
	v55 =	vld [tilespmem:s15+$0x14880]  }
0x278: {  	v38 =	vld [tilespmem:s15+$0x12180]  }
0x279: {  	v1 =	vadd.f32 v2, v1;
	v2 =	vld [tilespmem:s25+$0x0]  }
0x27a: {  	v56 =	vld.idx.msk [tilespmem:v33+s1+$0x0], $0xffff  }
0x27b: {  	v10 =	vld.idx.msk [tilespmem:v34+s1+$0x0], $0xffff  }
0x27c: {  	v57 =	vld.idx.msk [tilespmem:v35+s1+$0x0], $0xffff  }
0x27d: {  	v4 =	vld.idx.msk [tilespmem:v36+s1+$0x0], $0xffff  }
0x27e: {  	v9 =	vld.idx.msk [tilespmem:v54+s1+$0x0], $0xffff  }
0x27f: {  	v58 =	vld.idx.msk [tilespmem:v32+s1+$0x0], $0xffff;
	v11 =	vadd.f32 $0.0e+00, v56  }
0x280: {  	v8 =	vld.idx.msk [tilespmem:v37+s1+$0x0], $0xffff  }
0x281: {  	v59 =	vld.idx.msk [tilespmem:v38+s1+$0x0], $0xffff;
	v7 =	vadd.f32 v10, v11;
	v10 =	vadd.f32 $0.0e+00, v57  }
0x282: {  	v60 =	vld.idx.msk [tilespmem:v31+s1+$0x0], $0xffff  }
0x283: {  	v61 =	vld.idx.msk [tilespmem:v30+s1+$0x0], $0xffff;
	v4 =	vadd.f32 v4, v7;
	v7 =	vadd.f32 v9, v10;
	v10 =	vcvt.s32.f32 v55  }
0x284: {  	v6 =	vsub.f32 v20, v5;
	v62 =	vcvt.s32.f32 v24;
	v11 =	vld.idx.msk [tilespmem:v29+s1+$0x0], $0xffff  }
0x285: {  	v3 =	vld.idx.msk [tilespmem:v27+s1+$0x0], $0xffff;
	v9 =	vadd.f32 v58, v4;
	v8 =	vadd.f32 v8, v7;
	(erf) = vrcp.f32 v10  }
0x286: {  	v6 =	vmul.f32 v6, v6;
	v5 =	vld.idx.msk [tilespmem:v28+s1+$0x0], $0xffff  }
0x287: {  	v4 =	vld.idx.msk [tilespmem:v25+s1+$0x0], $0xffff;
	(erf) = vrcp.f32 v62;
	v9 =	vadd.f32 v60, v9;
	v63 =	vadd.f32 v59, v8  }
0x288: {  	v1 =	vadd.f32 v6, v1;
	v7 =	vld.idx.msk [tilespmem:v26+s1+$0x0], $0xffff  }
0x289: {  	v6 =	vld [tilespmem:s25+$0xFFFFFFF0];
	v10 =	vadd.f32 v11, v9;
	v9 =	vadd.f32 v61, v63  }
0x28a: {  	s8 =	simm.s32 $0x12970;
	s22 =	smov.u32 s25;
	v8 =	vld.idx.msk [tilespmem:v23+s1+$0x0], $0xffff  }
.LBB2_9:
0x28b: {  	v11 =	vld [tilespmem:s8+$0x1770];
	v3 =	vadd.f32 v3, v10;
	v12 =	vadd.f32 v5, v9  }
0x28c: {  	v9 =	vld [tilespmem:s8+$0x1F40]  }
0x28d: {  	v10 =	vld [tilespmem:s8+$0x1760];
	v3 =	vadd.f32 v4, v3;
	v4 =	vadd.f32 v7, v12  }
0x28e: {  	v7 =	vld [tilespmem:s8+$0xFA0];
	v5 =	vpop (erf)  }
0x28f: {  	v12 =	vld [tilespmem:s8+$0xF90];
	v3 =	vmul.f32 v3, v5;
	v4 =	vadd.f32 v8, v4  }
0x290: {  	v5 =	vld [tilespmem:s8+$0x7D0];
	v8 =	vpop (erf)  }
0x291: {  	v13 =	vld [tilespmem:s8+$0x7C0];
	v3 =	vsub.f32 v6, v3;
	v4 =	vmul.f32 v4, v8  }
0x292: {  	v6 =	vld [tilespmem:s8+$0x0]  }
0x293: {  	v8 =	vld [tilespmem:s8+$0xFFFFFFF0];
	v3 =	vmul.f32 v3, v3;
	v2 =	vsub.f32 v2, v4  }
0x294: {  	v4 =	vld [tilespmem:s8+$0xFFFFF820]  }
0x295: {  	v14 =	vld [tilespmem:s8+$0xFFFFE0B0];
	v1 =	vadd.f32 v3, v1;
	v2 =	vmul.f32 v2, v2  }
0x296: {  	v3 =	vld [tilespmem:s8+$0xFFFFE880]  }
0x297: {  	v15 =	vld [tilespmem:s8+$0xFFFFE0C0];
	v1 =	vadd.f32 v2, v1  }
0x298: {  	v2 =	vld [tilespmem:s8+$0xFFFFF050]  }
0x299: {  	s14 =	sadd.s32 $0x20, s14;
	v16 =	vld [tilespmem:s8+$0xFFFFE890]  }
0x29a: {  	s15 =	sand.u32 $0x7E0, s14;
	p1 =	slt.u32 s14, $0x7A0;
	v17 =	vld [tilespmem:s8+$0xFFFFF060]  }
0x29b: {  	v18 =	vld [tilespmem:s15+$0x14880]  }
0x29c: {  	v19 =	vld [tilespmem:s15+$0x12180]  }
0x29d: {  	v14 =	vld.idx.msk [tilespmem:v14+s1+$0x0], $0xffff  }
0x29e: {  	v3 =	vld.idx.msk [tilespmem:v3+s1+$0x0], $0xffff  }
0x29f: {  	v15 =	vld.idx.msk [tilespmem:v15+s1+$0x0], $0xffff  }
0x2a0: {  	v2 =	vld.idx.msk [tilespmem:v2+s1+$0x0], $0xffff  }
0x2a1: {  	v16 =	vld.idx.msk [tilespmem:v16+s1+$0x0], $0xffff  }
0x2a2: {  	v4 =	vld.idx.msk [tilespmem:v4+s1+$0x0], $0xffff  }
0x2a3: {  	v14 =	vadd.f32 $0.0e+00, v14;
	v17 =	vld.idx.msk [tilespmem:v17+s1+$0x0], $0xffff  }
0x2a4: {  	v19 =	vld.idx.msk [tilespmem:v19+s1+$0x0], $0xffff  }
0x2a5: {  	v3 =	vadd.f32 v3, v14;
	v14 =	vadd.f32 $0.0e+00, v15;
	v8 =	vld.idx.msk [tilespmem:v8+s1+$0x0], $0xffff  }
0x2a6: {  	v13 =	vld.idx.msk [tilespmem:v13+s1+$0x0], $0xffff  }
0x2a7: {  	v15 =	vcvt.s32.f32 v18;
	v2 =	vadd.f32 v2, v3;
	v14 =	vadd.f32 v16, v14;
	v6 =	vld.idx.msk [tilespmem:v6+s1+$0x0], $0xffff  }
0x2a8: {  	v9 =	vcvt.s32.f32 v9;
	v3 =	vld.idx.msk [tilespmem:v12+s1+$0x0], $0xffff  }
0x2a9: {  	v2 =	vadd.f32 v4, v2;
	v12 =	vadd.f32 v17, v14;
	v5 =	vld.idx.msk [tilespmem:v5+s1+$0x0], $0xffff;
	(erf) = vrcp.f32 v15  }
.Ltmp6:
0x2aa: {  	v4 =	vld.idx.msk [tilespmem:v10+s1+$0x0], $0xffff;
	(pc) =	sbr.rel @p1 .LBB2_9-.Ltmp6, $4  }
0x2ab: {  	s22 =	sadd.s32 $0x20, s22;
	v8 =	vadd.f32 v8, v2;
	v12 =	vadd.f32 v19, v12;
	v7 =	vld.idx.msk [tilespmem:v7+s1+$0x0], $0xffff;
	(erf) = vrcp.f32 v9  }
0x2ac: {  	v2 =	vld [tilespmem:s22+$0x0]  }
0x2ad: {  	v10 =	vadd.f32 v13, v8;
	v9 =	vadd.f32 v6, v12;
	v8 =	vld.idx.msk [tilespmem:v11+s1+$0x0], $0xffff  }
0x2ae: {  	s8 =	sadd.s32 $0x20, s8;
	v6 =	vld [tilespmem:s22+$0xFFFFFFF0]  }
0x2af: {  	v11 =	vld [tilespmem:$0x15040]  }
0x2b0: {  	v12 =	vld [tilespmem:$0x111C0]  }
0x2b1: {  	v13 =	vld [tilespmem:$0x11990]  }
0x2b2: {  	v14 =	vld [tilespmem:$0x12160]  }
0x2b3: {  	v15 =	vld [tilespmem:$0x12930]  }
0x2b4: {  	v16 =	vld [tilespmem:$0x13100];
	v11 =	vcvt.s32.f32 v11  }
0x2b5: {  	v17 =	vld [tilespmem:$0x138D0]  }
0x2b6: {  	v18 =	vld [tilespmem:$0x140A0];
	(erf) = vrcp.f32 v11  }
0x2b7: {  	v22 =	vld [tilespmem:s17+$0x1F30]  }
0x2b8: {  	v11 =	vld [tilespmem:$0x14870]  }
0x2b9: {  	v12 =	vld.idx.msk [tilespmem:v12+s1+$0x0], $0xffff  }
0x2ba: {  	v13 =	vld.idx.msk [tilespmem:v13+s1+$0x0], $0xffff  }
0x2bb: {  	v14 =	vld.idx.msk [tilespmem:v14+s1+$0x0], $0xffff  }
0x2bc: {  	v15 =	vld.idx.msk [tilespmem:v15+s1+$0x0], $0xffff  }
0x2bd: {  	v19 =	vpop (erf);
	v16 =	vld.idx.msk [tilespmem:v16+s1+$0x0], $0xffff  }
0x2be: {  	v20 =	vpop (erf);
	v17 =	vld.idx.msk [tilespmem:v17+s1+$0x0], $0xffff  }
0x2bf: {  	v18 =	vld.idx.msk [tilespmem:v18+s1+$0x0], $0xffff;
	v21 =	vpop (erf)  }
0x2c0: {  	v11 =	vld.idx.msk [tilespmem:v11+s1+$0x0], $0xffff;
	_ =	swait.ge [sflag:s12], $0x7D0  }
0x2c1: {  	[sflag:s12] =	ssyncset.done $0x0  }
0x2c2: {  	[sflag:s12] =	ssyncadd.s32 $0xFFFFF830  }
0x2c3: {  	_ =	swait.ge [sflag:s12], $0x7D0  }
0x2c4: {  	[sflag:s12] =	ssyncset.done $0x0  }
0x2c5: {  	[sflag:s12] =	ssyncadd.s32 $0xFFFFF830  }
0x2c6: {  	_ =	swait.ge [sflag:s12], $0x7D0  }
0x2c7: {  	[sflag:s12] =	ssyncset.done $0x0  }
0x2c8: {  	[sflag:s12] =	ssyncadd.s32 $0xFFFFF830  }
0x2c9: {  	_ =	swait.ge [sflag:s12], $0x7D0  }
0x2ca: {  	[sflag:s12] =	ssyncset.done $0x0  }
0x2cb: {  	[sflag:s12] =	ssyncadd.s32 $0xFFFFF830  }
0x2cc: {  	_ =	swait.ge [sflag:s12], $0x7D0  }
0x2cd: {  	[sflag:s12] =	ssyncset.done $0x0  }
0x2ce: {  	[sflag:s12] =	ssyncadd.s32 $0xFFFFF830  }
0x2cf: {  	_ =	swait.ge [sflag:s12], $0x7D0  }
0x2d0: {  	[sflag:s12] =	ssyncset.done $0x0  }
0x2d1: {  	[sflag:s12] =	ssyncadd.s32 $0xFFFFF830  }
0x2d2: {  	_ =	swait.ge [sflag:s12], $0x7D0  }
0x2d3: {  	[sflag:s12] =	ssyncset.done $0x0  }
0x2d4: {  	[sflag:s12] =	ssyncadd.s32 $0xFFFFF830  }
0x2d5: {  	_ =	swait.ge [sflag:s12], $0x7D0  }
0x2d6: {  	[sflag:s12] =	ssyncset.done $0x0  }
0x2d7: {  	[sflag:s12] =	ssyncadd.s32 $0xFFFFF830  }
0x2d8: {  	_ =	swait.ge [sflag:s12], $0x7D0  }
0x2d9: {  	v12 =	vadd.f32 $0.0e+00, v12;
	[sflag:s12] =	ssyncset.done $0x0  }
0x2da: {  	s8 =	simm.s32 $0xE2D0;
	[sflag:s12] =	ssyncadd.s32 $0xFFFFF830  }
0x2db: {  	v12 =	vadd.f32 v13, v12;
	v23 =	vld [tilespmem:s8+$0x1770]  }
0x2dc: {  	v24 =	vld [tilespmem:s8+$0x1F40]  }
0x2dd: {  	v12 =	vadd.f32 v14, v12;
	v25 =	vld [tilespmem:s8+$0x1760]  }
0x2de: {  	v26 =	vld [tilespmem:s8+$0xFA0]  }
0x2df: {  	v12 =	vadd.f32 v15, v12;
	v27 =	vld [tilespmem:s8+$0xF90]  }
0x2e0: {  	v3 =	vadd.f32 v3, v10;
	v28 =	vld [tilespmem:s8+$0x7D0]  }
0x2e1: {  	v5 =	vadd.f32 v5, v9;
	v9 =	vadd.f32 v16, v12;
	v29 =	vld [tilespmem:s8+$0x7C0]  }
0x2e2: {  	v3 =	vadd.f32 v4, v3;
	v30 =	vld [tilespmem:s8+$0x0]  }
0x2e3: {  	v5 =	vadd.f32 v7, v5;
	v7 =	vadd.f32 v17, v9;
	v31 =	vld [tilespmem:s8+$0xFFFFFFF0]  }
0x2e4: {  	v32 =	vld [tilespmem:s8+$0xFFFFF820]  }
0x2e5: {  	v3 =	vmul.f32 v3, v19;
	v5 =	vadd.f32 v8, v5;
	v7 =	vadd.f32 v18, v7;
	v33 =	vld [tilespmem:s8+$0xFFFFE0B0]  }
0x2e6: {  	v34 =	vld [tilespmem:s8+$0xFFFFE880]  }
0x2e7: {  	v3 =	vsub.f32 v6, v3;
	v5 =	vmul.f32 v5, v20;
	v6 =	vadd.f32 v11, v7;
	v35 =	vld [tilespmem:s8+$0xFFFFE0C0]  }
0x2e8: {  	v36 =	vld [tilespmem:s8+$0xFFFFF050]  }
0x2e9: {  	s14 =	simm.s32 $0x0;
	v2 =	vsub.f32 v2, v5;
	v5 =	vmul.f32 v6, v21;
	v6 =	vmul.f32 v3, v3;
	v54 =	vld [tilespmem:s8+$0xFFFFE890]  }
0x2ea: {  	s15 =	sand.u32 $0x7E0, s14;
	v37 =	vld [tilespmem:s8+$0xFFFFF060]  }
0x2eb: {  	v2 =	vmul.f32 v2, v2;
	v1 =	vadd.f32 v6, v1;
	v55 =	vld [tilespmem:s15+$0x10200]  }
0x2ec: {  	v38 =	vld [tilespmem:s15+$0xDB00]  }
0x2ed: {  	v1 =	vadd.f32 v2, v1;
	v2 =	vld [tilespmem:s26+$0x0]  }
0x2ee: {  	v56 =	vld.idx.msk [tilespmem:v33+s1+$0x0], $0xffff  }
0x2ef: {  	v10 =	vld.idx.msk [tilespmem:v34+s1+$0x0], $0xffff  }
0x2f0: {  	v57 =	vld.idx.msk [tilespmem:v35+s1+$0x0], $0xffff  }
0x2f1: {  	v4 =	vld.idx.msk [tilespmem:v36+s1+$0x0], $0xffff  }
0x2f2: {  	v9 =	vld.idx.msk [tilespmem:v54+s1+$0x0], $0xffff  }
0x2f3: {  	v58 =	vld.idx.msk [tilespmem:v32+s1+$0x0], $0xffff;
	v15 =	vadd.f32 $0.0e+00, v56  }
0x2f4: {  	v8 =	vld.idx.msk [tilespmem:v37+s1+$0x0], $0xffff  }
0x2f5: {  	v59 =	vld.idx.msk [tilespmem:v38+s1+$0x0], $0xffff;
	v11 =	vadd.f32 $0.0e+00, v57;
	v10 =	vadd.f32 v10, v15  }
0x2f6: {  	v7 =	vld.idx.msk [tilespmem:v31+s1+$0x0], $0xffff  }
0x2f7: {  	v60 =	vld.idx.msk [tilespmem:v29+s1+$0x0], $0xffff;
	v9 =	vadd.f32 v9, v11;
	v11 =	vcvt.s32.f32 v55;
	v4 =	vadd.f32 v4, v10  }
0x2f8: {  	v6 =	vsub.f32 v22, v5;
	v62 =	vcvt.s32.f32 v24;
	v61 =	vld.idx.msk [tilespmem:v30+s1+$0x0], $0xffff  }
0x2f9: {  	v3 =	vld.idx.msk [tilespmem:v27+s1+$0x0], $0xffff;
	v8 =	vadd.f32 v8, v9;
	(erf) = vrcp.f32 v11;
	v10 =	vadd.f32 v58, v4  }
0x2fa: {  	v5 =	vld.idx.msk [tilespmem:v28+s1+$0x0], $0xffff;
	v9 =	vmul.f32 v6, v6  }
0x2fb: {  	v6 =	vld.idx.msk [tilespmem:v26+s1+$0x0], $0xffff;
	(erf) = vrcp.f32 v62;
	v63 =	vadd.f32 v59, v8;
	v7 =	vadd.f32 v7, v10  }
0x2fc: {  	v4 =	vld.idx.msk [tilespmem:v25+s1+$0x0], $0xffff;
	v1 =	vadd.f32 v9, v1  }
0x2fd: {  	v8 =	vld.idx.msk [tilespmem:v23+s1+$0x0], $0xffff;
	v9 =	vadd.f32 v61, v63;
	v10 =	vadd.f32 v60, v7  }
0x2fe: {  	s22 =	smov.u32 s26;
	s8 =	simm.s32 $0xE2F0;
	v7 =	vld [tilespmem:s26+$0xFFFFFFF0]  }
.LBB2_11:
0x2ff: {  	v11 =	vld [tilespmem:s8+$0x1770];
	v3 =	vadd.f32 v3, v10;
	v12 =	vadd.f32 v5, v9  }
0x300: {  	v9 =	vld [tilespmem:s8+$0x1F40]  }
0x301: {  	v10 =	vld [tilespmem:s8+$0x1760];
	v3 =	vadd.f32 v4, v3;
	v4 =	vadd.f32 v6, v12  }
0x302: {  	v6 =	vld [tilespmem:s8+$0xFA0];
	v5 =	vpop (erf)  }
0x303: {  	v12 =	vld [tilespmem:s8+$0xF90];
	v3 =	vmul.f32 v3, v5;
	v4 =	vadd.f32 v8, v4  }
0x304: {  	v5 =	vld [tilespmem:s8+$0x7D0];
	v8 =	vpop (erf)  }
0x305: {  	v13 =	vld [tilespmem:s8+$0x7C0];
	v3 =	vsub.f32 v7, v3;
	v4 =	vmul.f32 v4, v8  }
0x306: {  	v7 =	vld [tilespmem:s8+$0x0]  }
0x307: {  	v8 =	vld [tilespmem:s8+$0xFFFFFFF0];
	v3 =	vmul.f32 v3, v3;
	v2 =	vsub.f32 v2, v4  }
0x308: {  	v4 =	vld [tilespmem:s8+$0xFFFFF820]  }
0x309: {  	v14 =	vld [tilespmem:s8+$0xFFFFE0B0];
	v1 =	vadd.f32 v3, v1;
	v2 =	vmul.f32 v2, v2  }
0x30a: {  	v3 =	vld [tilespmem:s8+$0xFFFFE880]  }
0x30b: {  	v15 =	vld [tilespmem:s8+$0xFFFFE0C0];
	v1 =	vadd.f32 v2, v1  }
0x30c: {  	v2 =	vld [tilespmem:s8+$0xFFFFF050]  }
0x30d: {  	s14 =	sadd.s32 $0x20, s14;
	v16 =	vld [tilespmem:s8+$0xFFFFE890]  }
0x30e: {  	s15 =	sand.u32 $0x7E0, s14;
	p1 =	slt.u32 s14, $0x7A0;
	v17 =	vld [tilespmem:s8+$0xFFFFF060]  }
0x30f: {  	v18 =	vld [tilespmem:s15+$0x10200]  }
0x310: {  	v19 =	vld [tilespmem:s15+$0xDB00]  }
0x311: {  	v14 =	vld.idx.msk [tilespmem:v14+s1+$0x0], $0xffff  }
0x312: {  	v3 =	vld.idx.msk [tilespmem:v3+s1+$0x0], $0xffff  }
0x313: {  	v15 =	vld.idx.msk [tilespmem:v15+s1+$0x0], $0xffff  }
0x314: {  	v2 =	vld.idx.msk [tilespmem:v2+s1+$0x0], $0xffff  }
0x315: {  	v16 =	vld.idx.msk [tilespmem:v16+s1+$0x0], $0xffff  }
0x316: {  	v4 =	vld.idx.msk [tilespmem:v4+s1+$0x0], $0xffff  }
0x317: {  	v14 =	vadd.f32 $0.0e+00, v14;
	v17 =	vld.idx.msk [tilespmem:v17+s1+$0x0], $0xffff  }
0x318: {  	v19 =	vld.idx.msk [tilespmem:v19+s1+$0x0], $0xffff  }
0x319: {  	v3 =	vadd.f32 v3, v14;
	v14 =	vadd.f32 $0.0e+00, v15;
	v8 =	vld.idx.msk [tilespmem:v8+s1+$0x0], $0xffff  }
0x31a: {  	v13 =	vld.idx.msk [tilespmem:v13+s1+$0x0], $0xffff  }
0x31b: {  	v15 =	vcvt.s32.f32 v18;
	v2 =	vadd.f32 v2, v3;
	v14 =	vadd.f32 v16, v14;
	v7 =	vld.idx.msk [tilespmem:v7+s1+$0x0], $0xffff  }
0x31c: {  	v9 =	vcvt.s32.f32 v9;
	v3 =	vld.idx.msk [tilespmem:v12+s1+$0x0], $0xffff  }
0x31d: {  	v2 =	vadd.f32 v4, v2;
	v12 =	vadd.f32 v17, v14;
	v5 =	vld.idx.msk [tilespmem:v5+s1+$0x0], $0xffff;
	(erf) = vrcp.f32 v15  }
.Ltmp7:
0x31e: {  	v4 =	vld.idx.msk [tilespmem:v10+s1+$0x0], $0xffff;
	(pc) =	sbr.rel @p1 .LBB2_11-.Ltmp7, $4  }
0x31f: {  	s22 =	sadd.s32 $0x20, s22;
	v8 =	vadd.f32 v8, v2;
	v12 =	vadd.f32 v19, v12;
	v6 =	vld.idx.msk [tilespmem:v6+s1+$0x0], $0xffff;
	(erf) = vrcp.f32 v9  }
0x320: {  	v2 =	vld [tilespmem:s22+$0x0]  }
0x321: {  	v10 =	vadd.f32 v13, v8;
	v9 =	vadd.f32 v7, v12;
	v8 =	vld.idx.msk [tilespmem:v11+s1+$0x0], $0xffff  }
0x322: {  	s8 =	sadd.s32 $0x20, s8;
	v7 =	vld [tilespmem:s22+$0xFFFFFFF0]  }
.Ltmp8:
0x323: {  	_ = 	snop;
	(pc) =	sbr.rel .LBB2_12-.Ltmp8, $1  }
0x324: {  	_ =	sdelay $0x3  }
.LBB2_14:
0x325: {  	_ =	sfence.sel $0x180000  }
0x326: {  	[bflag:$0x0] =	sbarrier.arrive $0xFFFF  }
0x327: {  	_ =	strace $0x90000047  }
0x328: {  	s0 =	stileid.u32;
	[bflag:$0x2] =	sbarrier.arrive $0xFFFF  }
0x329: {  	p0 =	sne.s32 s0, $0x0;
	s0 =	rddreg [dreg:$0x1]  }
0x32a: {  	s0 =	sadd.s32 @!p0 $0x100000, s0  }
0x32b: {  	[sflag:s0] =	ssyncadd.tile.s32 @!p0 $0x1;
	_ =	shalt  }
.Lfunc_end2:
_tile_overlayer_lowered:
.L_overlay_start_2:
0x32c: {  	(tag) =	ssettag $0x2  }
0x32d: {  	s0 =	rddreg [dreg:$0x0];
	s2 =	stileid.u32  }
0x32e: {  	s1 =	rddreg [dreg:$0x1];
	p0 =	sne.s32 s2, $0x0  }
0x32f: {  	s3 =	rddreg [dreg:$0x2];
	[bflag:$0x3] =	sbarrier.arrive $0xFFFF;
	s2 =	simm.s32 @!p0 $0x1C03  }
0x330: {  	[timem:s3], [sflag:s2] =	dma.local @!p0 [hbm:s0], s1  }
0x331: {  	s0 =	simm.s32 @!p0 $0x3  }
0x332: {  	_ =	swait.ge @!p0 [sflag:s0], s1  }
0x333: {  	s1 =	ssub.s32 @!p0 $0x0, s1;
	[sflag:s0] =	ssyncset.done @!p0 $0x0  }
0x334: {  	[sflag:s0] =	ssyncadd.s32 @!p0 s1  }
0x335: {  	[bflag:$0x3] =	sbarrier.arrive $0xFFFF  }
0x336: {  	_ =	shalt  }

</sc_bundles>
